<compile_context>
chip_gen: v7x
topology: tpu7x:2x2x1
jax: 0.10.2.dev20260603
libtpu: 0.0.44.dev20260713+nightly
codegen_flags: <defaults>
</compile_context>

<pallas_src>
import functools

import jax
import jax.numpy as jnp
from jax import lax
from jax.experimental import pallas as pl
from jax.experimental.pallas import tpu as pltpu
from jax.experimental.pallas import tpu_sc as plsc

B = 4096
L = 200
H = 64
VOC = 1000000
NC = 2
NS = 16
NW = NC * NS
BPW = B // NW
LANES = 16
NBUF = 4
LEG = 128

VBLK = 128
NBLK_MAIN = 244
V_MAIN = NBLK_MAIN * NW * VBLK

_PICK_DNUMS = lax.GatherDimensionNumbers(
    offset_dims=(), collapsed_slice_dims=(0,), start_index_map=(0,)
)


def _bcast_lane(vec, lane_idx):
    return lax.gather(
        vec,
        lane_idx[:, None],
        _PICK_DNUMS,
        (1,),
        mode=lax.GatherScatterMode.PROMISE_IN_BOUNDS,
    )


def _mesh():
    return plsc.VectorSubcoreMesh(
        core_axis_name="c", subcore_axis_name="s", num_cores=NC, num_subcores=NS
    )


NBLK = (VOC + 2 * H - 1) // (2 * H)
VOCP = NBLK * 2 * H


GRP = 13


def _tc_repack_body(x_ref, o_ref):
    x = x_ref[...]
    eye = jnp.eye(H, dtype=jnp.float32)
    xt = jax.lax.dot_general(
        x, eye, (((0,), (0,)), ((), ())), preferred_element_type=jnp.float32
    )
    for g in range(GRP):
        o_ref[pl.ds(H * g, H), 0:H] = xt[2 * H * g : 2 * H * g + H, :]
        o_ref[pl.ds(H * g, H), H : 2 * H] = xt[2 * H * g + H : 2 * H * (g + 1), :]


_tc_repack = pl.pallas_call(
    _tc_repack_body,
    grid=(NBLK // GRP,),
    in_specs=[pl.BlockSpec((H, GRP * 2 * H), lambda i: (0, i))],
    out_specs=pl.BlockSpec((GRP * H, 2 * H), lambda i: (i, 0)),
    out_shape=jax.ShapeDtypeStruct((VOCP // 2, 2 * H), jnp.float32),
)


@functools.partial(
    pl.kernel,
    out_type=jax.ShapeDtypeStruct((B, L), jnp.float32),
    mesh=_mesh(),
    compiler_params=pltpu.CompilerParams(
        needs_layout_passes=False, use_tc_tiling_on_sc=False
    ),
    scratch_types=[
        pltpu.VMEM((BPW, H), jnp.float32),
        pltpu.VMEM((BPW, L), jnp.int32),
        pltpu.VMEM((NBUF, 208), jnp.int32),
        pltpu.VMEM((NBUF, L, H), jnp.float32),
        pltpu.VMEM((NBUF, 208), jnp.float32),
        pltpu.SemaphoreType.DMA,
        pltpu.SemaphoreType.DMA,
    ],
)
def _entity_head(
    hid_hbm, kb_hbm, tab_hbm, out_hbm, hid_v, idx_v, idxs_v, rows_v, outb_v,
    gsem, osem,
):
    wid = lax.axis_index("s") * NC + lax.axis_index("c")
    b0 = wid * BPW
    pltpu.sync_copy(hid_hbm.at[pl.ds(b0, BPW)], hid_v)
    pltpu.sync_copy(kb_hbm.at[pl.ds(b0, BPW)], idx_v)

    def fire_gather(bl, slot):
        for k in range(L // LANES + 1):
            t0 = min(k * LANES, L - LANES)
            v = idx_v[bl, pl.ds(t0, LANES)]
            u = jnp.bitwise_and(v, 127)
            f = v + u - jnp.where(u >= H, 127, 0)
            idxs_v[slot, pl.ds(t0, LANES)] = f
        pltpu.async_copy(
            tab_hbm.at[idxs_v.at[slot, pl.ds(0, LEG)]],
            rows_v.at[slot, pl.ds(0, LEG)],
            gsem,
        )
        pltpu.async_copy(
            tab_hbm.at[idxs_v.at[slot, pl.ds(LEG, L - LEG)]],
            rows_v.at[slot, pl.ds(LEG, L - LEG)],
            gsem,
        )

    for p in range(NBUF):
        fire_gather(p, p)

    def batch_body(bl, carry):
        slot = lax.rem(bl, NBUF)
        pltpu.make_async_copy(
            tab_hbm.at[idxs_v.at[slot, pl.ds(0, LEG)]],
            rows_v.at[slot, pl.ds(0, LEG)],
            gsem,
        ).wait()
        pltpu.make_async_copy(
            tab_hbm.at[idxs_v.at[slot, pl.ds(LEG, L - LEG)]],
            rows_v.at[slot, pl.ds(LEG, L - LEG)],
            gsem,
        ).wait()

        @pl.when(bl >= NBUF)
        def _():
            pltpu.make_async_copy(
                outb_v.at[slot, pl.ds(0, L)], out_hbm.at[b0 + bl - NBUF], osem
            ).wait()

        hv = [hid_v[bl, pl.ds(c * LANES, LANES)] for c in range(H // LANES)]
        lane_iota = lax.iota(jnp.int32, LANES)
        pick15 = jnp.full((LANES,), LANES - 1, jnp.int32)

        def dot16(t):
            prod = rows_v[slot, t, pl.ds(0, LANES)] * hv[0]
            for c in range(1, H // LANES):
                prod = prod + rows_v[slot, t, pl.ds(c * LANES, LANES)] * hv[c]
            csum = plsc.cumsum(prod)
            return _bcast_lane(csum, pick15)

        def blk(t0, n_tok):
            res = jnp.zeros((LANES,), jnp.float32)
            for k in range(n_tok):
                res = jnp.where(lane_iota == k, dot16(t0 + k), res)
            outb_v[slot, pl.ds(t0, LANES)] = res

        def blk_body(i, carry2):
            blk(i * LANES, LANES)
            return carry2

        lax.fori_loop(0, L // LANES, blk_body, 0, unroll=1)
        blk((L // LANES) * LANES, L - (L // LANES) * LANES)

        @pl.when(bl + NBUF < BPW)
        def _():
            fire_gather(bl + NBUF, slot)

        pltpu.async_copy(outb_v.at[slot, pl.ds(0, L)], out_hbm.at[b0 + bl], osem)
        return carry

    lax.fori_loop(0, BPW, batch_body, 0, unroll=1)

    for p in range(NBUF):
        bl = BPW - NBUF + p
        pltpu.make_async_copy(
            outb_v.at[lax.rem(jnp.int32(bl), NBUF), pl.ds(0, L)],
            out_hbm.at[b0 + bl],
            osem,
        ).wait()


def kernel(hidden_state, kb_arr, global_pointer, emb_table):
    del global_pointer
    kb = kb_arr.astype(jnp.int32)
    rep = _tc_repack(emb_table.T)
    rep_rows = rep.reshape(VOCP, H)
    return _entity_head(hidden_state, kb, rep_rows)

# --- scband reference (transcript-rebuilt; emitter-appended) ---
"""Pipeline reference for scband-entity-prediction-head-43447889167010 (READ-ONLY COPY).

The authoritative reference and input builder live on the scoring server;
editing this copy changes nothing except your own understanding.
"""

import jax, jax.numpy as jnp
import numpy as np

B = 4096
L = 200
H = 64
VOCAB = 1000000


def setup_inputs(seed: int = 0) -> dict:
    key = jax.random.key(seed)
    k1, k2, k3, k4 = jax.random.split(key, 4)
    hidden_state = jax.random.normal(k1, (B, H), dtype=jnp.float32)
    kb_arr = jax.random.randint(k2, (B, L), 0, VOCAB, dtype=jnp.int64)
    global_pointer = jax.random.uniform(k3, (B, L), dtype=jnp.float32)
    emb_table = jax.random.normal(k4, (VOCAB, H), dtype=jnp.float32) * 0.02
    return {"hidden_state": hidden_state, "kb_arr": kb_arr, "global_pointer": global_pointer, "emb_table": emb_table}


def reference(hidden_state, kb_arr, global_pointer, emb_table):
    # kb_emb = self.embeddings(kb_arr)  -> gather from embedding table
    kb_emb = jnp.take(emb_table, kb_arr, axis=0)  # [B, L, H]
    # u_temp = hidden_state.unsqueeze(1).expand_as(kb_emb)
    u_temp = jnp.broadcast_to(hidden_state[:, None, :], kb_emb.shape)
    # prob_logits = torch.sum(kb_emb * u_temp, dim=2)
    prob_logits = jnp.sum(kb_emb * u_temp, axis=2)  # [B, L]
    return prob_logits

if __name__ == "__main__":
    import jax
    _d = setup_inputs()
    print(jax.jit(kernel)(*tuple(_d.values())))

</pallas_src>

<mosaic_0001>
#map = affine_map<(d0, d1) -> (0, 0)>
module attributes {stable_mosaic.version = 14 : i64} {
  func.func @_entity_head(%arg0: i32, %arg1: i32, %arg2: memref<4096x64xf32, #tpu.memory_space<hbm>>, %arg3: memref<4096x200xi32, #tpu.memory_space<hbm>>, %arg4: memref<1000064x64xf32, #tpu.memory_space<hbm>>, %arg5: memref<4096x200xf32, #tpu.memory_space<hbm>>, %arg6: memref<128x64xf32, #tpu.memory_space<vmem>>, %arg7: memref<128x200xi32, #tpu.memory_space<vmem>>, %arg8: memref<4x208xi32, #tpu.memory_space<vmem>>, %arg9: memref<4x200x64xf32, #tpu.memory_space<vmem>>, %arg10: memref<4x208xf32, #tpu.memory_space<vmem>>, %arg11: memref<!tpu.dma_semaphore, #tpu.memory_space<semaphore_mem>>, %arg12: memref<!tpu.dma_semaphore, #tpu.memory_space<semaphore_mem>>) attributes {dimension_semantics = [#tpu.dimension_semantics<core_parallel>, #tpu.dimension_semantics<subcore_parallel>], iteration_bounds = array<i64: 2, 16>, scalar_prefetch = 0 : i64, scratch_operands = 7 : i64, tpu.core_type = #tpu.core_type<sc_vector_subcore>, window_params = [{transform_indices = #map}, {transform_indices = #map}, {transform_indices = #map}, {transform_indices = #map}]} {
    %mul3A = arith.constant 2 : i32
    %mul3A_0 = arith.muli %arg1, %mul3A : i32
    %add3A = arith.addi %mul3A_0, %arg0 : i32
    %mul3A_1 = arith.constant 128 : i32
    %mul3A_2 = arith.muli %add3A, %mul3A_1 : i32
    "tpu.region"() ({
      %run_scoped3A = tpu.sem_alloc : memref<!tpu.dma_semaphore, #tpu.memory_space<semaphore_mem>>
      %dma_start3A_1253 = arith.constant 0 : i32
      %dma_start3A_1254 = tpu.memref_slice %arg2[%mul3A_2, %dma_start3A_1253] : memref<4096x64xf32, #tpu.memory_space<hbm>> -> memref<128x64xf32, #tpu.memory_space<hbm>>
      %dma_start3A_1255 = arith.constant 0 : i32
      %dma_start3A_1256 = tpu.memref_slice %arg2[%mul3A_2, %dma_start3A_1255] : memref<4096x64xf32, #tpu.memory_space<hbm>> -> memref<128x64xf32, #tpu.memory_space<hbm>>
      tpu.enqueue_dma source(%dma_start3A_1256 : memref<128x64xf32, #tpu.memory_space<hbm>>) target(%arg6 : memref<128x64xf32, #tpu.memory_space<vmem>>) target_semaphore(%run_scoped3A : memref<!tpu.dma_semaphore, #tpu.memory_space<semaphore_mem>>)
      %dma_wait3A_1257 = arith.constant 0 : i32
      %dma_wait3A_1258 = tpu.memref_slice %arg2[%mul3A_2, %dma_wait3A_1257] : memref<4096x64xf32, #tpu.memory_space<hbm>> -> memref<128x64xf32, #tpu.memory_space<hbm>>
      %dma_wait3A_1259 = arith.constant 0 : i32
      %dma_wait3A_1260 = tpu.memref_slice %arg2[%mul3A_2, %dma_wait3A_1259] : memref<4096x64xf32, #tpu.memory_space<hbm>> -> memref<128x64xf32, #tpu.memory_space<hbm>>
      tpu.wait_dma2 semaphore(%run_scoped3A : memref<!tpu.dma_semaphore, #tpu.memory_space<semaphore_mem>>) src(%dma_wait3A_1260 : memref<128x64xf32, #tpu.memory_space<hbm>>) dst(%arg6 : memref<128x64xf32, #tpu.memory_space<vmem>>)
      tpu.yield
    }) : () -> ()
    "tpu.region"() ({
      %run_scoped3A = tpu.sem_alloc : memref<!tpu.dma_semaphore, #tpu.memory_space<semaphore_mem>>
      %dma_start3A_1253 = arith.constant 0 : i32
      %dma_start3A_1254 = tpu.memref_slice %arg3[%mul3A_2, %dma_start3A_1253] : memref<4096x200xi32, #tpu.memory_space<hbm>> -> memref<128x200xi32, #tpu.memory_space<hbm>>
      %dma_start3A_1255 = arith.constant 0 : i32
      %dma_start3A_1256 = tpu.memref_slice %arg3[%mul3A_2, %dma_start3A_1255] : memref<4096x200xi32, #tpu.memory_space<hbm>> -> memref<128x200xi32, #tpu.memory_space<hbm>>
      tpu.enqueue_dma source(%dma_start3A_1256 : memref<128x200xi32, #tpu.memory_space<hbm>>) target(%arg7 : memref<128x200xi32, #tpu.memory_space<vmem>>) target_semaphore(%run_scoped3A : memref<!tpu.dma_semaphore, #tpu.memory_space<semaphore_mem>>)
      %dma_wait3A_1257 = arith.constant 0 : i32
      %dma_wait3A_1258 = tpu.memref_slice %arg3[%mul3A_2, %dma_wait3A_1257] : memref<4096x200xi32, #tpu.memory_space<hbm>> -> memref<128x200xi32, #tpu.memory_space<hbm>>
      %dma_wait3A_1259 = arith.constant 0 : i32
      %dma_wait3A_1260 = tpu.memref_slice %arg3[%mul3A_2, %dma_wait3A_1259] : memref<4096x200xi32, #tpu.memory_space<hbm>> -> memref<128x200xi32, #tpu.memory_space<hbm>>
      tpu.wait_dma2 semaphore(%run_scoped3A : memref<!tpu.dma_semaphore, #tpu.memory_space<semaphore_mem>>) src(%dma_wait3A_1260 : memref<128x200xi32, #tpu.memory_space<hbm>>) dst(%arg7 : memref<128x200xi32, #tpu.memory_space<vmem>>)
      tpu.yield
    }) : () -> ()
    %get3A = arith.constant 0 : i32
    %get3A_3 = arith.index_cast %get3A : i32 to index
    %get3A_4 = arith.constant 0 : index
    %get3A_5 = tpu.vector_load %arg7[%get3A_3, %get3A_4] {strides = array<i32>} : memref<128x200xi32, #tpu.memory_space<vmem>>, vector<16xi32>,
    %and3A = arith.constant 127 : i32
    %and3A_6 = vector.broadcast %and3A : i32 to vector<16xi32>
    %and3A_7 = arith.andi %get3A_5, %and3A_6 : vector<16xi32>
    %add3A_8 = arith.addi %get3A_5, %and3A_7 : vector<16xi32>
    %ge3A = arith.constant 64 : i32
    %ge3A_9 = vector.broadcast %ge3A : i32 to vector<16xi32>
    %ge3A_10 = arith.cmpi sge, %and3A_7, %ge3A_9 : vector<16xi32>
    %jit3A = arith.constant 127 : i32
    %jit3A_11 = arith.constant 0 : i32
    %broadcast_in_dim3A = vector.broadcast %jit3A : i32 to vector<16xi32>
    %broadcast_in_dim3A_12 = vector.broadcast %jit3A_11 : i32 to vector<16xi32>
    %select_n3A = arith.select %ge3A_10, %broadcast_in_dim3A, %broadcast_in_dim3A_12 : vector<16xi1>, vector<16xi32>
    %sub3A = arith.subi %add3A_8, %select_n3A : vector<16xi32>
    %swap3A = arith.constant 0 : i32
    %swap3A_13 = arith.index_cast %swap3A : i32 to index
    %swap3A_14 = arith.constant 0 : index
    %swap3A_15 = tpu.vector_load %arg8[%swap3A_13, %swap3A_14] {strides = array<i32>} : memref<4x208xi32, #tpu.memory_space<vmem>>, vector<16xi32>,
    tpu.vector_store %arg8[%swap3A_13, %swap3A_14], %sub3A {strides = array<i32>} : memref<4x208xi32, #tpu.memory_space<vmem>>, vector<16xi32>,
    %get3A_16 = arith.constant 0 : i32
    %get3A_17 = arith.index_cast %get3A_16 : i32 to index
    %get3A_18 = arith.constant 16 : index
    %get3A_19 = tpu.vector_load %arg7[%get3A_17, %get3A_18] {strides = array<i32>} : memref<128x200xi32, #tpu.memory_space<vmem>>, vector<16xi32>,
    %and3A_20 = arith.constant 127 : i32
    %and3A_21 = vector.broadcast %and3A_20 : i32 to vector<16xi32>
    %and3A_22 = arith.andi %get3A_19, %and3A_21 : vector<16xi32>
    %add3A_23 = arith.addi %get3A_19, %and3A_22 : vector<16xi32>
    %ge3A_24 = arith.constant 64 : i32
    %ge3A_25 = vector.broadcast %ge3A_24 : i32 to vector<16xi32>
    %ge3A_26 = arith.cmpi sge, %and3A_22, %ge3A_25 : vector<16xi32>
    %jit3A_27 = arith.constant 127 : i32
    %jit3A_28 = arith.constant 0 : i32
    %broadcast_in_dim3A_29 = vector.broadcast %jit3A_27 : i32 to vector<16xi32>
    %broadcast_in_dim3A_30 = vector.broadcast %jit3A_28 : i32 to vector<16xi32>
    %select_n3A_31 = arith.select %ge3A_26, %broadcast_in_dim3A_29, %broadcast_in_dim3A_30 : vector<16xi1>, vector<16xi32>
    %sub3A_32 = arith.subi %add3A_23, %select_n3A_31 : vector<16xi32>
    %swap3A_33 = arith.constant 0 : i32
    %swap3A_34 = arith.index_cast %swap3A_33 : i32 to index
    %swap3A_35 = arith.constant 16 : index
    %swap3A_36 = tpu.vector_load %arg8[%swap3A_34, %swap3A_35] {strides = array<i32>} : memref<4x208xi32, #tpu.memory_space<vmem>>, vector<16xi32>,
    tpu.vector_store %arg8[%swap3A_34, %swap3A_35], %sub3A_32 {strides = array<i32>} : memref<4x208xi32, #tpu.memory_space<vmem>>, vector<16xi32>,
    %get3A_37 = arith.constant 0 : i32
    %get3A_38 = arith.index_cast %get3A_37 : i32 to index
    %get3A_39 = arith.constant 32 : index
    %get3A_40 = tpu.vector_load %arg7[%get3A_38, %get3A_39] {strides = array<i32>} : memref<128x200xi32, #tpu.memory_space<vmem>>, vector<16xi32>,
    %and3A_41 = arith.constant 127 : i32
    %and3A_42 = vector.broadcast %and3A_41 : i32 to vector<16xi32>
    %and3A_43 = arith.andi %get3A_40, %and3A_42 : vector<16xi32>
    %add3A_44 = arith.addi %get3A_40, %and3A_43 : vector<16xi32>
    %ge3A_45 = arith.constant 64 : i32
    %ge3A_46 = vector.broadcast %ge3A_45 : i32 to vector<16xi32>
    %ge3A_47 = arith.cmpi sge, %and3A_43, %ge3A_46 : vector<16xi32>
    %jit3A_48 = arith.constant 127 : i32
    %jit3A_49 = arith.constant 0 : i32
    %broadcast_in_dim3A_50 = vector.broadcast %jit3A_48 : i32 to vector<16xi32>
    %broadcast_in_dim3A_51 = vector.broadcast %jit3A_49 : i32 to vector<16xi32>
    %select_n3A_52 = arith.select %ge3A_47, %broadcast_in_dim3A_50, %broadcast_in_dim3A_51 : vector<16xi1>, vector<16xi32>
    %sub3A_53 = arith.subi %add3A_44, %select_n3A_52 : vector<16xi32>
    %swap3A_54 = arith.constant 0 : i32
    %swap3A_55 = arith.index_cast %swap3A_54 : i32 to index
    %swap3A_56 = arith.constant 32 : index
    %swap3A_57 = tpu.vector_load %arg8[%swap3A_55, %swap3A_56] {strides = array<i32>} : memref<4x208xi32, #tpu.memory_space<vmem>>, vector<16xi32>,
    tpu.vector_store %arg8[%swap3A_55, %swap3A_56], %sub3A_53 {strides = array<i32>} : memref<4x208xi32, #tpu.memory_space<vmem>>, vector<16xi32>,
    %get3A_58 = arith.constant 0 : i32
    %get3A_59 = arith.index_cast %get3A_58 : i32 to index
    %get3A_60 = arith.constant 48 : index
    %get3A_61 = tpu.vector_load %arg7[%get3A_59, %get3A_60] {strides = array<i32>} : memref<128x200xi32, #tpu.memory_space<vmem>>, vector<16xi32>,
    %and3A_62 = arith.constant 127 : i32
    %and3A_63 = vector.broadcast %and3A_62 : i32 to vector<16xi32>
    %and3A_64 = arith.andi %get3A_61, %and3A_63 : vector<16xi32>
    %add3A_65 = arith.addi %get3A_61, %and3A_64 : vector<16xi32>
    %ge3A_66 = arith.constant 64 : i32
    %ge3A_67 = vector.broadcast %ge3A_66 : i32 to vector<16xi32>
    %ge3A_68 = arith.cmpi sge, %and3A_64, %ge3A_67 : vector<16xi32>
    %jit3A_69 = arith.constant 127 : i32
    %jit3A_70 = arith.constant 0 : i32
    %broadcast_in_dim3A_71 = vector.broadcast %jit3A_69 : i32 to vector<16xi32>
    %broadcast_in_dim3A_72 = vector.broadcast %jit3A_70 : i32 to vector<16xi32>
    %select_n3A_73 = arith.select %ge3A_68, %broadcast_in_dim3A_71, %broadcast_in_dim3A_72 : vector<16xi1>, vector<16xi32>
    %sub3A_74 = arith.subi %add3A_65, %select_n3A_73 : vector<16xi32>
    %swap3A_75 = arith.constant 0 : i32
    %swap3A_76 = arith.index_cast %swap3A_75 : i32 to index
    %swap3A_77 = arith.constant 48 : index
    %swap3A_78 = tpu.vector_load %arg8[%swap3A_76, %swap3A_77] {strides = array<i32>} : memref<4x208xi32, #tpu.memory_space<vmem>>, vector<16xi32>,
    tpu.vector_store %arg8[%swap3A_76, %swap3A_77], %sub3A_74 {strides = array<i32>} : memref<4x208xi32, #tpu.memory_space<vmem>>, vector<16xi32>,
    %get3A_79 = arith.constant 0 : i32
    %get3A_80 = arith.index_cast %get3A_79 : i32 to index
    %get3A_81 = arith.constant 64 : index
    %get3A_82 = tpu.vector_load %arg7[%get3A_80, %get3A_81] {strides = array<i32>} : memref<128x200xi32, #tpu.memory_space<vmem>>, vector<16xi32>,
    %and3A_83 = arith.constant 127 : i32
    %and3A_84 = vector.broadcast %and3A_83 : i32 to vector<16xi32>
    %and3A_85 = arith.andi %get3A_82, %and3A_84 : vector<16xi32>
    %add3A_86 = arith.addi %get3A_82, %and3A_85 : vector<16xi32>
    %ge3A_87 = arith.constant 64 : i32
    %ge3A_88 = vector.broadcast %ge3A_87 : i32 to vector<16xi32>
    %ge3A_89 = arith.cmpi sge, %and3A_85, %ge3A_88 : vector<16xi32>
    %jit3A_90 = arith.constant 127 : i32
    %jit3A_91 = arith.constant 0 : i32
    %broadcast_in_dim3A_92 = vector.broadcast %jit3A_90 : i32 to vector<16xi32>
    %broadcast_in_dim3A_93 = vector.broadcast %jit3A_91 : i32 to vector<16xi32>
    %select_n3A_94 = arith.select %ge3A_89, %broadcast_in_dim3A_92, %broadcast_in_dim3A_93 : vector<16xi1>, vector<16xi32>
    %sub3A_95 = arith.subi %add3A_86, %select_n3A_94 : vector<16xi32>
    %swap3A_96 = arith.constant 0 : i32
    %swap3A_97 = arith.index_cast %swap3A_96 : i32 to index
    %swap3A_98 = arith.constant 64 : index
    %swap3A_99 = tpu.vector_load %arg8[%swap3A_97, %swap3A_98] {strides = array<i32>} : memref<4x208xi32, #tpu.memory_space<vmem>>, vector<16xi32>,
    tpu.vector_store %arg8[%swap3A_97, %swap3A_98], %sub3A_95 {strides = array<i32>} : memref<4x208xi32, #tpu.memory_space<vmem>>, vector<16xi32>,
    %get3A_100 = arith.constant 0 : i32
    %get3A_101 = arith.index_cast %get3A_100 : i32 to index
    %get3A_102 = arith.constant 80 : index
    %get3A_103 = tpu.vector_load %arg7[%get3A_101, %get3A_102] {strides = array<i32>} : memref<128x200xi32, #tpu.memory_space<vmem>>, vector<16xi32>,
    %and3A_104 = arith.constant 127 : i32
    %and3A_105 = vector.broadcast %and3A_104 : i32 to vector<16xi32>
    %and3A_106 = arith.andi %get3A_103, %and3A_105 : vector<16xi32>
    %add3A_107 = arith.addi %get3A_103, %and3A_106 : vector<16xi32>
    %ge3A_108 = arith.constant 64 : i32
    %ge3A_109 = vector.broadcast %ge3A_108 : i32 to vector<16xi32>
    %ge3A_110 = arith.cmpi sge, %and3A_106, %ge3A_109 : vector<16xi32>
    %jit3A_111 = arith.constant 127 : i32
    %jit3A_112 = arith.constant 0 : i32
    %broadcast_in_dim3A_113 = vector.broadcast %jit3A_111 : i32 to vector<16xi32>
    %broadcast_in_dim3A_114 = vector.broadcast %jit3A_112 : i32 to vector<16xi32>
    %select_n3A_115 = arith.select %ge3A_110, %broadcast_in_dim3A_113, %broadcast_in_dim3A_114 : vector<16xi1>, vector<16xi32>
    %sub3A_116 = arith.subi %add3A_107, %select_n3A_115 : vector<16xi32>
    %swap3A_117 = arith.constant 0 : i32
    %swap3A_118 = arith.index_cast %swap3A_117 : i32 to index
    %swap3A_119 = arith.constant 80 : index
    %swap3A_120 = tpu.vector_load %arg8[%swap3A_118, %swap3A_119] {strides = array<i32>} : memref<4x208xi32, #tpu.memory_space<vmem>>, vector<16xi32>,
    tpu.vector_store %arg8[%swap3A_118, %swap3A_119], %sub3A_116 {strides = array<i32>} : memref<4x208xi32, #tpu.memory_space<vmem>>, vector<16xi32>,
    %get3A_121 = arith.constant 0 : i32
    %get3A_122 = arith.index_cast %get3A_121 : i32 to index
    %get3A_123 = arith.constant 96 : index
    %get3A_124 = tpu.vector_load %arg7[%get3A_122, %get3A_123] {strides = array<i32>} : memref<128x200xi32, #tpu.memory_space<vmem>>, vector<16xi32>,
    %and3A_125 = arith.constant 127 : i32
    %and3A_126 = vector.broadcast %and3A_125 : i32 to vector<16xi32>
    %and3A_127 = arith.andi %get3A_124, %and3A_126 : vector<16xi32>
    %add3A_128 = arith.addi %get3A_124, %and3A_127 : vector<16xi32>
    %ge3A_129 = arith.constant 64 : i32
    %ge3A_130 = vector.broadcast %ge3A_129 : i32 to vector<16xi32>
    %ge3A_131 = arith.cmpi sge, %and3A_127, %ge3A_130 : vector<16xi32>
    %jit3A_132 = arith.constant 127 : i32
    %jit3A_133 = arith.constant 0 : i32
    %broadcast_in_dim3A_134 = vector.broadcast %jit3A_132 : i32 to vector<16xi32>
    %broadcast_in_dim3A_135 = vector.broadcast %jit3A_133 : i32 to vector<16xi32>
    %select_n3A_136 = arith.select %ge3A_131, %broadcast_in_dim3A_134, %broadcast_in_dim3A_135 : vector<16xi1>, vector<16xi32>
    %sub3A_137 = arith.subi %add3A_128, %select_n3A_136 : vector<16xi32>
    %swap3A_138 = arith.constant 0 : i32
    %swap3A_139 = arith.index_cast %swap3A_138 : i32 to index
    %swap3A_140 = arith.constant 96 : index
    %swap3A_141 = tpu.vector_load %arg8[%swap3A_139, %swap3A_140] {strides = array<i32>} : memref<4x208xi32, #tpu.memory_space<vmem>>, vector<16xi32>,
    tpu.vector_store %arg8[%swap3A_139, %swap3A_140], %sub3A_137 {strides = array<i32>} : memref<4x208xi32, #tpu.memory_space<vmem>>, vector<16xi32>,
    %get3A_142 = arith.constant 0 : i32
    %get3A_143 = arith.index_cast %get3A_142 : i32 to index
    %get3A_144 = arith.constant 112 : index
    %get3A_145 = tpu.vector_load %arg7[%get3A_143, %get3A_144] {strides = array<i32>} : memref<128x200xi32, #tpu.memory_space<vmem>>, vector<16xi32>,
    %and3A_146 = arith.constant 127 : i32
    %and3A_147 = vector.broadcast %and3A_146 : i32 to vector<16xi32>
    %and3A_148 = arith.andi %get3A_145, %and3A_147 : vector<16xi32>
    %add3A_149 = arith.addi %get3A_145, %and3A_148 : vector<16xi32>
    %ge3A_150 = arith.constant 64 : i32
    %ge3A_151 = vector.broadcast %ge3A_150 : i32 to vector<16xi32>
    %ge3A_152 = arith.cmpi sge, %and3A_148, %ge3A_151 : vector<16xi32>
    %jit3A_153 = arith.constant 127 : i32
    %jit3A_154 = arith.constant 0 : i32
    %broadcast_in_dim3A_155 = vector.broadcast %jit3A_153 : i32 to vector<16xi32>
    %broadcast_in_dim3A_156 = vector.broadcast %jit3A_154 : i32 to vector<16xi32>
    %select_n3A_157 = arith.select %ge3A_152, %broadcast_in_dim3A_155, %broadcast_in_dim3A_156 : vector<16xi1>, vector<16xi32>
    %sub3A_158 = arith.subi %add3A_149, %select_n3A_157 : vector<16xi32>
    %swap3A_159 = arith.constant 0 : i32
    %swap3A_160 = arith.index_cast %swap3A_159 : i32 to index
    %swap3A_161 = arith.constant 112 : index
    %swap3A_162 = tpu.vector_load %arg8[%swap3A_160, %swap3A_161] {strides = array<i32>} : memref<4x208xi32, #tpu.memory_space<vmem>>, vector<16xi32>,
    tpu.vector_store %arg8[%swap3A_160, %swap3A_161], %sub3A_158 {strides = array<i32>} : memref<4x208xi32, #tpu.memory_space<vmem>>, vector<16xi32>,
    %get3A_163 = arith.constant 0 : i32
    %get3A_164 = arith.index_cast %get3A_163 : i32 to index
    %get3A_165 = arith.constant 128 : index
    %get3A_166 = tpu.vector_load %arg7[%get3A_164, %get3A_165] {strides = array<i32>} : memref<128x200xi32, #tpu.memory_space<vmem>>, vector<16xi32>,
    %and3A_167 = arith.constant 127 : i32
    %and3A_168 = vector.broadcast %and3A_167 : i32 to vector<16xi32>
    %and3A_169 = arith.andi %get3A_166, %and3A_168 : vector<16xi32>
    %add3A_170 = arith.addi %get3A_166, %and3A_169 : vector<16xi32>
    %ge3A_171 = arith.constant 64 : i32
    %ge3A_172 = vector.broadcast %ge3A_171 : i32 to vector<16xi32>
    %ge3A_173 = arith.cmpi sge, %and3A_169, %ge3A_172 : vector<16xi32>
    %jit3A_174 = arith.constant 127 : i32
    %jit3A_175 = arith.constant 0 : i32
    %broadcast_in_dim3A_176 = vector.broadcast %jit3A_174 : i32 to vector<16xi32>
    %broadcast_in_dim3A_177 = vector.broadcast %jit3A_175 : i32 to vector<16xi32>
    %select_n3A_178 = arith.select %ge3A_173, %broadcast_in_dim3A_176, %broadcast_in_dim3A_177 : vector<16xi1>, vector<16xi32>
    %sub3A_179 = arith.subi %add3A_170, %select_n3A_178 : vector<16xi32>
    %swap3A_180 = arith.constant 0 : i32
    %swap3A_181 = arith.index_cast %swap3A_180 : i32 to index
    %swap3A_182 = arith.constant 128 : index
    %swap3A_183 = tpu.vector_load %arg8[%swap3A_181, %swap3A_182] {strides = array<i32>} : memref<4x208xi32, #tpu.memory_space<vmem>>, vector<16xi32>,
    tpu.vector_store %arg8[%swap3A_181, %swap3A_182], %sub3A_179 {strides = array<i32>} : memref<4x208xi32, #tpu.memory_space<vmem>>, vector<16xi32>,
    %get3A_184 = arith.constant 0 : i32
    %get3A_185 = arith.index_cast %get3A_184 : i32 to index
    %get3A_186 = arith.constant 144 : index
    %get3A_187 = tpu.vector_load %arg7[%get3A_185, %get3A_186] {strides = array<i32>} : memref<128x200xi32, #tpu.memory_space<vmem>>, vector<16xi32>,
    %and3A_188 = arith.constant 127 : i32
    %and3A_189 = vector.broadcast %and3A_188 : i32 to vector<16xi32>
    %and3A_190 = arith.andi %get3A_187, %and3A_189 : vector<16xi32>
    %add3A_191 = arith.addi %get3A_187, %and3A_190 : vector<16xi32>
    %ge3A_192 = arith.constant 64 : i32
    %ge3A_193 = vector.broadcast %ge3A_192 : i32 to vector<16xi32>
    %ge3A_194 = arith.cmpi sge, %and3A_190, %ge3A_193 : vector<16xi32>
    %jit3A_195 = arith.constant 127 : i32
    %jit3A_196 = arith.constant 0 : i32
    %broadcast_in_dim3A_197 = vector.broadcast %jit3A_195 : i32 to vector<16xi32>
    %broadcast_in_dim3A_198 = vector.broadcast %jit3A_196 : i32 to vector<16xi32>
    %select_n3A_199 = arith.select %ge3A_194, %broadcast_in_dim3A_197, %broadcast_in_dim3A_198 : vector<16xi1>, vector<16xi32>
    %sub3A_200 = arith.subi %add3A_191, %select_n3A_199 : vector<16xi32>
    %swap3A_201 = arith.constant 0 : i32
    %swap3A_202 = arith.index_cast %swap3A_201 : i32 to index
    %swap3A_203 = arith.constant 144 : index
    %swap3A_204 = tpu.vector_load %arg8[%swap3A_202, %swap3A_203] {strides = array<i32>} : memref<4x208xi32, #tpu.memory_space<vmem>>, vector<16xi32>,
    tpu.vector_store %arg8[%swap3A_202, %swap3A_203], %sub3A_200 {strides = array<i32>} : memref<4x208xi32, #tpu.memory_space<vmem>>, vector<16xi32>,
    %get3A_205 = arith.constant 0 : i32
    %get3A_206 = arith.index_cast %get3A_205 : i32 to index
    %get3A_207 = arith.constant 160 : index
    %get3A_208 = tpu.vector_load %arg7[%get3A_206, %get3A_207] {strides = array<i32>} : memref<128x200xi32, #tpu.memory_space<vmem>>, vector<16xi32>,
    %and3A_209 = arith.constant 127 : i32
    %and3A_210 = vector.broadcast %and3A_209 : i32 to vector<16xi32>
    %and3A_211 = arith.andi %get3A_208, %and3A_210 : vector<16xi32>
    %add3A_212 = arith.addi %get3A_208, %and3A_211 : vector<16xi32>
    %ge3A_213 = arith.constant 64 : i32
    %ge3A_214 = vector.broadcast %ge3A_213 : i32 to vector<16xi32>
    %ge3A_215 = arith.cmpi sge, %and3A_211, %ge3A_214 : vector<16xi32>
    %jit3A_216 = arith.constant 127 : i32
    %jit3A_217 = arith.constant 0 : i32
    %broadcast_in_dim3A_218 = vector.broadcast %jit3A_216 : i32 to vector<16xi32>
    %broadcast_in_dim3A_219 = vector.broadcast %jit3A_217 : i32 to vector<16xi32>
    %select_n3A_220 = arith.select %ge3A_215, %broadcast_in_dim3A_218, %broadcast_in_dim3A_219 : vector<16xi1>, vector<16xi32>
    %sub3A_221 = arith.subi %add3A_212, %select_n3A_220 : vector<16xi32>
    %swap3A_222 = arith.constant 0 : i32
    %swap3A_223 = arith.index_cast %swap3A_222 : i32 to index
    %swap3A_224 = arith.constant 160 : index
    %swap3A_225 = tpu.vector_load %arg8[%swap3A_223, %swap3A_224] {strides = array<i32>} : memref<4x208xi32, #tpu.memory_space<vmem>>, vector<16xi32>,
    tpu.vector_store %arg8[%swap3A_223, %swap3A_224], %sub3A_221 {strides = array<i32>} : memref<4x208xi32, #tpu.memory_space<vmem>>, vector<16xi32>,
    %get3A_226 = arith.constant 0 : i32
    %get3A_227 = arith.index_cast %get3A_226 : i32 to index
    %get3A_228 = arith.constant 176 : index
    %get3A_229 = tpu.vector_load %arg7[%get3A_227, %get3A_228] {strides = array<i32>} : memref<128x200xi32, #tpu.memory_space<vmem>>, vector<16xi32>,
    %and3A_230 = arith.constant 127 : i32
    %and3A_231 = vector.broadcast %and3A_230 : i32 to vector<16xi32>
    %and3A_232 = arith.andi %get3A_229, %and3A_231 : vector<16xi32>
    %add3A_233 = arith.addi %get3A_229, %and3A_232 : vector<16xi32>
    %ge3A_234 = arith.constant 64 : i32
    %ge3A_235 = vector.broadcast %ge3A_234 : i32 to vector<16xi32>
    %ge3A_236 = arith.cmpi sge, %and3A_232, %ge3A_235 : vector<16xi32>
    %jit3A_237 = arith.constant 127 : i32
    %jit3A_238 = arith.constant 0 : i32
    %broadcast_in_dim3A_239 = vector.broadcast %jit3A_237 : i32 to vector<16xi32>
    %broadcast_in_dim3A_240 = vector.broadcast %jit3A_238 : i32 to vector<16xi32>
    %select_n3A_241 = arith.select %ge3A_236, %broadcast_in_dim3A_239, %broadcast_in_dim3A_240 : vector<16xi1>, vector<16xi32>
    %sub3A_242 = arith.subi %add3A_233, %select_n3A_241 : vector<16xi32>
    %swap3A_243 = arith.constant 0 : i32
    %swap3A_244 = arith.index_cast %swap3A_243 : i32 to index
    %swap3A_245 = arith.constant 176 : index
    %swap3A_246 = tpu.vector_load %arg8[%swap3A_244, %swap3A_245] {strides = array<i32>} : memref<4x208xi32, #tpu.memory_space<vmem>>, vector<16xi32>,
    tpu.vector_store %arg8[%swap3A_244, %swap3A_245], %sub3A_242 {strides = array<i32>} : memref<4x208xi32, #tpu.memory_space<vmem>>, vector<16xi32>,
    %get3A_247 = arith.constant 0 : i32
    %get3A_248 = arith.index_cast %get3A_247 : i32 to index
    %get3A_249 = arith.constant 184 : index
    %get3A_250 = tpu.vector_load %arg7[%get3A_248, %get3A_249] {strides = array<i32>} : memref<128x200xi32, #tpu.memory_space<vmem>>, vector<16xi32>,
    %and3A_251 = arith.constant 127 : i32
    %and3A_252 = vector.broadcast %and3A_251 : i32 to vector<16xi32>
    %and3A_253 = arith.andi %get3A_250, %and3A_252 : vector<16xi32>
    %add3A_254 = arith.addi %get3A_250, %and3A_253 : vector<16xi32>
    %ge3A_255 = arith.constant 64 : i32
    %ge3A_256 = vector.broadcast %ge3A_255 : i32 to vector<16xi32>
    %ge3A_257 = arith.cmpi sge, %and3A_253, %ge3A_256 : vector<16xi32>
    %jit3A_258 = arith.constant 127 : i32
    %jit3A_259 = arith.constant 0 : i32
    %broadcast_in_dim3A_260 = vector.broadcast %jit3A_258 : i32 to vector<16xi32>
    %broadcast_in_dim3A_261 = vector.broadcast %jit3A_259 : i32 to vector<16xi32>
    %select_n3A_262 = arith.select %ge3A_257, %broadcast_in_dim3A_260, %broadcast_in_dim3A_261 : vector<16xi1>, vector<16xi32>
    %sub3A_263 = arith.subi %add3A_254, %select_n3A_262 : vector<16xi32>
    %swap3A_264 = arith.constant 0 : i32
    %swap3A_265 = arith.index_cast %swap3A_264 : i32 to index
    %swap3A_266 = arith.constant 184 : index
    %swap3A_267 = tpu.vector_load %arg8[%swap3A_265, %swap3A_266] {strides = array<i32>} : memref<4x208xi32, #tpu.memory_space<vmem>>, vector<16xi32>,
    tpu.vector_store %arg8[%swap3A_265, %swap3A_266], %sub3A_263 {strides = array<i32>} : memref<4x208xi32, #tpu.memory_space<vmem>>, vector<16xi32>,
    %dma_start3A = arith.constant 0 : i32
    %dma_start3A_268 = arith.constant 0 : i32
    %dma_start3A_269 = arith.constant 0 : i32
    %dma_start3A_270 = arith.constant 0 : i32
    %dma_start3A_271 = tpu.memref_slice %arg9[%dma_start3A_268, %dma_start3A_269, %dma_start3A_270] : memref<4x200x64xf32, #tpu.memory_space<vmem>> -> memref<1x128x64xf32, #tpu.memory_space<vmem>>
    %dma_start3A_272 = tpu.memref_squeeze %dma_start3A_271 : memref<1x128x64xf32, #tpu.memory_space<vmem>> -> memref<128x64xf32, #tpu.memory_space<vmem>>
    %dma_start3A_273 = arith.constant 0 : i32
    %dma_start3A_274 = tpu.memref_slice %arg8[%dma_start3A, %dma_start3A_273] : memref<4x208xi32, #tpu.memory_space<vmem>> -> memref<1x128xi32, #tpu.memory_space<vmem>>
    %dma_start3A_275 = tpu.memref_squeeze %dma_start3A_274 : memref<1x128xi32, #tpu.memory_space<vmem>> -> memref<128xi32, #tpu.memory_space<vmem>>
    %dma_start3A_276 = arith.constant 0 : i32
    %dma_start3A_277 = arith.constant 0 : i32
    %dma_start3A_278 = tpu.memref_slice %arg4[%dma_start3A_276, %dma_start3A_277] : memref<1000064x64xf32, #tpu.memory_space<hbm>> -> memref<1000064x64xf32, #tpu.memory_space<hbm>>
    tpu.enqueue_indirect_dma source(%dma_start3A_278 : memref<1000064x64xf32, #tpu.memory_space<hbm>>) target(%dma_start3A_272 : memref<128x64xf32, #tpu.memory_space<vmem>>) offsets(%dma_start3A_275 : memref<128xi32, #tpu.memory_space<vmem>>) semaphore(%arg11 : memref<!tpu.dma_semaphore, #tpu.memory_space<semaphore_mem>>)
    %dma_start3A_279 = arith.constant 0 : i32
    %dma_start3A_280 = arith.constant 0 : i32
    %dma_start3A_281 = arith.constant 128 : i32
    %dma_start3A_282 = arith.constant 0 : i32
    %dma_start3A_283 = tpu.memref_slice %arg9[%dma_start3A_280, %dma_start3A_281, %dma_start3A_282] : memref<4x200x64xf32, #tpu.memory_space<vmem>> -> memref<1x72x64xf32, #tpu.memory_space<vmem>>
    %dma_start3A_284 = tpu.memref_squeeze %dma_start3A_283 : memref<1x72x64xf32, #tpu.memory_space<vmem>> -> memref<72x64xf32, #tpu.memory_space<vmem>>
    %dma_start3A_285 = arith.constant 128 : i32
    %dma_start3A_286 = tpu.memref_slice %arg8[%dma_start3A_279, %dma_start3A_285] : memref<4x208xi32, #tpu.memory_space<vmem>> -> memref<1x72xi32, #tpu.memory_space<vmem>>
    %dma_start3A_287 = tpu.memref_squeeze %dma_start3A_286 : memref<1x72xi32, #tpu.memory_space<vmem>> -> memref<72xi32, #tpu.memory_space<vmem>>
    %dma_start3A_288 = arith.constant 0 : i32
    %dma_start3A_289 = arith.constant 0 : i32
    %dma_start3A_290 = tpu.memref_slice %arg4[%dma_start3A_288, %dma_start3A_289] : memref<1000064x64xf32, #tpu.memory_space<hbm>> -> memref<1000064x64xf32, #tpu.memory_space<hbm>>
    tpu.enqueue_indirect_dma source(%dma_start3A_290 : memref<1000064x64xf32, #tpu.memory_space<hbm>>) target(%dma_start3A_284 : memref<72x64xf32, #tpu.memory_space<vmem>>) offsets(%dma_start3A_287 : memref<72xi32, #tpu.memory_space<vmem>>) semaphore(%arg11 : memref<!tpu.dma_semaphore, #tpu.memory_space<semaphore_mem>>)
    %get3A_291 = arith.constant 1 : i32
    %get3A_292 = arith.index_cast %get3A_291 : i32 to index
    %get3A_293 = arith.constant 0 : index
    %get3A_294 = tpu.vector_load %arg7[%get3A_292, %get3A_293] {strides = array<i32>} : memref<128x200xi32, #tpu.memory_space<vmem>>, vector<16xi32>,
    %and3A_295 = arith.constant 127 : i32
    %and3A_296 = vector.broadcast %and3A_295 : i32 to vector<16xi32>
    %and3A_297 = arith.andi %get3A_294, %and3A_296 : vector<16xi32>
    %add3A_298 = arith.addi %get3A_294, %and3A_297 : vector<16xi32>
    %ge3A_299 = arith.constant 64 : i32
    %ge3A_300 = vector.broadcast %ge3A_299 : i32 to vector<16xi32>
    %ge3A_301 = arith.cmpi sge, %and3A_297, %ge3A_300 : vector<16xi32>
    %jit3A_302 = arith.constant 127 : i32
    %jit3A_303 = arith.constant 0 : i32
    %broadcast_in_dim3A_304 = vector.broadcast %jit3A_302 : i32 to vector<16xi32>
    %broadcast_in_dim3A_305 = vector.broadcast %jit3A_303 : i32 to vector<16xi32>
    %select_n3A_306 = arith.select %ge3A_301, %broadcast_in_dim3A_304, %broadcast_in_dim3A_305 : vector<16xi1>, vector<16xi32>
    %sub3A_307 = arith.subi %add3A_298, %select_n3A_306 : vector<16xi32>
    %swap3A_308 = arith.constant 1 : i32
    %swap3A_309 = arith.index_cast %swap3A_308 : i32 to index
    %swap3A_310 = arith.constant 0 : index
    %swap3A_311 = tpu.vector_load %arg8[%swap3A_309, %swap3A_310] {strides = array<i32>} : memref<4x208xi32, #tpu.memory_space<vmem>>, vector<16xi32>,
    tpu.vector_store %arg8[%swap3A_309, %swap3A_310], %sub3A_307 {strides = array<i32>} : memref<4x208xi32, #tpu.memory_space<vmem>>, vector<16xi32>,
    %get3A_312 = arith.constant 1 : i32
    %get3A_313 = arith.index_cast %get3A_312 : i32 to index
    %get3A_314 = arith.constant 16 : index
    %get3A_315 = tpu.vector_load %arg7[%get3A_313, %get3A_314] {strides = array<i32>} : memref<128x200xi32, #tpu.memory_space<vmem>>, vector<16xi32>,
    %and3A_316 = arith.constant 127 : i32
    %and3A_317 = vector.broadcast %and3A_316 : i32 to vector<16xi32>
    %and3A_318 = arith.andi %get3A_315, %and3A_317 : vector<16xi32>
    %add3A_319 = arith.addi %get3A_315, %and3A_318 : vector<16xi32>
    %ge3A_320 = arith.constant 64 : i32
    %ge3A_321 = vector.broadcast %ge3A_320 : i32 to vector<16xi32>
    %ge3A_322 = arith.cmpi sge, %and3A_318, %ge3A_321 : vector<16xi32>
    %jit3A_323 = arith.constant 127 : i32
    %jit3A_324 = arith.constant 0 : i32
    %broadcast_in_dim3A_325 = vector.broadcast %jit3A_323 : i32 to vector<16xi32>
    %broadcast_in_dim3A_326 = vector.broadcast %jit3A_324 : i32 to vector<16xi32>
    %select_n3A_327 = arith.select %ge3A_322, %broadcast_in_dim3A_325, %broadcast_in_dim3A_326 : vector<16xi1>, vector<16xi32>
    %sub3A_328 = arith.subi %add3A_319, %select_n3A_327 : vector<16xi32>
    %swap3A_329 = arith.constant 1 : i32
    %swap3A_330 = arith.index_cast %swap3A_329 : i32 to index
    %swap3A_331 = arith.constant 16 : index
    %swap3A_332 = tpu.vector_load %arg8[%swap3A_330, %swap3A_331] {strides = array<i32>} : memref<4x208xi32, #tpu.memory_space<vmem>>, vector<16xi32>,
    tpu.vector_store %arg8[%swap3A_330, %swap3A_331], %sub3A_328 {strides = array<i32>} : memref<4x208xi32, #tpu.memory_space<vmem>>, vector<16xi32>,
    %get3A_333 = arith.constant 1 : i32
    %get3A_334 = arith.index_cast %get3A_333 : i32 to index
    %get3A_335 = arith.constant 32 : index
    %get3A_336 = tpu.vector_load %arg7[%get3A_334, %get3A_335] {strides = array<i32>} : memref<128x200xi32, #tpu.memory_space<vmem>>, vector<16xi32>,
    %and3A_337 = arith.constant 127 : i32
    %and3A_338 = vector.broadcast %and3A_337 : i32 to vector<16xi32>
    %and3A_339 = arith.andi %get3A_336, %and3A_338 : vector<16xi32>
    %add3A_340 = arith.addi %get3A_336, %and3A_339 : vector<16xi32>
    %ge3A_341 = arith.constant 64 : i32
    %ge3A_342 = vector.broadcast %ge3A_341 : i32 to vector<16xi32>
    %ge3A_343 = arith.cmpi sge, %and3A_339, %ge3A_342 : vector<16xi32>
    %jit3A_344 = arith.constant 127 : i32
    %jit3A_345 = arith.constant 0 : i32
    %broadcast_in_dim3A_346 = vector.broadcast %jit3A_344 : i32 to vector<16xi32>
    %broadcast_in_dim3A_347 = vector.broadcast %jit3A_345 : i32 to vector<16xi32>
    %select_n3A_348 = arith.select %ge3A_343, %broadcast_in_dim3A_346, %broadcast_in_dim3A_347 : vector<16xi1>, vector<16xi32>
    %sub3A_349 = arith.subi %add3A_340, %select_n3A_348 : vector<16xi32>
    %swap3A_350 = arith.constant 1 : i32
    %swap3A_351 = arith.index_cast %swap3A_350 : i32 to index
    %swap3A_352 = arith.constant 32 : index
    %swap3A_353 = tpu.vector_load %arg8[%swap3A_351, %swap3A_352] {strides = array<i32>} : memref<4x208xi32, #tpu.memory_space<vmem>>, vector<16xi32>,
    tpu.vector_store %arg8[%swap3A_351, %swap3A_352], %sub3A_349 {strides = array<i32>} : memref<4x208xi32, #tpu.memory_space<vmem>>, vector<16xi32>,
    %get3A_354 = arith.constant 1 : i32
    %get3A_355 = arith.index_cast %get3A_354 : i32 to index
    %get3A_356 = arith.constant 48 : index
    %get3A_357 = tpu.vector_load %arg7[%get3A_355, %get3A_356] {strides = array<i32>} : memref<128x200xi32, #tpu.memory_space<vmem>>, vector<16xi32>,
    %and3A_358 = arith.constant 127 : i32
    %and3A_359 = vector.broadcast %and3A_358 : i32 to vector<16xi32>
    %and3A_360 = arith.andi %get3A_357, %and3A_359 : vector<16xi32>
    %add3A_361 = arith.addi %get3A_357, %and3A_360 : vector<16xi32>
    %ge3A_362 = arith.constant 64 : i32
    %ge3A_363 = vector.broadcast %ge3A_362 : i32 to vector<16xi32>
    %ge3A_364 = arith.cmpi sge, %and3A_360, %ge3A_363 : vector<16xi32>
    %jit3A_365 = arith.constant 127 : i32
    %jit3A_366 = arith.constant 0 : i32
    %broadcast_in_dim3A_367 = vector.broadcast %jit3A_365 : i32 to vector<16xi32>
    %broadcast_in_dim3A_368 = vector.broadcast %jit3A_366 : i32 to vector<16xi32>
    %select_n3A_369 = arith.select %ge3A_364, %broadcast_in_dim3A_367, %broadcast_in_dim3A_368 : vector<16xi1>, vector<16xi32>
    %sub3A_370 = arith.subi %add3A_361, %select_n3A_369 : vector<16xi32>
    %swap3A_371 = arith.constant 1 : i32
    %swap3A_372 = arith.index_cast %swap3A_371 : i32 to index
    %swap3A_373 = arith.constant 48 : index
    %swap3A_374 = tpu.vector_load %arg8[%swap3A_372, %swap3A_373] {strides = array<i32>} : memref<4x208xi32, #tpu.memory_space<vmem>>, vector<16xi32>,
    tpu.vector_store %arg8[%swap3A_372, %swap3A_373], %sub3A_370 {strides = array<i32>} : memref<4x208xi32, #tpu.memory_space<vmem>>, vector<16xi32>,
    %get3A_375 = arith.constant 1 : i32
    %get3A_376 = arith.index_cast %get3A_375 : i32 to index
    %get3A_377 = arith.constant 64 : index
    %get3A_378 = tpu.vector_load %arg7[%get3A_376, %get3A_377] {strides = array<i32>} : memref<128x200xi32, #tpu.memory_space<vmem>>, vector<16xi32>,
    %and3A_379 = arith.constant 127 : i32
    %and3A_380 = vector.broadcast %and3A_379 : i32 to vector<16xi32>
    %and3A_381 = arith.andi %get3A_378, %and3A_380 : vector<16xi32>
    %add3A_382 = arith.addi %get3A_378, %and3A_381 : vector<16xi32>
    %ge3A_383 = arith.constant 64 : i32
    %ge3A_384 = vector.broadcast %ge3A_383 : i32 to vector<16xi32>
    %ge3A_385 = arith.cmpi sge, %and3A_381, %ge3A_384 : vector<16xi32>
    %jit3A_386 = arith.constant 127 : i32
    %jit3A_387 = arith.constant 0 : i32
    %broadcast_in_dim3A_388 = vector.broadcast %jit3A_386 : i32 to vector<16xi32>
    %broadcast_in_dim3A_389 = vector.broadcast %jit3A_387 : i32 to vector<16xi32>
    %select_n3A_390 = arith.select %ge3A_385, %broadcast_in_dim3A_388, %broadcast_in_dim3A_389 : vector<16xi1>, vector<16xi32>
    %sub3A_391 = arith.subi %add3A_382, %select_n3A_390 : vector<16xi32>
    %swap3A_392 = arith.constant 1 : i32
    %swap3A_393 = arith.index_cast %swap3A_392 : i32 to index
    %swap3A_394 = arith.constant 64 : index
    %swap3A_395 = tpu.vector_load %arg8[%swap3A_393, %swap3A_394] {strides = array<i32>} : memref<4x208xi32, #tpu.memory_space<vmem>>, vector<16xi32>,
    tpu.vector_store %arg8[%swap3A_393, %swap3A_394], %sub3A_391 {strides = array<i32>} : memref<4x208xi32, #tpu.memory_space<vmem>>, vector<16xi32>,
    %get3A_396 = arith.constant 1 : i32
    %get3A_397 = arith.index_cast %get3A_396 : i32 to index
    %get3A_398 = arith.constant 80 : index
    %get3A_399 = tpu.vector_load %arg7[%get3A_397, %get3A_398] {strides = array<i32>} : memref<128x200xi32, #tpu.memory_space<vmem>>, vector<16xi32>,
    %and3A_400 = arith.constant 127 : i32
    %and3A_401 = vector.broadcast %and3A_400 : i32 to vector<16xi32>
    %and3A_402 = arith.andi %get3A_399, %and3A_401 : vector<16xi32>
    %add3A_403 = arith.addi %get3A_399, %and3A_402 : vector<16xi32>
    %ge3A_404 = arith.constant 64 : i32
    %ge3A_405 = vector.broadcast %ge3A_404 : i32 to vector<16xi32>
    %ge3A_406 = arith.cmpi sge, %and3A_402, %ge3A_405 : vector<16xi32>
    %jit3A_407 = arith.constant 127 : i32
    %jit3A_408 = arith.constant 0 : i32
    %broadcast_in_dim3A_409 = vector.broadcast %jit3A_407 : i32 to vector<16xi32>
    %broadcast_in_dim3A_410 = vector.broadcast %jit3A_408 : i32 to vector<16xi32>
    %select_n3A_411 = arith.select %ge3A_406, %broadcast_in_dim3A_409, %broadcast_in_dim3A_410 : vector<16xi1>, vector<16xi32>
    %sub3A_412 = arith.subi %add3A_403, %select_n3A_411 : vector<16xi32>
    %swap3A_413 = arith.constant 1 : i32
    %swap3A_414 = arith.index_cast %swap3A_413 : i32 to index
    %swap3A_415 = arith.constant 80 : index
    %swap3A_416 = tpu.vector_load %arg8[%swap3A_414, %swap3A_415] {strides = array<i32>} : memref<4x208xi32, #tpu.memory_space<vmem>>, vector<16xi32>,
    tpu.vector_store %arg8[%swap3A_414, %swap3A_415], %sub3A_412 {strides = array<i32>} : memref<4x208xi32, #tpu.memory_space<vmem>>, vector<16xi32>,
    %get3A_417 = arith.constant 1 : i32
    %get3A_418 = arith.index_cast %get3A_417 : i32 to index
    %get3A_419 = arith.constant 96 : index
    %get3A_420 = tpu.vector_load %arg7[%get3A_418, %get3A_419] {strides = array<i32>} : memref<128x200xi32, #tpu.memory_space<vmem>>, vector<16xi32>,
    %and3A_421 = arith.constant 127 : i32
    %and3A_422 = vector.broadcast %and3A_421 : i32 to vector<16xi32>
    %and3A_423 = arith.andi %get3A_420, %and3A_422 : vector<16xi32>
    %add3A_424 = arith.addi %get3A_420, %and3A_423 : vector<16xi32>
    %ge3A_425 = arith.constant 64 : i32
    %ge3A_426 = vector.broadcast %ge3A_425 : i32 to vector<16xi32>
    %ge3A_427 = arith.cmpi sge, %and3A_423, %ge3A_426 : vector<16xi32>
    %jit3A_428 = arith.constant 127 : i32
    %jit3A_429 = arith.constant 0 : i32
    %broadcast_in_dim3A_430 = vector.broadcast %jit3A_428 : i32 to vector<16xi32>
    %broadcast_in_dim3A_431 = vector.broadcast %jit3A_429 : i32 to vector<16xi32>
    %select_n3A_432 = arith.select %ge3A_427, %broadcast_in_dim3A_430, %broadcast_in_dim3A_431 : vector<16xi1>, vector<16xi32>
    %sub3A_433 = arith.subi %add3A_424, %select_n3A_432 : vector<16xi32>
    %swap3A_434 = arith.constant 1 : i32
    %swap3A_435 = arith.index_cast %swap3A_434 : i32 to index
    %swap3A_436 = arith.constant 96 : index
    %swap3A_437 = tpu.vector_load %arg8[%swap3A_435, %swap3A_436] {strides = array<i32>} : memref<4x208xi32, #tpu.memory_space<vmem>>, vector<16xi32>,
    tpu.vector_store %arg8[%swap3A_435, %swap3A_436], %sub3A_433 {strides = array<i32>} : memref<4x208xi32, #tpu.memory_space<vmem>>, vector<16xi32>,
    %get3A_438 = arith.constant 1 : i32
    %get3A_439 = arith.index_cast %get3A_438 : i32 to index
    %get3A_440 = arith.constant 112 : index
    %get3A_441 = tpu.vector_load %arg7[%get3A_439, %get3A_440] {strides = array<i32>} : memref<128x200xi32, #tpu.memory_space<vmem>>, vector<16xi32>,
    %and3A_442 = arith.constant 127 : i32
    %and3A_443 = vector.broadcast %and3A_442 : i32 to vector<16xi32>
    %and3A_444 = arith.andi %get3A_441, %and3A_443 : vector<16xi32>
    %add3A_445 = arith.addi %get3A_441, %and3A_444 : vector<16xi32>
    %ge3A_446 = arith.constant 64 : i32
    %ge3A_447 = vector.broadcast %ge3A_446 : i32 to vector<16xi32>
    %ge3A_448 = arith.cmpi sge, %and3A_444, %ge3A_447 : vector<16xi32>
    %jit3A_449 = arith.constant 127 : i32
    %jit3A_450 = arith.constant 0 : i32
    %broadcast_in_dim3A_451 = vector.broadcast %jit3A_449 : i32 to vector<16xi32>
    %broadcast_in_dim3A_452 = vector.broadcast %jit3A_450 : i32 to vector<16xi32>
    %select_n3A_453 = arith.select %ge3A_448, %broadcast_in_dim3A_451, %broadcast_in_dim3A_452 : vector<16xi1>, vector<16xi32>
    %sub3A_454 = arith.subi %add3A_445, %select_n3A_453 : vector<16xi32>
    %swap3A_455 = arith.constant 1 : i32
    %swap3A_456 = arith.index_cast %swap3A_455 : i32 to index
    %swap3A_457 = arith.constant 112 : index
    %swap3A_458 = tpu.vector_load %arg8[%swap3A_456, %swap3A_457] {strides = array<i32>} : memref<4x208xi32, #tpu.memory_space<vmem>>, vector<16xi32>,
    tpu.vector_store %arg8[%swap3A_456, %swap3A_457], %sub3A_454 {strides = array<i32>} : memref<4x208xi32, #tpu.memory_space<vmem>>, vector<16xi32>,
    %get3A_459 = arith.constant 1 : i32
    %get3A_460 = arith.index_cast %get3A_459 : i32 to index
    %get3A_461 = arith.constant 128 : index
    %get3A_462 = tpu.vector_load %arg7[%get3A_460, %get3A_461] {strides = array<i32>} : memref<128x200xi32, #tpu.memory_space<vmem>>, vector<16xi32>,
    %and3A_463 = arith.constant 127 : i32
    %and3A_464 = vector.broadcast %and3A_463 : i32 to vector<16xi32>
    %and3A_465 = arith.andi %get3A_462, %and3A_464 : vector<16xi32>
    %add3A_466 = arith.addi %get3A_462, %and3A_465 : vector<16xi32>
    %ge3A_467 = arith.constant 64 : i32
    %ge3A_468 = vector.broadcast %ge3A_467 : i32 to vector<16xi32>
    %ge3A_469 = arith.cmpi sge, %and3A_465, %ge3A_468 : vector<16xi32>
    %jit3A_470 = arith.constant 127 : i32
    %jit3A_471 = arith.constant 0 : i32
    %broadcast_in_dim3A_472 = vector.broadcast %jit3A_470 : i32 to vector<16xi32>
    %broadcast_in_dim3A_473 = vector.broadcast %jit3A_471 : i32 to vector<16xi32>
    %select_n3A_474 = arith.select %ge3A_469, %broadcast_in_dim3A_472, %broadcast_in_dim3A_473 : vector<16xi1>, vector<16xi32>
    %sub3A_475 = arith.subi %add3A_466, %select_n3A_474 : vector<16xi32>
    %swap3A_476 = arith.constant 1 : i32
    %swap3A_477 = arith.index_cast %swap3A_476 : i32 to index
    %swap3A_478 = arith.constant 128 : index
    %swap3A_479 = tpu.vector_load %arg8[%swap3A_477, %swap3A_478] {strides = array<i32>} : memref<4x208xi32, #tpu.memory_space<vmem>>, vector<16xi32>,
    tpu.vector_store %arg8[%swap3A_477, %swap3A_478], %sub3A_475 {strides = array<i32>} : memref<4x208xi32, #tpu.memory_space<vmem>>, vector<16xi32>,
    %get3A_480 = arith.constant 1 : i32
    %get3A_481 = arith.index_cast %get3A_480 : i32 to index
    %get3A_482 = arith.constant 144 : index
    %get3A_483 = tpu.vector_load %arg7[%get3A_481, %get3A_482] {strides = array<i32>} : memref<128x200xi32, #tpu.memory_space<vmem>>, vector<16xi32>,
    %and3A_484 = arith.constant 127 : i32
    %and3A_485 = vector.broadcast %and3A_484 : i32 to vector<16xi32>
    %and3A_486 = arith.andi %get3A_483, %and3A_485 : vector<16xi32>
    %add3A_487 = arith.addi %get3A_483, %and3A_486 : vector<16xi32>
    %ge3A_488 = arith.constant 64 : i32
    %ge3A_489 = vector.broadcast %ge3A_488 : i32 to vector<16xi32>
    %ge3A_490 = arith.cmpi sge, %and3A_486, %ge3A_489 : vector<16xi32>
    %jit3A_491 = arith.constant 127 : i32
    %jit3A_492 = arith.constant 0 : i32
    %broadcast_in_dim3A_493 = vector.broadcast %jit3A_491 : i32 to vector<16xi32>
    %broadcast_in_dim3A_494 = vector.broadcast %jit3A_492 : i32 to vector<16xi32>
    %select_n3A_495 = arith.select %ge3A_490, %broadcast_in_dim3A_493, %broadcast_in_dim3A_494 : vector<16xi1>, vector<16xi32>
    %sub3A_496 = arith.subi %add3A_487, %select_n3A_495 : vector<16xi32>
    %swap3A_497 = arith.constant 1 : i32
    %swap3A_498 = arith.index_cast %swap3A_497 : i32 to index
    %swap3A_499 = arith.constant 144 : index
    %swap3A_500 = tpu.vector_load %arg8[%swap3A_498, %swap3A_499] {strides = array<i32>} : memref<4x208xi32, #tpu.memory_space<vmem>>, vector<16xi32>,
    tpu.vector_store %arg8[%swap3A_498, %swap3A_499], %sub3A_496 {strides = array<i32>} : memref<4x208xi32, #tpu.memory_space<vmem>>, vector<16xi32>,
    %get3A_501 = arith.constant 1 : i32
    %get3A_502 = arith.index_cast %get3A_501 : i32 to index
    %get3A_503 = arith.constant 160 : index
    %get3A_504 = tpu.vector_load %arg7[%get3A_502, %get3A_503] {strides = array<i32>} : memref<128x200xi32, #tpu.memory_space<vmem>>, vector<16xi32>,
    %and3A_505 = arith.constant 127 : i32
    %and3A_506 = vector.broadcast %and3A_505 : i32 to vector<16xi32>
    %and3A_507 = arith.andi %get3A_504, %and3A_506 : vector<16xi32>
    %add3A_508 = arith.addi %get3A_504, %and3A_507 : vector<16xi32>
    %ge3A_509 = arith.constant 64 : i32
    %ge3A_510 = vector.broadcast %ge3A_509 : i32 to vector<16xi32>
    %ge3A_511 = arith.cmpi sge, %and3A_507, %ge3A_510 : vector<16xi32>
    %jit3A_512 = arith.constant 127 : i32
    %jit3A_513 = arith.constant 0 : i32
    %broadcast_in_dim3A_514 = vector.broadcast %jit3A_512 : i32 to vector<16xi32>
    %broadcast_in_dim3A_515 = vector.broadcast %jit3A_513 : i32 to vector<16xi32>
    %select_n3A_516 = arith.select %ge3A_511, %broadcast_in_dim3A_514, %broadcast_in_dim3A_515 : vector<16xi1>, vector<16xi32>
    %sub3A_517 = arith.subi %add3A_508, %select_n3A_516 : vector<16xi32>
    %swap3A_518 = arith.constant 1 : i32
    %swap3A_519 = arith.index_cast %swap3A_518 : i32 to index
    %swap3A_520 = arith.constant 160 : index
    %swap3A_521 = tpu.vector_load %arg8[%swap3A_519, %swap3A_520] {strides = array<i32>} : memref<4x208xi32, #tpu.memory_space<vmem>>, vector<16xi32>,
    tpu.vector_store %arg8[%swap3A_519, %swap3A_520], %sub3A_517 {strides = array<i32>} : memref<4x208xi32, #tpu.memory_space<vmem>>, vector<16xi32>,
    %get3A_522 = arith.constant 1 : i32
    %get3A_523 = arith.index_cast %get3A_522 : i32 to index
    %get3A_524 = arith.constant 176 : index
    %get3A_525 = tpu.vector_load %arg7[%get3A_523, %get3A_524] {strides = array<i32>} : memref<128x200xi32, #tpu.memory_space<vmem>>, vector<16xi32>,
    %and3A_526 = arith.constant 127 : i32
    %and3A_527 = vector.broadcast %and3A_526 : i32 to vector<16xi32>
    %and3A_528 = arith.andi %get3A_525, %and3A_527 : vector<16xi32>
    %add3A_529 = arith.addi %get3A_525, %and3A_528 : vector<16xi32>
    %ge3A_530 = arith.constant 64 : i32
    %ge3A_531 = vector.broadcast %ge3A_530 : i32 to vector<16xi32>
    %ge3A_532 = arith.cmpi sge, %and3A_528, %ge3A_531 : vector<16xi32>
    %jit3A_533 = arith.constant 127 : i32
    %jit3A_534 = arith.constant 0 : i32
    %broadcast_in_dim3A_535 = vector.broadcast %jit3A_533 : i32 to vector<16xi32>
    %broadcast_in_dim3A_536 = vector.broadcast %jit3A_534 : i32 to vector<16xi32>
    %select_n3A_537 = arith.select %ge3A_532, %broadcast_in_dim3A_535, %broadcast_in_dim3A_536 : vector<16xi1>, vector<16xi32>
    %sub3A_538 = arith.subi %add3A_529, %select_n3A_537 : vector<16xi32>
    %swap3A_539 = arith.constant 1 : i32
    %swap3A_540 = arith.index_cast %swap3A_539 : i32 to index
    %swap3A_541 = arith.constant 176 : index
    %swap3A_542 = tpu.vector_load %arg8[%swap3A_540, %swap3A_541] {strides = array<i32>} : memref<4x208xi32, #tpu.memory_space<vmem>>, vector<16xi32>,
    tpu.vector_store %arg8[%swap3A_540, %swap3A_541], %sub3A_538 {strides = array<i32>} : memref<4x208xi32, #tpu.memory_space<vmem>>, vector<16xi32>,
    %get3A_543 = arith.constant 1 : i32
    %get3A_544 = arith.index_cast %get3A_543 : i32 to index
    %get3A_545 = arith.constant 184 : index
    %get3A_546 = tpu.vector_load %arg7[%get3A_544, %get3A_545] {strides = array<i32>} : memref<128x200xi32, #tpu.memory_space<vmem>>, vector<16xi32>,
    %and3A_547 = arith.constant 127 : i32
    %and3A_548 = vector.broadcast %and3A_547 : i32 to vector<16xi32>
    %and3A_549 = arith.andi %get3A_546, %and3A_548 : vector<16xi32>
    %add3A_550 = arith.addi %get3A_546, %and3A_549 : vector<16xi32>
    %ge3A_551 = arith.constant 64 : i32
    %ge3A_552 = vector.broadcast %ge3A_551 : i32 to vector<16xi32>
    %ge3A_553 = arith.cmpi sge, %and3A_549, %ge3A_552 : vector<16xi32>
    %jit3A_554 = arith.constant 127 : i32
    %jit3A_555 = arith.constant 0 : i32
    %broadcast_in_dim3A_556 = vector.broadcast %jit3A_554 : i32 to vector<16xi32>
    %broadcast_in_dim3A_557 = vector.broadcast %jit3A_555 : i32 to vector<16xi32>
    %select_n3A_558 = arith.select %ge3A_553, %broadcast_in_dim3A_556, %broadcast_in_dim3A_557 : vector<16xi1>, vector<16xi32>
    %sub3A_559 = arith.subi %add3A_550, %select_n3A_558 : vector<16xi32>
    %swap3A_560 = arith.constant 1 : i32
    %swap3A_561 = arith.index_cast %swap3A_560 : i32 to index
    %swap3A_562 = arith.constant 184 : index
    %swap3A_563 = tpu.vector_load %arg8[%swap3A_561, %swap3A_562] {strides = array<i32>} : memref<4x208xi32, #tpu.memory_space<vmem>>, vector<16xi32>,
    tpu.vector_store %arg8[%swap3A_561, %swap3A_562], %sub3A_559 {strides = array<i32>} : memref<4x208xi32, #tpu.memory_space<vmem>>, vector<16xi32>,
    %dma_start3A_564 = arith.constant 1 : i32
    %dma_start3A_565 = arith.constant 1 : i32
    %dma_start3A_566 = arith.constant 0 : i32
    %dma_start3A_567 = arith.constant 0 : i32
    %dma_start3A_568 = tpu.memref_slice %arg9[%dma_start3A_565, %dma_start3A_566, %dma_start3A_567] : memref<4x200x64xf32, #tpu.memory_space<vmem>> -> memref<1x128x64xf32, #tpu.memory_space<vmem>>
    %dma_start3A_569 = tpu.memref_squeeze %dma_start3A_568 : memref<1x128x64xf32, #tpu.memory_space<vmem>> -> memref<128x64xf32, #tpu.memory_space<vmem>>
    %dma_start3A_570 = arith.constant 0 : i32
    %dma_start3A_571 = tpu.memref_slice %arg8[%dma_start3A_564, %dma_start3A_570] : memref<4x208xi32, #tpu.memory_space<vmem>> -> memref<1x128xi32, #tpu.memory_space<vmem>>
    %dma_start3A_572 = tpu.memref_squeeze %dma_start3A_571 : memref<1x128xi32, #tpu.memory_space<vmem>> -> memref<128xi32, #tpu.memory_space<vmem>>
    %dma_start3A_573 = arith.constant 0 : i32
    %dma_start3A_574 = arith.constant 0 : i32
    %dma_start3A_575 = tpu.memref_slice %arg4[%dma_start3A_573, %dma_start3A_574] : memref<1000064x64xf32, #tpu.memory_space<hbm>> -> memref<1000064x64xf32, #tpu.memory_space<hbm>>
    tpu.enqueue_indirect_dma source(%dma_start3A_575 : memref<1000064x64xf32, #tpu.memory_space<hbm>>) target(%dma_start3A_569 : memref<128x64xf32, #tpu.memory_space<vmem>>) offsets(%dma_start3A_572 : memref<128xi32, #tpu.memory_space<vmem>>) semaphore(%arg11 : memref<!tpu.dma_semaphore, #tpu.memory_space<semaphore_mem>>)
    %dma_start3A_576 = arith.constant 1 : i32
    %dma_start3A_577 = arith.constant 1 : i32
    %dma_start3A_578 = arith.constant 128 : i32
    %dma_start3A_579 = arith.constant 0 : i32
    %dma_start3A_580 = tpu.memref_slice %arg9[%dma_start3A_577, %dma_start3A_578, %dma_start3A_579] : memref<4x200x64xf32, #tpu.memory_space<vmem>> -> memref<1x72x64xf32, #tpu.memory_space<vmem>>
    %dma_start3A_581 = tpu.memref_squeeze %dma_start3A_580 : memref<1x72x64xf32, #tpu.memory_space<vmem>> -> memref<72x64xf32, #tpu.memory_space<vmem>>
    %dma_start3A_582 = arith.constant 128 : i32
    %dma_start3A_583 = tpu.memref_slice %arg8[%dma_start3A_576, %dma_start3A_582] : memref<4x208xi32, #tpu.memory_space<vmem>> -> memref<1x72xi32, #tpu.memory_space<vmem>>
    %dma_start3A_584 = tpu.memref_squeeze %dma_start3A_583 : memref<1x72xi32, #tpu.memory_space<vmem>> -> memref<72xi32, #tpu.memory_space<vmem>>
    %dma_start3A_585 = arith.constant 0 : i32
    %dma_start3A_586 = arith.constant 0 : i32
    %dma_start3A_587 = tpu.memref_slice %arg4[%dma_start3A_585, %dma_start3A_586] : memref<1000064x64xf32, #tpu.memory_space<hbm>> -> memref<1000064x64xf32, #tpu.memory_space<hbm>>
    tpu.enqueue_indirect_dma source(%dma_start3A_587 : memref<1000064x64xf32, #tpu.memory_space<hbm>>) target(%dma_start3A_581 : memref<72x64xf32, #tpu.memory_space<vmem>>) offsets(%dma_start3A_584 : memref<72xi32, #tpu.memory_space<vmem>>) semaphore(%arg11 : memref<!tpu.dma_semaphore, #tpu.memory_space<semaphore_mem>>)
    %get3A_588 = arith.constant 2 : i32
    %get3A_589 = arith.index_cast %get3A_588 : i32 to index
    %get3A_590 = arith.constant 0 : index
    %get3A_591 = tpu.vector_load %arg7[%get3A_589, %get3A_590] {strides = array<i32>} : memref<128x200xi32, #tpu.memory_space<vmem>>, vector<16xi32>,
    %and3A_592 = arith.constant 127 : i32
    %and3A_593 = vector.broadcast %and3A_592 : i32 to vector<16xi32>
    %and3A_594 = arith.andi %get3A_591, %and3A_593 : vector<16xi32>
    %add3A_595 = arith.addi %get3A_591, %and3A_594 : vector<16xi32>
    %ge3A_596 = arith.constant 64 : i32
    %ge3A_597 = vector.broadcast %ge3A_596 : i32 to vector<16xi32>
    %ge3A_598 = arith.cmpi sge, %and3A_594, %ge3A_597 : vector<16xi32>
    %jit3A_599 = arith.constant 127 : i32
    %jit3A_600 = arith.constant 0 : i32
    %broadcast_in_dim3A_601 = vector.broadcast %jit3A_599 : i32 to vector<16xi32>
    %broadcast_in_dim3A_602 = vector.broadcast %jit3A_600 : i32 to vector<16xi32>
    %select_n3A_603 = arith.select %ge3A_598, %broadcast_in_dim3A_601, %broadcast_in_dim3A_602 : vector<16xi1>, vector<16xi32>
    %sub3A_604 = arith.subi %add3A_595, %select_n3A_603 : vector<16xi32>
    %swap3A_605 = arith.constant 2 : i32
    %swap3A_606 = arith.index_cast %swap3A_605 : i32 to index
    %swap3A_607 = arith.constant 0 : index
    %swap3A_608 = tpu.vector_load %arg8[%swap3A_606, %swap3A_607] {strides = array<i32>} : memref<4x208xi32, #tpu.memory_space<vmem>>, vector<16xi32>,
    tpu.vector_store %arg8[%swap3A_606, %swap3A_607], %sub3A_604 {strides = array<i32>} : memref<4x208xi32, #tpu.memory_space<vmem>>, vector<16xi32>,
    %get3A_609 = arith.constant 2 : i32
    %get3A_610 = arith.index_cast %get3A_609 : i32 to index
    %get3A_611 = arith.constant 16 : index
    %get3A_612 = tpu.vector_load %arg7[%get3A_610, %get3A_611] {strides = array<i32>} : memref<128x200xi32, #tpu.memory_space<vmem>>, vector<16xi32>,
    %and3A_613 = arith.constant 127 : i32
    %and3A_614 = vector.broadcast %and3A_613 : i32 to vector<16xi32>
    %and3A_615 = arith.andi %get3A_612, %and3A_614 : vector<16xi32>
    %add3A_616 = arith.addi %get3A_612, %and3A_615 : vector<16xi32>
    %ge3A_617 = arith.constant 64 : i32
    %ge3A_618 = vector.broadcast %ge3A_617 : i32 to vector<16xi32>
    %ge3A_619 = arith.cmpi sge, %and3A_615, %ge3A_618 : vector<16xi32>
    %jit3A_620 = arith.constant 127 : i32
    %jit3A_621 = arith.constant 0 : i32
    %broadcast_in_dim3A_622 = vector.broadcast %jit3A_620 : i32 to vector<16xi32>
    %broadcast_in_dim3A_623 = vector.broadcast %jit3A_621 : i32 to vector<16xi32>
    %select_n3A_624 = arith.select %ge3A_619, %broadcast_in_dim3A_622, %broadcast_in_dim3A_623 : vector<16xi1>, vector<16xi32>
    %sub3A_625 = arith.subi %add3A_616, %select_n3A_624 : vector<16xi32>
    %swap3A_626 = arith.constant 2 : i32
    %swap3A_627 = arith.index_cast %swap3A_626 : i32 to index
    %swap3A_628 = arith.constant 16 : index
    %swap3A_629 = tpu.vector_load %arg8[%swap3A_627, %swap3A_628] {strides = array<i32>} : memref<4x208xi32, #tpu.memory_space<vmem>>, vector<16xi32>,
    tpu.vector_store %arg8[%swap3A_627, %swap3A_628], %sub3A_625 {strides = array<i32>} : memref<4x208xi32, #tpu.memory_space<vmem>>, vector<16xi32>,
    %get3A_630 = arith.constant 2 : i32
    %get3A_631 = arith.index_cast %get3A_630 : i32 to index
    %get3A_632 = arith.constant 32 : index
    %get3A_633 = tpu.vector_load %arg7[%get3A_631, %get3A_632] {strides = array<i32>} : memref<128x200xi32, #tpu.memory_space<vmem>>, vector<16xi32>,
    %and3A_634 = arith.constant 127 : i32
    %and3A_635 = vector.broadcast %and3A_634 : i32 to vector<16xi32>
    %and3A_636 = arith.andi %get3A_633, %and3A_635 : vector<16xi32>
    %add3A_637 = arith.addi %get3A_633, %and3A_636 : vector<16xi32>
    %ge3A_638 = arith.constant 64 : i32
    %ge3A_639 = vector.broadcast %ge3A_638 : i32 to vector<16xi32>
    %ge3A_640 = arith.cmpi sge, %and3A_636, %ge3A_639 : vector<16xi32>
    %jit3A_641 = arith.constant 127 : i32
    %jit3A_642 = arith.constant 0 : i32
    %broadcast_in_dim3A_643 = vector.broadcast %jit3A_641 : i32 to vector<16xi32>
    %broadcast_in_dim3A_644 = vector.broadcast %jit3A_642 : i32 to vector<16xi32>
    %select_n3A_645 = arith.select %ge3A_640, %broadcast_in_dim3A_643, %broadcast_in_dim3A_644 : vector<16xi1>, vector<16xi32>
    %sub3A_646 = arith.subi %add3A_637, %select_n3A_645 : vector<16xi32>
    %swap3A_647 = arith.constant 2 : i32
    %swap3A_648 = arith.index_cast %swap3A_647 : i32 to index
    %swap3A_649 = arith.constant 32 : index
    %swap3A_650 = tpu.vector_load %arg8[%swap3A_648, %swap3A_649] {strides = array<i32>} : memref<4x208xi32, #tpu.memory_space<vmem>>, vector<16xi32>,
    tpu.vector_store %arg8[%swap3A_648, %swap3A_649], %sub3A_646 {strides = array<i32>} : memref<4x208xi32, #tpu.memory_space<vmem>>, vector<16xi32>,
    %get3A_651 = arith.constant 2 : i32
    %get3A_652 = arith.index_cast %get3A_651 : i32 to index
    %get3A_653 = arith.constant 48 : index
    %get3A_654 = tpu.vector_load %arg7[%get3A_652, %get3A_653] {strides = array<i32>} : memref<128x200xi32, #tpu.memory_space<vmem>>, vector<16xi32>,
    %and3A_655 = arith.constant 127 : i32
    %and3A_656 = vector.broadcast %and3A_655 : i32 to vector<16xi32>
    %and3A_657 = arith.andi %get3A_654, %and3A_656 : vector<16xi32>
    %add3A_658 = arith.addi %get3A_654, %and3A_657 : vector<16xi32>
    %ge3A_659 = arith.constant 64 : i32
    %ge3A_660 = vector.broadcast %ge3A_659 : i32 to vector<16xi32>
    %ge3A_661 = arith.cmpi sge, %and3A_657, %ge3A_660 : vector<16xi32>
    %jit3A_662 = arith.constant 127 : i32
    %jit3A_663 = arith.constant 0 : i32
    %broadcast_in_dim3A_664 = vector.broadcast %jit3A_662 : i32 to vector<16xi32>
    %broadcast_in_dim3A_665 = vector.broadcast %jit3A_663 : i32 to vector<16xi32>
    %select_n3A_666 = arith.select %ge3A_661, %broadcast_in_dim3A_664, %broadcast_in_dim3A_665 : vector<16xi1>, vector<16xi32>
    %sub3A_667 = arith.subi %add3A_658, %select_n3A_666 : vector<16xi32>
    %swap3A_668 = arith.constant 2 : i32
    %swap3A_669 = arith.index_cast %swap3A_668 : i32 to index
    %swap3A_670 = arith.constant 48 : index
    %swap3A_671 = tpu.vector_load %arg8[%swap3A_669, %swap3A_670] {strides = array<i32>} : memref<4x208xi32, #tpu.memory_space<vmem>>, vector<16xi32>,
    tpu.vector_store %arg8[%swap3A_669, %swap3A_670], %sub3A_667 {strides = array<i32>} : memref<4x208xi32, #tpu.memory_space<vmem>>, vector<16xi32>,
    %get3A_672 = arith.constant 2 : i32
    %get3A_673 = arith.index_cast %get3A_672 : i32 to index
    %get3A_674 = arith.constant 64 : index
    %get3A_675 = tpu.vector_load %arg7[%get3A_673, %get3A_674] {strides = array<i32>} : memref<128x200xi32, #tpu.memory_space<vmem>>, vector<16xi32>,
    %and3A_676 = arith.constant 127 : i32
    %and3A_677 = vector.broadcast %and3A_676 : i32 to vector<16xi32>
    %and3A_678 = arith.andi %get3A_675, %and3A_677 : vector<16xi32>
    %add3A_679 = arith.addi %get3A_675, %and3A_678 : vector<16xi32>
    %ge3A_680 = arith.constant 64 : i32
    %ge3A_681 = vector.broadcast %ge3A_680 : i32 to vector<16xi32>
    %ge3A_682 = arith.cmpi sge, %and3A_678, %ge3A_681 : vector<16xi32>
    %jit3A_683 = arith.constant 127 : i32
    %jit3A_684 = arith.constant 0 : i32
    %broadcast_in_dim3A_685 = vector.broadcast %jit3A_683 : i32 to vector<16xi32>
    %broadcast_in_dim3A_686 = vector.broadcast %jit3A_684 : i32 to vector<16xi32>
    %select_n3A_687 = arith.select %ge3A_682, %broadcast_in_dim3A_685, %broadcast_in_dim3A_686 : vector<16xi1>, vector<16xi32>
    %sub3A_688 = arith.subi %add3A_679, %select_n3A_687 : vector<16xi32>
    %swap3A_689 = arith.constant 2 : i32
    %swap3A_690 = arith.index_cast %swap3A_689 : i32 to index
    %swap3A_691 = arith.constant 64 : index
    %swap3A_692 = tpu.vector_load %arg8[%swap3A_690, %swap3A_691] {strides = array<i32>} : memref<4x208xi32, #tpu.memory_space<vmem>>, vector<16xi32>,
    tpu.vector_store %arg8[%swap3A_690, %swap3A_691], %sub3A_688 {strides = array<i32>} : memref<4x208xi32, #tpu.memory_space<vmem>>, vector<16xi32>,
    %get3A_693 = arith.constant 2 : i32
    %get3A_694 = arith.index_cast %get3A_693 : i32 to index
    %get3A_695 = arith.constant 80 : index
    %get3A_696 = tpu.vector_load %arg7[%get3A_694, %get3A_695] {strides = array<i32>} : memref<128x200xi32, #tpu.memory_space<vmem>>, vector<16xi32>,
    %and3A_697 = arith.constant 127 : i32
    %and3A_698 = vector.broadcast %and3A_697 : i32 to vector<16xi32>
    %and3A_699 = arith.andi %get3A_696, %and3A_698 : vector<16xi32>
    %add3A_700 = arith.addi %get3A_696, %and3A_699 : vector<16xi32>
    %ge3A_701 = arith.constant 64 : i32
    %ge3A_702 = vector.broadcast %ge3A_701 : i32 to vector<16xi32>
    %ge3A_703 = arith.cmpi sge, %and3A_699, %ge3A_702 : vector<16xi32>
    %jit3A_704 = arith.constant 127 : i32
    %jit3A_705 = arith.constant 0 : i32
    %broadcast_in_dim3A_706 = vector.broadcast %jit3A_704 : i32 to vector<16xi32>
    %broadcast_in_dim3A_707 = vector.broadcast %jit3A_705 : i32 to vector<16xi32>
    %select_n3A_708 = arith.select %ge3A_703, %broadcast_in_dim3A_706, %broadcast_in_dim3A_707 : vector<16xi1>, vector<16xi32>
    %sub3A_709 = arith.subi %add3A_700, %select_n3A_708 : vector<16xi32>
    %swap3A_710 = arith.constant 2 : i32
    %swap3A_711 = arith.index_cast %swap3A_710 : i32 to index
    %swap3A_712 = arith.constant 80 : index
    %swap3A_713 = tpu.vector_load %arg8[%swap3A_711, %swap3A_712] {strides = array<i32>} : memref<4x208xi32, #tpu.memory_space<vmem>>, vector<16xi32>,
    tpu.vector_store %arg8[%swap3A_711, %swap3A_712], %sub3A_709 {strides = array<i32>} : memref<4x208xi32, #tpu.memory_space<vmem>>, vector<16xi32>,
    %get3A_714 = arith.constant 2 : i32
    %get3A_715 = arith.index_cast %get3A_714 : i32 to index
    %get3A_716 = arith.constant 96 : index
    %get3A_717 = tpu.vector_load %arg7[%get3A_715, %get3A_716] {strides = array<i32>} : memref<128x200xi32, #tpu.memory_space<vmem>>, vector<16xi32>,
    %and3A_718 = arith.constant 127 : i32
    %and3A_719 = vector.broadcast %and3A_718 : i32 to vector<16xi32>
    %and3A_720 = arith.andi %get3A_717, %and3A_719 : vector<16xi32>
    %add3A_721 = arith.addi %get3A_717, %and3A_720 : vector<16xi32>
    %ge3A_722 = arith.constant 64 : i32
    %ge3A_723 = vector.broadcast %ge3A_722 : i32 to vector<16xi32>
    %ge3A_724 = arith.cmpi sge, %and3A_720, %ge3A_723 : vector<16xi32>
    %jit3A_725 = arith.constant 127 : i32
    %jit3A_726 = arith.constant 0 : i32
    %broadcast_in_dim3A_727 = vector.broadcast %jit3A_725 : i32 to vector<16xi32>
    %broadcast_in_dim3A_728 = vector.broadcast %jit3A_726 : i32 to vector<16xi32>
    %select_n3A_729 = arith.select %ge3A_724, %broadcast_in_dim3A_727, %broadcast_in_dim3A_728 : vector<16xi1>, vector<16xi32>
    %sub3A_730 = arith.subi %add3A_721, %select_n3A_729 : vector<16xi32>
    %swap3A_731 = arith.constant 2 : i32
    %swap3A_732 = arith.index_cast %swap3A_731 : i32 to index
    %swap3A_733 = arith.constant 96 : index
    %swap3A_734 = tpu.vector_load %arg8[%swap3A_732, %swap3A_733] {strides = array<i32>} : memref<4x208xi32, #tpu.memory_space<vmem>>, vector<16xi32>,
    tpu.vector_store %arg8[%swap3A_732, %swap3A_733], %sub3A_730 {strides = array<i32>} : memref<4x208xi32, #tpu.memory_space<vmem>>, vector<16xi32>,
    %get3A_735 = arith.constant 2 : i32
    %get3A_736 = arith.index_cast %get3A_735 : i32 to index
    %get3A_737 = arith.constant 112 : index
    %get3A_738 = tpu.vector_load %arg7[%get3A_736, %get3A_737] {strides = array<i32>} : memref<128x200xi32, #tpu.memory_space<vmem>>, vector<16xi32>,
    %and3A_739 = arith.constant 127 : i32
    %and3A_740 = vector.broadcast %and3A_739 : i32 to vector<16xi32>
    %and3A_741 = arith.andi %get3A_738, %and3A_740 : vector<16xi32>
    %add3A_742 = arith.addi %get3A_738, %and3A_741 : vector<16xi32>
    %ge3A_743 = arith.constant 64 : i32
    %ge3A_744 = vector.broadcast %ge3A_743 : i32 to vector<16xi32>
    %ge3A_745 = arith.cmpi sge, %and3A_741, %ge3A_744 : vector<16xi32>
    %jit3A_746 = arith.constant 127 : i32
    %jit3A_747 = arith.constant 0 : i32
    %broadcast_in_dim3A_748 = vector.broadcast %jit3A_746 : i32 to vector<16xi32>
    %broadcast_in_dim3A_749 = vector.broadcast %jit3A_747 : i32 to vector<16xi32>
    %select_n3A_750 = arith.select %ge3A_745, %broadcast_in_dim3A_748, %broadcast_in_dim3A_749 : vector<16xi1>, vector<16xi32>
    %sub3A_751 = arith.subi %add3A_742, %select_n3A_750 : vector<16xi32>
    %swap3A_752 = arith.constant 2 : i32
    %swap3A_753 = arith.index_cast %swap3A_752 : i32 to index
    %swap3A_754 = arith.constant 112 : index
    %swap3A_755 = tpu.vector_load %arg8[%swap3A_753, %swap3A_754] {strides = array<i32>} : memref<4x208xi32, #tpu.memory_space<vmem>>, vector<16xi32>,
    tpu.vector_store %arg8[%swap3A_753, %swap3A_754], %sub3A_751 {strides = array<i32>} : memref<4x208xi32, #tpu.memory_space<vmem>>, vector<16xi32>,
    %get3A_756 = arith.constant 2 : i32
    %get3A_757 = arith.index_cast %get3A_756 : i32 to index
    %get3A_758 = arith.constant 128 : index
    %get3A_759 = tpu.vector_load %arg7[%get3A_757, %get3A_758] {strides = array<i32>} : memref<128x200xi32, #tpu.memory_space<vmem>>, vector<16xi32>,
    %and3A_760 = arith.constant 127 : i32
    %and3A_761 = vector.broadcast %and3A_760 : i32 to vector<16xi32>
    %and3A_762 = arith.andi %get3A_759, %and3A_761 : vector<16xi32>
    %add3A_763 = arith.addi %get3A_759, %and3A_762 : vector<16xi32>
    %ge3A_764 = arith.constant 64 : i32
    %ge3A_765 = vector.broadcast %ge3A_764 : i32 to vector<16xi32>
    %ge3A_766 = arith.cmpi sge, %and3A_762, %ge3A_765 : vector<16xi32>
    %jit3A_767 = arith.constant 127 : i32
    %jit3A_768 = arith.constant 0 : i32
    %broadcast_in_dim3A_769 = vector.broadcast %jit3A_767 : i32 to vector<16xi32>
    %broadcast_in_dim3A_770 = vector.broadcast %jit3A_768 : i32 to vector<16xi32>
    %select_n3A_771 = arith.select %ge3A_766, %broadcast_in_dim3A_769, %broadcast_in_dim3A_770 : vector<16xi1>, vector<16xi32>
    %sub3A_772 = arith.subi %add3A_763, %select_n3A_771 : vector<16xi32>
    %swap3A_773 = arith.constant 2 : i32
    %swap3A_774 = arith.index_cast %swap3A_773 : i32 to index
    %swap3A_775 = arith.constant 128 : index
    %swap3A_776 = tpu.vector_load %arg8[%swap3A_774, %swap3A_775] {strides = array<i32>} : memref<4x208xi32, #tpu.memory_space<vmem>>, vector<16xi32>,
    tpu.vector_store %arg8[%swap3A_774, %swap3A_775], %sub3A_772 {strides = array<i32>} : memref<4x208xi32, #tpu.memory_space<vmem>>, vector<16xi32>,
    %get3A_777 = arith.constant 2 : i32
    %get3A_778 = arith.index_cast %get3A_777 : i32 to index
    %get3A_779 = arith.constant 144 : index
    %get3A_780 = tpu.vector_load %arg7[%get3A_778, %get3A_779] {strides = array<i32>} : memref<128x200xi32, #tpu.memory_space<vmem>>, vector<16xi32>,
    %and3A_781 = arith.constant 127 : i32
    %and3A_782 = vector.broadcast %and3A_781 : i32 to vector<16xi32>
    %and3A_783 = arith.andi %get3A_780, %and3A_782 : vector<16xi32>
    %add3A_784 = arith.addi %get3A_780, %and3A_783 : vector<16xi32>
    %ge3A_785 = arith.constant 64 : i32
    %ge3A_786 = vector.broadcast %ge3A_785 : i32 to vector<16xi32>
    %ge3A_787 = arith.cmpi sge, %and3A_783, %ge3A_786 : vector<16xi32>
    %jit3A_788 = arith.constant 127 : i32
    %jit3A_789 = arith.constant 0 : i32
    %broadcast_in_dim3A_790 = vector.broadcast %jit3A_788 : i32 to vector<16xi32>
    %broadcast_in_dim3A_791 = vector.broadcast %jit3A_789 : i32 to vector<16xi32>
    %select_n3A_792 = arith.select %ge3A_787, %broadcast_in_dim3A_790, %broadcast_in_dim3A_791 : vector<16xi1>, vector<16xi32>
    %sub3A_793 = arith.subi %add3A_784, %select_n3A_792 : vector<16xi32>
    %swap3A_794 = arith.constant 2 : i32
    %swap3A_795 = arith.index_cast %swap3A_794 : i32 to index
    %swap3A_796 = arith.constant 144 : index
    %swap3A_797 = tpu.vector_load %arg8[%swap3A_795, %swap3A_796] {strides = array<i32>} : memref<4x208xi32, #tpu.memory_space<vmem>>, vector<16xi32>,
    tpu.vector_store %arg8[%swap3A_795, %swap3A_796], %sub3A_793 {strides = array<i32>} : memref<4x208xi32, #tpu.memory_space<vmem>>, vector<16xi32>,
    %get3A_798 = arith.constant 2 : i32
    %get3A_799 = arith.index_cast %get3A_798 : i32 to index
    %get3A_800 = arith.constant 160 : index
    %get3A_801 = tpu.vector_load %arg7[%get3A_799, %get3A_800] {strides = array<i32>} : memref<128x200xi32, #tpu.memory_space<vmem>>, vector<16xi32>,
    %and3A_802 = arith.constant 127 : i32
    %and3A_803 = vector.broadcast %and3A_802 : i32 to vector<16xi32>
    %and3A_804 = arith.andi %get3A_801, %and3A_803 : vector<16xi32>
    %add3A_805 = arith.addi %get3A_801, %and3A_804 : vector<16xi32>
    %ge3A_806 = arith.constant 64 : i32
    %ge3A_807 = vector.broadcast %ge3A_806 : i32 to vector<16xi32>
    %ge3A_808 = arith.cmpi sge, %and3A_804, %ge3A_807 : vector<16xi32>
    %jit3A_809 = arith.constant 127 : i32
    %jit3A_810 = arith.constant 0 : i32
    %broadcast_in_dim3A_811 = vector.broadcast %jit3A_809 : i32 to vector<16xi32>
    %broadcast_in_dim3A_812 = vector.broadcast %jit3A_810 : i32 to vector<16xi32>
    %select_n3A_813 = arith.select %ge3A_808, %broadcast_in_dim3A_811, %broadcast_in_dim3A_812 : vector<16xi1>, vector<16xi32>
    %sub3A_814 = arith.subi %add3A_805, %select_n3A_813 : vector<16xi32>
    %swap3A_815 = arith.constant 2 : i32
    %swap3A_816 = arith.index_cast %swap3A_815 : i32 to index
    %swap3A_817 = arith.constant 160 : index
    %swap3A_818 = tpu.vector_load %arg8[%swap3A_816, %swap3A_817] {strides = array<i32>} : memref<4x208xi32, #tpu.memory_space<vmem>>, vector<16xi32>,
    tpu.vector_store %arg8[%swap3A_816, %swap3A_817], %sub3A_814 {strides = array<i32>} : memref<4x208xi32, #tpu.memory_space<vmem>>, vector<16xi32>,
    %get3A_819 = arith.constant 2 : i32
    %get3A_820 = arith.index_cast %get3A_819 : i32 to index
    %get3A_821 = arith.constant 176 : index
    %get3A_822 = tpu.vector_load %arg7[%get3A_820, %get3A_821] {strides = array<i32>} : memref<128x200xi32, #tpu.memory_space<vmem>>, vector<16xi32>,
    %and3A_823 = arith.constant 127 : i32
    %and3A_824 = vector.broadcast %and3A_823 : i32 to vector<16xi32>
    %and3A_825 = arith.andi %get3A_822, %and3A_824 : vector<16xi32>
    %add3A_826 = arith.addi %get3A_822, %and3A_825 : vector<16xi32>
    %ge3A_827 = arith.constant 64 : i32
    %ge3A_828 = vector.broadcast %ge3A_827 : i32 to vector<16xi32>
    %ge3A_829 = arith.cmpi sge, %and3A_825, %ge3A_828 : vector<16xi32>
    %jit3A_830 = arith.constant 127 : i32
    %jit3A_831 = arith.constant 0 : i32
    %broadcast_in_dim3A_832 = vector.broadcast %jit3A_830 : i32 to vector<16xi32>
    %broadcast_in_dim3A_833 = vector.broadcast %jit3A_831 : i32 to vector<16xi32>
    %select_n3A_834 = arith.select %ge3A_829, %broadcast_in_dim3A_832, %broadcast_in_dim3A_833 : vector<16xi1>, vector<16xi32>
    %sub3A_835 = arith.subi %add3A_826, %select_n3A_834 : vector<16xi32>
    %swap3A_836 = arith.constant 2 : i32
    %swap3A_837 = arith.index_cast %swap3A_836 : i32 to index
    %swap3A_838 = arith.constant 176 : index
    %swap3A_839 = tpu.vector_load %arg8[%swap3A_837, %swap3A_838] {strides = array<i32>} : memref<4x208xi32, #tpu.memory_space<vmem>>, vector<16xi32>,
    tpu.vector_store %arg8[%swap3A_837, %swap3A_838], %sub3A_835 {strides = array<i32>} : memref<4x208xi32, #tpu.memory_space<vmem>>, vector<16xi32>,
    %get3A_840 = arith.constant 2 : i32
    %get3A_841 = arith.index_cast %get3A_840 : i32 to index
    %get3A_842 = arith.constant 184 : index
    %get3A_843 = tpu.vector_load %arg7[%get3A_841, %get3A_842] {strides = array<i32>} : memref<128x200xi32, #tpu.memory_space<vmem>>, vector<16xi32>,
    %and3A_844 = arith.constant 127 : i32
    %and3A_845 = vector.broadcast %and3A_844 : i32 to vector<16xi32>
    %and3A_846 = arith.andi %get3A_843, %and3A_845 : vector<16xi32>
    %add3A_847 = arith.addi %get3A_843, %and3A_846 : vector<16xi32>
    %ge3A_848 = arith.constant 64 : i32
    %ge3A_849 = vector.broadcast %ge3A_848 : i32 to vector<16xi32>
    %ge3A_850 = arith.cmpi sge, %and3A_846, %ge3A_849 : vector<16xi32>
    %jit3A_851 = arith.constant 127 : i32
    %jit3A_852 = arith.constant 0 : i32
    %broadcast_in_dim3A_853 = vector.broadcast %jit3A_851 : i32 to vector<16xi32>
    %broadcast_in_dim3A_854 = vector.broadcast %jit3A_852 : i32 to vector<16xi32>
    %select_n3A_855 = arith.select %ge3A_850, %broadcast_in_dim3A_853, %broadcast_in_dim3A_854 : vector<16xi1>, vector<16xi32>
    %sub3A_856 = arith.subi %add3A_847, %select_n3A_855 : vector<16xi32>
    %swap3A_857 = arith.constant 2 : i32
    %swap3A_858 = arith.index_cast %swap3A_857 : i32 to index
    %swap3A_859 = arith.constant 184 : index
    %swap3A_860 = tpu.vector_load %arg8[%swap3A_858, %swap3A_859] {strides = array<i32>} : memref<4x208xi32, #tpu.memory_space<vmem>>, vector<16xi32>,
    tpu.vector_store %arg8[%swap3A_858, %swap3A_859], %sub3A_856 {strides = array<i32>} : memref<4x208xi32, #tpu.memory_space<vmem>>, vector<16xi32>,
    %dma_start3A_861 = arith.constant 2 : i32
    %dma_start3A_862 = arith.constant 2 : i32
    %dma_start3A_863 = arith.constant 0 : i32
    %dma_start3A_864 = arith.constant 0 : i32
    %dma_start3A_865 = tpu.memref_slice %arg9[%dma_start3A_862, %dma_start3A_863, %dma_start3A_864] : memref<4x200x64xf32, #tpu.memory_space<vmem>> -> memref<1x128x64xf32, #tpu.memory_space<vmem>>
    %dma_start3A_866 = tpu.memref_squeeze %dma_start3A_865 : memref<1x128x64xf32, #tpu.memory_space<vmem>> -> memref<128x64xf32, #tpu.memory_space<vmem>>
    %dma_start3A_867 = arith.constant 0 : i32
    %dma_start3A_868 = tpu.memref_slice %arg8[%dma_start3A_861, %dma_start3A_867] : memref<4x208xi32, #tpu.memory_space<vmem>> -> memref<1x128xi32, #tpu.memory_space<vmem>>
    %dma_start3A_869 = tpu.memref_squeeze %dma_start3A_868 : memref<1x128xi32, #tpu.memory_space<vmem>> -> memref<128xi32, #tpu.memory_space<vmem>>
    %dma_start3A_870 = arith.constant 0 : i32
    %dma_start3A_871 = arith.constant 0 : i32
    %dma_start3A_872 = tpu.memref_slice %arg4[%dma_start3A_870, %dma_start3A_871] : memref<1000064x64xf32, #tpu.memory_space<hbm>> -> memref<1000064x64xf32, #tpu.memory_space<hbm>>
    tpu.enqueue_indirect_dma source(%dma_start3A_872 : memref<1000064x64xf32, #tpu.memory_space<hbm>>) target(%dma_start3A_866 : memref<128x64xf32, #tpu.memory_space<vmem>>) offsets(%dma_start3A_869 : memref<128xi32, #tpu.memory_space<vmem>>) semaphore(%arg11 : memref<!tpu.dma_semaphore, #tpu.memory_space<semaphore_mem>>)
    %dma_start3A_873 = arith.constant 2 : i32
    %dma_start3A_874 = arith.constant 2 : i32
    %dma_start3A_875 = arith.constant 128 : i32
    %dma_start3A_876 = arith.constant 0 : i32
    %dma_start3A_877 = tpu.memref_slice %arg9[%dma_start3A_874, %dma_start3A_875, %dma_start3A_876] : memref<4x200x64xf32, #tpu.memory_space<vmem>> -> memref<1x72x64xf32, #tpu.memory_space<vmem>>
    %dma_start3A_878 = tpu.memref_squeeze %dma_start3A_877 : memref<1x72x64xf32, #tpu.memory_space<vmem>> -> memref<72x64xf32, #tpu.memory_space<vmem>>
    %dma_start3A_879 = arith.constant 128 : i32
    %dma_start3A_880 = tpu.memref_slice %arg8[%dma_start3A_873, %dma_start3A_879] : memref<4x208xi32, #tpu.memory_space<vmem>> -> memref<1x72xi32, #tpu.memory_space<vmem>>
    %dma_start3A_881 = tpu.memref_squeeze %dma_start3A_880 : memref<1x72xi32, #tpu.memory_space<vmem>> -> memref<72xi32, #tpu.memory_space<vmem>>
    %dma_start3A_882 = arith.constant 0 : i32
    %dma_start3A_883 = arith.constant 0 : i32
    %dma_start3A_884 = tpu.memref_slice %arg4[%dma_start3A_882, %dma_start3A_883] : memref<1000064x64xf32, #tpu.memory_space<hbm>> -> memref<1000064x64xf32, #tpu.memory_space<hbm>>
    tpu.enqueue_indirect_dma source(%dma_start3A_884 : memref<1000064x64xf32, #tpu.memory_space<hbm>>) target(%dma_start3A_878 : memref<72x64xf32, #tpu.memory_space<vmem>>) offsets(%dma_start3A_881 : memref<72xi32, #tpu.memory_space<vmem>>) semaphore(%arg11 : memref<!tpu.dma_semaphore, #tpu.memory_space<semaphore_mem>>)
    %get3A_885 = arith.constant 3 : i32
    %get3A_886 = arith.index_cast %get3A_885 : i32 to index
    %get3A_887 = arith.constant 0 : index
    %get3A_888 = tpu.vector_load %arg7[%get3A_886, %get3A_887] {strides = array<i32>} : memref<128x200xi32, #tpu.memory_space<vmem>>, vector<16xi32>,
    %and3A_889 = arith.constant 127 : i32
    %and3A_890 = vector.broadcast %and3A_889 : i32 to vector<16xi32>
    %and3A_891 = arith.andi %get3A_888, %and3A_890 : vector<16xi32>
    %add3A_892 = arith.addi %get3A_888, %and3A_891 : vector<16xi32>
    %ge3A_893 = arith.constant 64 : i32
    %ge3A_894 = vector.broadcast %ge3A_893 : i32 to vector<16xi32>
    %ge3A_895 = arith.cmpi sge, %and3A_891, %ge3A_894 : vector<16xi32>
    %jit3A_896 = arith.constant 127 : i32
    %jit3A_897 = arith.constant 0 : i32
    %broadcast_in_dim3A_898 = vector.broadcast %jit3A_896 : i32 to vector<16xi32>
    %broadcast_in_dim3A_899 = vector.broadcast %jit3A_897 : i32 to vector<16xi32>
    %select_n3A_900 = arith.select %ge3A_895, %broadcast_in_dim3A_898, %broadcast_in_dim3A_899 : vector<16xi1>, vector<16xi32>
    %sub3A_901 = arith.subi %add3A_892, %select_n3A_900 : vector<16xi32>
    %swap3A_902 = arith.constant 3 : i32
    %swap3A_903 = arith.index_cast %swap3A_902 : i32 to index
    %swap3A_904 = arith.constant 0 : index
    %swap3A_905 = tpu.vector_load %arg8[%swap3A_903, %swap3A_904] {strides = array<i32>} : memref<4x208xi32, #tpu.memory_space<vmem>>, vector<16xi32>,
    tpu.vector_store %arg8[%swap3A_903, %swap3A_904], %sub3A_901 {strides = array<i32>} : memref<4x208xi32, #tpu.memory_space<vmem>>, vector<16xi32>,
    %get3A_906 = arith.constant 3 : i32
    %get3A_907 = arith.index_cast %get3A_906 : i32 to index
    %get3A_908 = arith.constant 16 : index
    %get3A_909 = tpu.vector_load %arg7[%get3A_907, %get3A_908] {strides = array<i32>} : memref<128x200xi32, #tpu.memory_space<vmem>>, vector<16xi32>,
    %and3A_910 = arith.constant 127 : i32
    %and3A_911 = vector.broadcast %and3A_910 : i32 to vector<16xi32>
    %and3A_912 = arith.andi %get3A_909, %and3A_911 : vector<16xi32>
    %add3A_913 = arith.addi %get3A_909, %and3A_912 : vector<16xi32>
    %ge3A_914 = arith.constant 64 : i32
    %ge3A_915 = vector.broadcast %ge3A_914 : i32 to vector<16xi32>
    %ge3A_916 = arith.cmpi sge, %and3A_912, %ge3A_915 : vector<16xi32>
    %jit3A_917 = arith.constant 127 : i32
    %jit3A_918 = arith.constant 0 : i32
    %broadcast_in_dim3A_919 = vector.broadcast %jit3A_917 : i32 to vector<16xi32>
    %broadcast_in_dim3A_920 = vector.broadcast %jit3A_918 : i32 to vector<16xi32>
    %select_n3A_921 = arith.select %ge3A_916, %broadcast_in_dim3A_919, %broadcast_in_dim3A_920 : vector<16xi1>, vector<16xi32>
    %sub3A_922 = arith.subi %add3A_913, %select_n3A_921 : vector<16xi32>
    %swap3A_923 = arith.constant 3 : i32
    %swap3A_924 = arith.index_cast %swap3A_923 : i32 to index
    %swap3A_925 = arith.constant 16 : index
    %swap3A_926 = tpu.vector_load %arg8[%swap3A_924, %swap3A_925] {strides = array<i32>} : memref<4x208xi32, #tpu.memory_space<vmem>>, vector<16xi32>,
    tpu.vector_store %arg8[%swap3A_924, %swap3A_925], %sub3A_922 {strides = array<i32>} : memref<4x208xi32, #tpu.memory_space<vmem>>, vector<16xi32>,
    %get3A_927 = arith.constant 3 : i32
    %get3A_928 = arith.index_cast %get3A_927 : i32 to index
    %get3A_929 = arith.constant 32 : index
    %get3A_930 = tpu.vector_load %arg7[%get3A_928, %get3A_929] {strides = array<i32>} : memref<128x200xi32, #tpu.memory_space<vmem>>, vector<16xi32>,
    %and3A_931 = arith.constant 127 : i32
    %and3A_932 = vector.broadcast %and3A_931 : i32 to vector<16xi32>
    %and3A_933 = arith.andi %get3A_930, %and3A_932 : vector<16xi32>
    %add3A_934 = arith.addi %get3A_930, %and3A_933 : vector<16xi32>
    %ge3A_935 = arith.constant 64 : i32
    %ge3A_936 = vector.broadcast %ge3A_935 : i32 to vector<16xi32>
    %ge3A_937 = arith.cmpi sge, %and3A_933, %ge3A_936 : vector<16xi32>
    %jit3A_938 = arith.constant 127 : i32
    %jit3A_939 = arith.constant 0 : i32
    %broadcast_in_dim3A_940 = vector.broadcast %jit3A_938 : i32 to vector<16xi32>
    %broadcast_in_dim3A_941 = vector.broadcast %jit3A_939 : i32 to vector<16xi32>
    %select_n3A_942 = arith.select %ge3A_937, %broadcast_in_dim3A_940, %broadcast_in_dim3A_941 : vector<16xi1>, vector<16xi32>
    %sub3A_943 = arith.subi %add3A_934, %select_n3A_942 : vector<16xi32>
    %swap3A_944 = arith.constant 3 : i32
    %swap3A_945 = arith.index_cast %swap3A_944 : i32 to index
    %swap3A_946 = arith.constant 32 : index
    %swap3A_947 = tpu.vector_load %arg8[%swap3A_945, %swap3A_946] {strides = array<i32>} : memref<4x208xi32, #tpu.memory_space<vmem>>, vector<16xi32>,
    tpu.vector_store %arg8[%swap3A_945, %swap3A_946], %sub3A_943 {strides = array<i32>} : memref<4x208xi32, #tpu.memory_space<vmem>>, vector<16xi32>,
    %get3A_948 = arith.constant 3 : i32
    %get3A_949 = arith.index_cast %get3A_948 : i32 to index
    %get3A_950 = arith.constant 48 : index
    %get3A_951 = tpu.vector_load %arg7[%get3A_949, %get3A_950] {strides = array<i32>} : memref<128x200xi32, #tpu.memory_space<vmem>>, vector<16xi32>,
    %and3A_952 = arith.constant 127 : i32
    %and3A_953 = vector.broadcast %and3A_952 : i32 to vector<16xi32>
    %and3A_954 = arith.andi %get3A_951, %and3A_953 : vector<16xi32>
    %add3A_955 = arith.addi %get3A_951, %and3A_954 : vector<16xi32>
    %ge3A_956 = arith.constant 64 : i32
    %ge3A_957 = vector.broadcast %ge3A_956 : i32 to vector<16xi32>
    %ge3A_958 = arith.cmpi sge, %and3A_954, %ge3A_957 : vector<16xi32>
    %jit3A_959 = arith.constant 127 : i32
    %jit3A_960 = arith.constant 0 : i32
    %broadcast_in_dim3A_961 = vector.broadcast %jit3A_959 : i32 to vector<16xi32>
    %broadcast_in_dim3A_962 = vector.broadcast %jit3A_960 : i32 to vector<16xi32>
    %select_n3A_963 = arith.select %ge3A_958, %broadcast_in_dim3A_961, %broadcast_in_dim3A_962 : vector<16xi1>, vector<16xi32>
    %sub3A_964 = arith.subi %add3A_955, %select_n3A_963 : vector<16xi32>
    %swap3A_965 = arith.constant 3 : i32
    %swap3A_966 = arith.index_cast %swap3A_965 : i32 to index
    %swap3A_967 = arith.constant 48 : index
    %swap3A_968 = tpu.vector_load %arg8[%swap3A_966, %swap3A_967] {strides = array<i32>} : memref<4x208xi32, #tpu.memory_space<vmem>>, vector<16xi32>,
    tpu.vector_store %arg8[%swap3A_966, %swap3A_967], %sub3A_964 {strides = array<i32>} : memref<4x208xi32, #tpu.memory_space<vmem>>, vector<16xi32>,
    %get3A_969 = arith.constant 3 : i32
    %get3A_970 = arith.index_cast %get3A_969 : i32 to index
    %get3A_971 = arith.constant 64 : index
    %get3A_972 = tpu.vector_load %arg7[%get3A_970, %get3A_971] {strides = array<i32>} : memref<128x200xi32, #tpu.memory_space<vmem>>, vector<16xi32>,
    %and3A_973 = arith.constant 127 : i32
    %and3A_974 = vector.broadcast %and3A_973 : i32 to vector<16xi32>
    %and3A_975 = arith.andi %get3A_972, %and3A_974 : vector<16xi32>
    %add3A_976 = arith.addi %get3A_972, %and3A_975 : vector<16xi32>
    %ge3A_977 = arith.constant 64 : i32
    %ge3A_978 = vector.broadcast %ge3A_977 : i32 to vector<16xi32>
    %ge3A_979 = arith.cmpi sge, %and3A_975, %ge3A_978 : vector<16xi32>
    %jit3A_980 = arith.constant 127 : i32
    %jit3A_981 = arith.constant 0 : i32
    %broadcast_in_dim3A_982 = vector.broadcast %jit3A_980 : i32 to vector<16xi32>
    %broadcast_in_dim3A_983 = vector.broadcast %jit3A_981 : i32 to vector<16xi32>
    %select_n3A_984 = arith.select %ge3A_979, %broadcast_in_dim3A_982, %broadcast_in_dim3A_983 : vector<16xi1>, vector<16xi32>
    %sub3A_985 = arith.subi %add3A_976, %select_n3A_984 : vector<16xi32>
    %swap3A_986 = arith.constant 3 : i32
    %swap3A_987 = arith.index_cast %swap3A_986 : i32 to index
    %swap3A_988 = arith.constant 64 : index
    %swap3A_989 = tpu.vector_load %arg8[%swap3A_987, %swap3A_988] {strides = array<i32>} : memref<4x208xi32, #tpu.memory_space<vmem>>, vector<16xi32>,
    tpu.vector_store %arg8[%swap3A_987, %swap3A_988], %sub3A_985 {strides = array<i32>} : memref<4x208xi32, #tpu.memory_space<vmem>>, vector<16xi32>,
    %get3A_990 = arith.constant 3 : i32
    %get3A_991 = arith.index_cast %get3A_990 : i32 to index
    %get3A_992 = arith.constant 80 : index
    %get3A_993 = tpu.vector_load %arg7[%get3A_991, %get3A_992] {strides = array<i32>} : memref<128x200xi32, #tpu.memory_space<vmem>>, vector<16xi32>,
    %and3A_994 = arith.constant 127 : i32
    %and3A_995 = vector.broadcast %and3A_994 : i32 to vector<16xi32>
    %and3A_996 = arith.andi %get3A_993, %and3A_995 : vector<16xi32>
    %add3A_997 = arith.addi %get3A_993, %and3A_996 : vector<16xi32>
    %ge3A_998 = arith.constant 64 : i32
    %ge3A_999 = vector.broadcast %ge3A_998 : i32 to vector<16xi32>
    %ge3A_1000 = arith.cmpi sge, %and3A_996, %ge3A_999 : vector<16xi32>
    %jit3A_1001 = arith.constant 127 : i32
    %jit3A_1002 = arith.constant 0 : i32
    %broadcast_in_dim3A_1003 = vector.broadcast %jit3A_1001 : i32 to vector<16xi32>
    %broadcast_in_dim3A_1004 = vector.broadcast %jit3A_1002 : i32 to vector<16xi32>
    %select_n3A_1005 = arith.select %ge3A_1000, %broadcast_in_dim3A_1003, %broadcast_in_dim3A_1004 : vector<16xi1>, vector<16xi32>
    %sub3A_1006 = arith.subi %add3A_997, %select_n3A_1005 : vector<16xi32>
    %swap3A_1007 = arith.constant 3 : i32
    %swap3A_1008 = arith.index_cast %swap3A_1007 : i32 to index
    %swap3A_1009 = arith.constant 80 : index
    %swap3A_1010 = tpu.vector_load %arg8[%swap3A_1008, %swap3A_1009] {strides = array<i32>} : memref<4x208xi32, #tpu.memory_space<vmem>>, vector<16xi32>,
    tpu.vector_store %arg8[%swap3A_1008, %swap3A_1009], %sub3A_1006 {strides = array<i32>} : memref<4x208xi32, #tpu.memory_space<vmem>>, vector<16xi32>,
    %get3A_1011 = arith.constant 3 : i32
    %get3A_1012 = arith.index_cast %get3A_1011 : i32 to index
    %get3A_1013 = arith.constant 96 : index
    %get3A_1014 = tpu.vector_load %arg7[%get3A_1012, %get3A_1013] {strides = array<i32>} : memref<128x200xi32, #tpu.memory_space<vmem>>, vector<16xi32>,
    %and3A_1015 = arith.constant 127 : i32
    %and3A_1016 = vector.broadcast %and3A_1015 : i32 to vector<16xi32>
    %and3A_1017 = arith.andi %get3A_1014, %and3A_1016 : vector<16xi32>
    %add3A_1018 = arith.addi %get3A_1014, %and3A_1017 : vector<16xi32>
    %ge3A_1019 = arith.constant 64 : i32
    %ge3A_1020 = vector.broadcast %ge3A_1019 : i32 to vector<16xi32>
    %ge3A_1021 = arith.cmpi sge, %and3A_1017, %ge3A_1020 : vector<16xi32>
    %jit3A_1022 = arith.constant 127 : i32
    %jit3A_1023 = arith.constant 0 : i32
    %broadcast_in_dim3A_1024 = vector.broadcast %jit3A_1022 : i32 to vector<16xi32>
    %broadcast_in_dim3A_1025 = vector.broadcast %jit3A_1023 : i32 to vector<16xi32>
    %select_n3A_1026 = arith.select %ge3A_1021, %broadcast_in_dim3A_1024, %broadcast_in_dim3A_1025 : vector<16xi1>, vector<16xi32>
    %sub3A_1027 = arith.subi %add3A_1018, %select_n3A_1026 : vector<16xi32>
    %swap3A_1028 = arith.constant 3 : i32
    %swap3A_1029 = arith.index_cast %swap3A_1028 : i32 to index
    %swap3A_1030 = arith.constant 96 : index
    %swap3A_1031 = tpu.vector_load %arg8[%swap3A_1029, %swap3A_1030] {strides = array<i32>} : memref<4x208xi32, #tpu.memory_space<vmem>>, vector<16xi32>,
    tpu.vector_store %arg8[%swap3A_1029, %swap3A_1030], %sub3A_1027 {strides = array<i32>} : memref<4x208xi32, #tpu.memory_space<vmem>>, vector<16xi32>,
    %get3A_1032 = arith.constant 3 : i32
    %get3A_1033 = arith.index_cast %get3A_1032 : i32 to index
    %get3A_1034 = arith.constant 112 : index
    %get3A_1035 = tpu.vector_load %arg7[%get3A_1033, %get3A_1034] {strides = array<i32>} : memref<128x200xi32, #tpu.memory_space<vmem>>, vector<16xi32>,
    %and3A_1036 = arith.constant 127 : i32
    %and3A_1037 = vector.broadcast %and3A_1036 : i32 to vector<16xi32>
    %and3A_1038 = arith.andi %get3A_1035, %and3A_1037 : vector<16xi32>
    %add3A_1039 = arith.addi %get3A_1035, %and3A_1038 : vector<16xi32>
    %ge3A_1040 = arith.constant 64 : i32
    %ge3A_1041 = vector.broadcast %ge3A_1040 : i32 to vector<16xi32>
    %ge3A_1042 = arith.cmpi sge, %and3A_1038, %ge3A_1041 : vector<16xi32>
    %jit3A_1043 = arith.constant 127 : i32
    %jit3A_1044 = arith.constant 0 : i32
    %broadcast_in_dim3A_1045 = vector.broadcast %jit3A_1043 : i32 to vector<16xi32>
    %broadcast_in_dim3A_1046 = vector.broadcast %jit3A_1044 : i32 to vector<16xi32>
    %select_n3A_1047 = arith.select %ge3A_1042, %broadcast_in_dim3A_1045, %broadcast_in_dim3A_1046 : vector<16xi1>, vector<16xi32>
    %sub3A_1048 = arith.subi %add3A_1039, %select_n3A_1047 : vector<16xi32>
    %swap3A_1049 = arith.constant 3 : i32
    %swap3A_1050 = arith.index_cast %swap3A_1049 : i32 to index
    %swap3A_1051 = arith.constant 112 : index
    %swap3A_1052 = tpu.vector_load %arg8[%swap3A_1050, %swap3A_1051] {strides = array<i32>} : memref<4x208xi32, #tpu.memory_space<vmem>>, vector<16xi32>,
    tpu.vector_store %arg8[%swap3A_1050, %swap3A_1051], %sub3A_1048 {strides = array<i32>} : memref<4x208xi32, #tpu.memory_space<vmem>>, vector<16xi32>,
    %get3A_1053 = arith.constant 3 : i32
    %get3A_1054 = arith.index_cast %get3A_1053 : i32 to index
    %get3A_1055 = arith.constant 128 : index
    %get3A_1056 = tpu.vector_load %arg7[%get3A_1054, %get3A_1055] {strides = array<i32>} : memref<128x200xi32, #tpu.memory_space<vmem>>, vector<16xi32>,
    %and3A_1057 = arith.constant 127 : i32
    %and3A_1058 = vector.broadcast %and3A_1057 : i32 to vector<16xi32>
    %and3A_1059 = arith.andi %get3A_1056, %and3A_1058 : vector<16xi32>
    %add3A_1060 = arith.addi %get3A_1056, %and3A_1059 : vector<16xi32>
    %ge3A_1061 = arith.constant 64 : i32
    %ge3A_1062 = vector.broadcast %ge3A_1061 : i32 to vector<16xi32>
    %ge3A_1063 = arith.cmpi sge, %and3A_1059, %ge3A_1062 : vector<16xi32>
    %jit3A_1064 = arith.constant 127 : i32
    %jit3A_1065 = arith.constant 0 : i32
    %broadcast_in_dim3A_1066 = vector.broadcast %jit3A_1064 : i32 to vector<16xi32>
    %broadcast_in_dim3A_1067 = vector.broadcast %jit3A_1065 : i32 to vector<16xi32>
    %select_n3A_1068 = arith.select %ge3A_1063, %broadcast_in_dim3A_1066, %broadcast_in_dim3A_1067 : vector<16xi1>, vector<16xi32>
    %sub3A_1069 = arith.subi %add3A_1060, %select_n3A_1068 : vector<16xi32>
    %swap3A_1070 = arith.constant 3 : i32
    %swap3A_1071 = arith.index_cast %swap3A_1070 : i32 to index
    %swap3A_1072 = arith.constant 128 : index
    %swap3A_1073 = tpu.vector_load %arg8[%swap3A_1071, %swap3A_1072] {strides = array<i32>} : memref<4x208xi32, #tpu.memory_space<vmem>>, vector<16xi32>,
    tpu.vector_store %arg8[%swap3A_1071, %swap3A_1072], %sub3A_1069 {strides = array<i32>} : memref<4x208xi32, #tpu.memory_space<vmem>>, vector<16xi32>,
    %get3A_1074 = arith.constant 3 : i32
    %get3A_1075 = arith.index_cast %get3A_1074 : i32 to index
    %get3A_1076 = arith.constant 144 : index
    %get3A_1077 = tpu.vector_load %arg7[%get3A_1075, %get3A_1076] {strides = array<i32>} : memref<128x200xi32, #tpu.memory_space<vmem>>, vector<16xi32>,
    %and3A_1078 = arith.constant 127 : i32
    %and3A_1079 = vector.broadcast %and3A_1078 : i32 to vector<16xi32>
    %and3A_1080 = arith.andi %get3A_1077, %and3A_1079 : vector<16xi32>
    %add3A_1081 = arith.addi %get3A_1077, %and3A_1080 : vector<16xi32>
    %ge3A_1082 = arith.constant 64 : i32
    %ge3A_1083 = vector.broadcast %ge3A_1082 : i32 to vector<16xi32>
    %ge3A_1084 = arith.cmpi sge, %and3A_1080, %ge3A_1083 : vector<16xi32>
    %jit3A_1085 = arith.constant 127 : i32
    %jit3A_1086 = arith.constant 0 : i32
    %broadcast_in_dim3A_1087 = vector.broadcast %jit3A_1085 : i32 to vector<16xi32>
    %broadcast_in_dim3A_1088 = vector.broadcast %jit3A_1086 : i32 to vector<16xi32>
    %select_n3A_1089 = arith.select %ge3A_1084, %broadcast_in_dim3A_1087, %broadcast_in_dim3A_1088 : vector<16xi1>, vector<16xi32>
    %sub3A_1090 = arith.subi %add3A_1081, %select_n3A_1089 : vector<16xi32>
    %swap3A_1091 = arith.constant 3 : i32
    %swap3A_1092 = arith.index_cast %swap3A_1091 : i32 to index
    %swap3A_1093 = arith.constant 144 : index
    %swap3A_1094 = tpu.vector_load %arg8[%swap3A_1092, %swap3A_1093] {strides = array<i32>} : memref<4x208xi32, #tpu.memory_space<vmem>>, vector<16xi32>,
    tpu.vector_store %arg8[%swap3A_1092, %swap3A_1093], %sub3A_1090 {strides = array<i32>} : memref<4x208xi32, #tpu.memory_space<vmem>>, vector<16xi32>,
    %get3A_1095 = arith.constant 3 : i32
    %get3A_1096 = arith.index_cast %get3A_1095 : i32 to index
    %get3A_1097 = arith.constant 160 : index
    %get3A_1098 = tpu.vector_load %arg7[%get3A_1096, %get3A_1097] {strides = array<i32>} : memref<128x200xi32, #tpu.memory_space<vmem>>, vector<16xi32>,
    %and3A_1099 = arith.constant 127 : i32
    %and3A_1100 = vector.broadcast %and3A_1099 : i32 to vector<16xi32>
    %and3A_1101 = arith.andi %get3A_1098, %and3A_1100 : vector<16xi32>
    %add3A_1102 = arith.addi %get3A_1098, %and3A_1101 : vector<16xi32>
    %ge3A_1103 = arith.constant 64 : i32
    %ge3A_1104 = vector.broadcast %ge3A_1103 : i32 to vector<16xi32>
    %ge3A_1105 = arith.cmpi sge, %and3A_1101, %ge3A_1104 : vector<16xi32>
    %jit3A_1106 = arith.constant 127 : i32
    %jit3A_1107 = arith.constant 0 : i32
    %broadcast_in_dim3A_1108 = vector.broadcast %jit3A_1106 : i32 to vector<16xi32>
    %broadcast_in_dim3A_1109 = vector.broadcast %jit3A_1107 : i32 to vector<16xi32>
    %select_n3A_1110 = arith.select %ge3A_1105, %broadcast_in_dim3A_1108, %broadcast_in_dim3A_1109 : vector<16xi1>, vector<16xi32>
    %sub3A_1111 = arith.subi %add3A_1102, %select_n3A_1110 : vector<16xi32>
    %swap3A_1112 = arith.constant 3 : i32
    %swap3A_1113 = arith.index_cast %swap3A_1112 : i32 to index
    %swap3A_1114 = arith.constant 160 : index
    %swap3A_1115 = tpu.vector_load %arg8[%swap3A_1113, %swap3A_1114] {strides = array<i32>} : memref<4x208xi32, #tpu.memory_space<vmem>>, vector<16xi32>,
    tpu.vector_store %arg8[%swap3A_1113, %swap3A_1114], %sub3A_1111 {strides = array<i32>} : memref<4x208xi32, #tpu.memory_space<vmem>>, vector<16xi32>,
    %get3A_1116 = arith.constant 3 : i32
    %get3A_1117 = arith.index_cast %get3A_1116 : i32 to index
    %get3A_1118 = arith.constant 176 : index
    %get3A_1119 = tpu.vector_load %arg7[%get3A_1117, %get3A_1118] {strides = array<i32>} : memref<128x200xi32, #tpu.memory_space<vmem>>, vector<16xi32>,
    %and3A_1120 = arith.constant 127 : i32
    %and3A_1121 = vector.broadcast %and3A_1120 : i32 to vector<16xi32>
    %and3A_1122 = arith.andi %get3A_1119, %and3A_1121 : vector<16xi32>
    %add3A_1123 = arith.addi %get3A_1119, %and3A_1122 : vector<16xi32>
    %ge3A_1124 = arith.constant 64 : i32
    %ge3A_1125 = vector.broadcast %ge3A_1124 : i32 to vector<16xi32>
    %ge3A_1126 = arith.cmpi sge, %and3A_1122, %ge3A_1125 : vector<16xi32>
    %jit3A_1127 = arith.constant 127 : i32
    %jit3A_1128 = arith.constant 0 : i32
    %broadcast_in_dim3A_1129 = vector.broadcast %jit3A_1127 : i32 to vector<16xi32>
    %broadcast_in_dim3A_1130 = vector.broadcast %jit3A_1128 : i32 to vector<16xi32>
    %select_n3A_1131 = arith.select %ge3A_1126, %broadcast_in_dim3A_1129, %broadcast_in_dim3A_1130 : vector<16xi1>, vector<16xi32>
    %sub3A_1132 = arith.subi %add3A_1123, %select_n3A_1131 : vector<16xi32>
    %swap3A_1133 = arith.constant 3 : i32
    %swap3A_1134 = arith.index_cast %swap3A_1133 : i32 to index
    %swap3A_1135 = arith.constant 176 : index
    %swap3A_1136 = tpu.vector_load %arg8[%swap3A_1134, %swap3A_1135] {strides = array<i32>} : memref<4x208xi32, #tpu.memory_space<vmem>>, vector<16xi32>,
    tpu.vector_store %arg8[%swap3A_1134, %swap3A_1135], %sub3A_1132 {strides = array<i32>} : memref<4x208xi32, #tpu.memory_space<vmem>>, vector<16xi32>,
    %get3A_1137 = arith.constant 3 : i32
    %get3A_1138 = arith.index_cast %get3A_1137 : i32 to index
    %get3A_1139 = arith.constant 184 : index
    %get3A_1140 = tpu.vector_load %arg7[%get3A_1138, %get3A_1139] {strides = array<i32>} : memref<128x200xi32, #tpu.memory_space<vmem>>, vector<16xi32>,
    %and3A_1141 = arith.constant 127 : i32
    %and3A_1142 = vector.broadcast %and3A_1141 : i32 to vector<16xi32>
    %and3A_1143 = arith.andi %get3A_1140, %and3A_1142 : vector<16xi32>
    %add3A_1144 = arith.addi %get3A_1140, %and3A_1143 : vector<16xi32>
    %ge3A_1145 = arith.constant 64 : i32
    %ge3A_1146 = vector.broadcast %ge3A_1145 : i32 to vector<16xi32>
    %ge3A_1147 = arith.cmpi sge, %and3A_1143, %ge3A_1146 : vector<16xi32>
    %jit3A_1148 = arith.constant 127 : i32
    %jit3A_1149 = arith.constant 0 : i32
    %broadcast_in_dim3A_1150 = vector.broadcast %jit3A_1148 : i32 to vector<16xi32>
    %broadcast_in_dim3A_1151 = vector.broadcast %jit3A_1149 : i32 to vector<16xi32>
    %select_n3A_1152 = arith.select %ge3A_1147, %broadcast_in_dim3A_1150, %broadcast_in_dim3A_1151 : vector<16xi1>, vector<16xi32>
    %sub3A_1153 = arith.subi %add3A_1144, %select_n3A_1152 : vector<16xi32>
    %swap3A_1154 = arith.constant 3 : i32
    %swap3A_1155 = arith.index_cast %swap3A_1154 : i32 to index
    %swap3A_1156 = arith.constant 184 : index
    %swap3A_1157 = tpu.vector_load %arg8[%swap3A_1155, %swap3A_1156] {strides = array<i32>} : memref<4x208xi32, #tpu.memory_space<vmem>>, vector<16xi32>,
    tpu.vector_store %arg8[%swap3A_1155, %swap3A_1156], %sub3A_1153 {strides = array<i32>} : memref<4x208xi32, #tpu.memory_space<vmem>>, vector<16xi32>,
    %dma_start3A_1158 = arith.constant 3 : i32
    %dma_start3A_1159 = arith.constant 3 : i32
    %dma_start3A_1160 = arith.constant 0 : i32
    %dma_start3A_1161 = arith.constant 0 : i32
    %dma_start3A_1162 = tpu.memref_slice %arg9[%dma_start3A_1159, %dma_start3A_1160, %dma_start3A_1161] : memref<4x200x64xf32, #tpu.memory_space<vmem>> -> memref<1x128x64xf32, #tpu.memory_space<vmem>>
    %dma_start3A_1163 = tpu.memref_squeeze %dma_start3A_1162 : memref<1x128x64xf32, #tpu.memory_space<vmem>> -> memref<128x64xf32, #tpu.memory_space<vmem>>
    %dma_start3A_1164 = arith.constant 0 : i32
    %dma_start3A_1165 = tpu.memref_slice %arg8[%dma_start3A_1158, %dma_start3A_1164] : memref<4x208xi32, #tpu.memory_space<vmem>> -> memref<1x128xi32, #tpu.memory_space<vmem>>
    %dma_start3A_1166 = tpu.memref_squeeze %dma_start3A_1165 : memref<1x128xi32, #tpu.memory_space<vmem>> -> memref<128xi32, #tpu.memory_space<vmem>>
    %dma_start3A_1167 = arith.constant 0 : i32
    %dma_start3A_1168 = arith.constant 0 : i32
    %dma_start3A_1169 = tpu.memref_slice %arg4[%dma_start3A_1167, %dma_start3A_1168] : memref<1000064x64xf32, #tpu.memory_space<hbm>> -> memref<1000064x64xf32, #tpu.memory_space<hbm>>
    tpu.enqueue_indirect_dma source(%dma_start3A_1169 : memref<1000064x64xf32, #tpu.memory_space<hbm>>) target(%dma_start3A_1163 : memref<128x64xf32, #tpu.memory_space<vmem>>) offsets(%dma_start3A_1166 : memref<128xi32, #tpu.memory_space<vmem>>) semaphore(%arg11 : memref<!tpu.dma_semaphore, #tpu.memory_space<semaphore_mem>>)
    %dma_start3A_1170 = arith.constant 3 : i32
    %dma_start3A_1171 = arith.constant 3 : i32
    %dma_start3A_1172 = arith.constant 128 : i32
    %dma_start3A_1173 = arith.constant 0 : i32
    %dma_start3A_1174 = tpu.memref_slice %arg9[%dma_start3A_1171, %dma_start3A_1172, %dma_start3A_1173] : memref<4x200x64xf32, #tpu.memory_space<vmem>> -> memref<1x72x64xf32, #tpu.memory_space<vmem>>
    %dma_start3A_1175 = tpu.memref_squeeze %dma_start3A_1174 : memref<1x72x64xf32, #tpu.memory_space<vmem>> -> memref<72x64xf32, #tpu.memory_space<vmem>>
    %dma_start3A_1176 = arith.constant 128 : i32
    %dma_start3A_1177 = tpu.memref_slice %arg8[%dma_start3A_1170, %dma_start3A_1176] : memref<4x208xi32, #tpu.memory_space<vmem>> -> memref<1x72xi32, #tpu.memory_space<vmem>>
    %dma_start3A_1178 = tpu.memref_squeeze %dma_start3A_1177 : memref<1x72xi32, #tpu.memory_space<vmem>> -> memref<72xi32, #tpu.memory_space<vmem>>
    %dma_start3A_1179 = arith.constant 0 : i32
    %dma_start3A_1180 = arith.constant 0 : i32
    %dma_start3A_1181 = tpu.memref_slice %arg4[%dma_start3A_1179, %dma_start3A_1180] : memref<1000064x64xf32, #tpu.memory_space<hbm>> -> memref<1000064x64xf32, #tpu.memory_space<hbm>>
    tpu.enqueue_indirect_dma source(%dma_start3A_1181 : memref<1000064x64xf32, #tpu.memory_space<hbm>>) target(%dma_start3A_1175 : memref<72x64xf32, #tpu.memory_space<vmem>>) offsets(%dma_start3A_1178 : memref<72xi32, #tpu.memory_space<vmem>>) semaphore(%arg11 : memref<!tpu.dma_semaphore, #tpu.memory_space<semaphore_mem>>)
    %scan3A = arith.constant 0 : i32
    %scan3A_1182 = arith.constant 0 : i32
    %scan3A_1183 = arith.constant 128 : i32
    %scan3A_1184 = arith.addi %scan3A_1182, %scan3A_1183 : i32
    %scan3A_1185 = arith.constant 1 : i32
    scf.for %scan3A_1253 = %scan3A_1182 to %scan3A_1184 step %scan3A_1185  : i32 {
      %rem3A_1254 = arith.constant 4 : i32
      %rem3A_1255 = arith.remsi %scan3A_1253, %rem3A_1254 : i32
      %dma_wait3A_1256 = arith.constant 0 : i32
      %dma_wait3A_1257 = arith.constant 0 : i32
      %dma_wait3A_1258 = tpu.memref_slice %arg9[%rem3A_1255, %dma_wait3A_1256, %dma_wait3A_1257] : memref<4x200x64xf32, #tpu.memory_space<vmem>> -> memref<1x128x64xf32, #tpu.memory_space<vmem>>
      %dma_wait3A_1259 = tpu.memref_squeeze %dma_wait3A_1258 : memref<1x128x64xf32, #tpu.memory_space<vmem>> -> memref<128x64xf32, #tpu.memory_space<vmem>>
      %dma_wait3A_1260 = arith.constant 0 : i32
      %dma_wait3A_1261 = tpu.memref_slice %arg8[%rem3A_1255, %dma_wait3A_1260] : memref<4x208xi32, #tpu.memory_space<vmem>> -> memref<1x128xi32, #tpu.memory_space<vmem>>
      %dma_wait3A_1262 = tpu.memref_squeeze %dma_wait3A_1261 : memref<1x128xi32, #tpu.memory_space<vmem>> -> memref<128xi32, #tpu.memory_space<vmem>>
      %dma_wait3A_1263 = arith.constant 0 : i32
      %dma_wait3A_1264 = arith.constant 0 : i32
      %dma_wait3A_1265 = tpu.memref_slice %arg4[%dma_wait3A_1263, %dma_wait3A_1264] : memref<1000064x64xf32, #tpu.memory_space<hbm>> -> memref<1000064x64xf32, #tpu.memory_space<hbm>>
      tpu.wait_indirect_dma semaphore(%arg11 : memref<!tpu.dma_semaphore, #tpu.memory_space<semaphore_mem>>) src(%dma_wait3A_1265 : memref<1000064x64xf32, #tpu.memory_space<hbm>>) dst(%dma_wait3A_1259 : memref<128x64xf32, #tpu.memory_space<vmem>>)
      %dma_wait3A_1266 = arith.constant 128 : i32
      %dma_wait3A_1267 = arith.constant 0 : i32
      %dma_wait3A_1268 = tpu.memref_slice %arg9[%rem3A_1255, %dma_wait3A_1266, %dma_wait3A_1267] : memref<4x200x64xf32, #tpu.memory_space<vmem>> -> memref<1x72x64xf32, #tpu.memory_space<vmem>>
      %dma_wait3A_1269 = tpu.memref_squeeze %dma_wait3A_1268 : memref<1x72x64xf32, #tpu.memory_space<vmem>> -> memref<72x64xf32, #tpu.memory_space<vmem>>
      %dma_wait3A_1270 = arith.constant 128 : i32
      %dma_wait3A_1271 = tpu.memref_slice %arg8[%rem3A_1255, %dma_wait3A_1270] : memref<4x208xi32, #tpu.memory_space<vmem>> -> memref<1x72xi32, #tpu.memory_space<vmem>>
      %dma_wait3A_1272 = tpu.memref_squeeze %dma_wait3A_1271 : memref<1x72xi32, #tpu.memory_space<vmem>> -> memref<72xi32, #tpu.memory_space<vmem>>
      %dma_wait3A_1273 = arith.constant 0 : i32
      %dma_wait3A_1274 = arith.constant 0 : i32
      %dma_wait3A_1275 = tpu.memref_slice %arg4[%dma_wait3A_1273, %dma_wait3A_1274] : memref<1000064x64xf32, #tpu.memory_space<hbm>> -> memref<1000064x64xf32, #tpu.memory_space<hbm>>
      tpu.wait_indirect_dma semaphore(%arg11 : memref<!tpu.dma_semaphore, #tpu.memory_space<semaphore_mem>>) src(%dma_wait3A_1275 : memref<1000064x64xf32, #tpu.memory_space<hbm>>) dst(%dma_wait3A_1269 : memref<72x64xf32, #tpu.memory_space<vmem>>)
      %ge3A_1276 = arith.constant 4 : i32
      %ge3A_1277 = arith.cmpi sge, %scan3A_1253, %ge3A_1276 : i32
      %convert_element_type3A = arith.extui %ge3A_1277 : i1 to i32
      %cond3A = arith.constant 0 : i32
      %cond3A_1278 = arith.cmpi ne, %convert_element_type3A, %cond3A : i32
      scf.if %cond3A_1278 {
        %add3A_1616 = arith.addi %mul3A_2, %scan3A_1253 : i32
        %sub3A_1617 = arith.constant 4 : i32
        %sub3A_1618 = arith.subi %add3A_1616, %sub3A_1617 : i32
        %dma_wait3A_1619 = arith.constant 0 : i32
        %dma_wait3A_1620 = tpu.memref_slice %arg10[%rem3A_1255, %dma_wait3A_1619] : memref<4x208xf32, #tpu.memory_space<vmem>> -> memref<1x200xf32, #tpu.memory_space<vmem>>
        %dma_wait3A_1621 = tpu.memref_squeeze %dma_wait3A_1620 : memref<1x200xf32, #tpu.memory_space<vmem>> -> memref<200xf32, #tpu.memory_space<vmem>>
        %dma_wait3A_1622 = arith.constant 0 : i32
        %dma_wait3A_1623 = tpu.memref_slice %arg5[%sub3A_1618, %dma_wait3A_1622] : memref<4096x200xf32, #tpu.memory_space<hbm>> -> memref<1x200xf32, #tpu.memory_space<hbm>>
        %dma_wait3A_1624 = tpu.memref_squeeze %dma_wait3A_1623 : memref<1x200xf32, #tpu.memory_space<hbm>> -> memref<200xf32, #tpu.memory_space<hbm>>
        %dma_wait3A_1625 = arith.constant 0 : i32
        %dma_wait3A_1626 = tpu.memref_slice %arg5[%sub3A_1618, %dma_wait3A_1625] : memref<4096x200xf32, #tpu.memory_space<hbm>> -> memref<1x200xf32, #tpu.memory_space<hbm>>
        %dma_wait3A_1627 = tpu.memref_squeeze %dma_wait3A_1626 : memref<1x200xf32, #tpu.memory_space<hbm>> -> memref<200xf32, #tpu.memory_space<hbm>>
        %dma_wait3A_1628 = arith.constant 0 : i32
        %dma_wait3A_1629 = tpu.memref_slice %arg10[%rem3A_1255, %dma_wait3A_1628] : memref<4x208xf32, #tpu.memory_space<vmem>> -> memref<1x200xf32, #tpu.memory_space<vmem>>
        %dma_wait3A_1630 = tpu.memref_squeeze %dma_wait3A_1629 : memref<1x200xf32, #tpu.memory_space<vmem>> -> memref<200xf32, #tpu.memory_space<vmem>>
        tpu.wait_dma2 semaphore(%arg12 : memref<!tpu.dma_semaphore, #tpu.memory_space<semaphore_mem>>) src(%dma_wait3A_1630 : memref<200xf32, #tpu.memory_space<vmem>>) dst(%dma_wait3A_1627 : memref<200xf32, #tpu.memory_space<hbm>>)
      } else {
      }
      %get3A_1279 = arith.index_cast %scan3A_1253 : i32 to index
      %get3A_1280 = arith.constant 0 : index
      %get3A_1281 = tpu.vector_load %arg6[%get3A_1279, %get3A_1280] {strides = array<i32>} : memref<128x64xf32, #tpu.memory_space<vmem>>, vector<16xf32>,
      %get3A_1282 = arith.index_cast %scan3A_1253 : i32 to index
      %get3A_1283 = arith.constant 16 : index
      %get3A_1284 = tpu.vector_load %arg6[%get3A_1282, %get3A_1283] {strides = array<i32>} : memref<128x64xf32, #tpu.memory_space<vmem>>, vector<16xf32>,
      %get3A_1285 = arith.index_cast %scan3A_1253 : i32 to index
      %get3A_1286 = arith.constant 32 : index
      %get3A_1287 = tpu.vector_load %arg6[%get3A_1285, %get3A_1286] {strides = array<i32>} : memref<128x64xf32, #tpu.memory_space<vmem>>, vector<16xf32>,
      %get3A_1288 = arith.index_cast %scan3A_1253 : i32 to index
      %get3A_1289 = arith.constant 48 : index
      %get3A_1290 = tpu.vector_load %arg6[%get3A_1288, %get3A_1289] {strides = array<i32>} : memref<128x64xf32, #tpu.memory_space<vmem>>, vector<16xf32>,
      %iota3A = tpu.iota {dimensions = array<i32: 0>} : vector<16xi32>
      %broadcast_in_dim3A_1291 = arith.constant 15 : i32
      %broadcast_in_dim3A_1292 = vector.broadcast %broadcast_in_dim3A_1291 : i32 to vector<16xi32>
      %scan3A_1293 = arith.constant 0 : i32
      %scan3A_1294 = arith.constant 0 : i32
      %scan3A_1295 = arith.constant 12 : i32
      %scan3A_1296 = arith.addi %scan3A_1294, %scan3A_1295 : i32
      %scan3A_1297 = arith.constant 1 : i32
      scf.for %scan3A_1616 = %scan3A_1294 to %scan3A_1296 step %scan3A_1297  : i32 {
        %mul3A_1617 = arith.constant 16 : i32
        %mul3A_1618 = arith.muli %scan3A_1616, %mul3A_1617 : i32
        %broadcast_in_dim3A_1619 = arith.constant 0.000000e+00 : f32
        %broadcast_in_dim3A_1620 = vector.broadcast %broadcast_in_dim3A_1619 : f32 to vector<16xf32>
        %eq3A_1621 = arith.constant 0 : i32
        %eq3A_1622 = vector.broadcast %eq3A_1621 : i32 to vector<16xi32>
        %eq3A_1623 = arith.cmpi eq, %iota3A, %eq3A_1622 : vector<16xi32>
        %add3A_1624 = arith.constant 0 : i32
        %add3A_1625 = arith.addi %mul3A_1618, %add3A_1624 : i32
        %get3A_1626 = arith.index_cast %rem3A_1255 : i32 to index
        %get3A_1627 = arith.index_cast %add3A_1625 : i32 to index
        %get3A_1628 = arith.constant 0 : index
        %get3A_1629 = tpu.vector_load %arg9[%get3A_1626, %get3A_1627, %get3A_1628] {strides = array<i32>} : memref<4x200x64xf32, #tpu.memory_space<vmem>>, vector<16xf32>,
        %mul3A_1630 = arith.mulf %get3A_1629, %get3A_1281 : vector<16xf32>
        %get3A_1631 = arith.index_cast %rem3A_1255 : i32 to index
        %get3A_1632 = arith.index_cast %add3A_1625 : i32 to index
        %get3A_1633 = arith.constant 16 : index
        %get3A_1634 = tpu.vector_load %arg9[%get3A_1631, %get3A_1632, %get3A_1633] {strides = array<i32>} : memref<4x200x64xf32, #tpu.memory_space<vmem>>, vector<16xf32>,
        %mul3A_1635 = arith.mulf %get3A_1634, %get3A_1284 : vector<16xf32>
        %add3A_1636 = arith.addf %mul3A_1630, %mul3A_1635 : vector<16xf32>
        %get3A_1637 = arith.index_cast %rem3A_1255 : i32 to index
        %get3A_1638 = arith.index_cast %add3A_1625 : i32 to index
        %get3A_1639 = arith.constant 32 : index
        %get3A_1640 = tpu.vector_load %arg9[%get3A_1637, %get3A_1638, %get3A_1639] {strides = array<i32>} : memref<4x200x64xf32, #tpu.memory_space<vmem>>, vector<16xf32>,
        %mul3A_1641 = arith.mulf %get3A_1640, %get3A_1287 : vector<16xf32>
        %add3A_1642 = arith.addf %add3A_1636, %mul3A_1641 : vector<16xf32>
        %get3A_1643 = arith.index_cast %rem3A_1255 : i32 to index
        %get3A_1644 = arith.index_cast %add3A_1625 : i32 to index
        %get3A_1645 = arith.constant 48 : index
        %get3A_1646 = tpu.vector_load %arg9[%get3A_1643, %get3A_1644, %get3A_1645] {strides = array<i32>} : memref<4x200x64xf32, #tpu.memory_space<vmem>>, vector<16xf32>,
        %mul3A_1647 = arith.mulf %get3A_1646, %get3A_1290 : vector<16xf32>
        %add3A_1648 = arith.addf %add3A_1642, %mul3A_1647 : vector<16xf32>
        %broadcast_in_dim3A_1649 = arith.constant true
        %broadcast_in_dim3A_1650 = vector.broadcast %broadcast_in_dim3A_1649 : i1 to vector<16xi1>
        %masked_cumsum3A_1651 = tpu.scan <sum>, %add3A_1648 masked %broadcast_in_dim3A_1650 : vector<16xf32>, vector<16xi1> -> vector<16xf32>
        %broadcast_in_dim3A_1652 = vector.shape_cast %broadcast_in_dim3A_1292 : vector<16xi32> to vector<16x1xi32>
        %gather3A_1653 = vector.shape_cast %broadcast_in_dim3A_1652 : vector<16x1xi32> to vector<16xi32>
        %gather3A_1654 = tpu.dynamic_gather %masked_cumsum3A_1651[%gather3A_1653] in [0] : vector<16xf32>, vector<16xi32> -> vector<16xf32>
        %select_n3A_1655 = arith.select %eq3A_1623, %gather3A_1654, %broadcast_in_dim3A_1620 : vector<16xi1>, vector<16xf32>
        %eq3A_1656 = arith.constant 1 : i32
        %eq3A_1657 = vector.broadcast %eq3A_1656 : i32 to vector<16xi32>
        %eq3A_1658 = arith.cmpi eq, %iota3A, %eq3A_1657 : vector<16xi32>
        %add3A_1659 = arith.constant 1 : i32
        %add3A_1660 = arith.addi %mul3A_1618, %add3A_1659 : i32
        %get3A_1661 = arith.index_cast %rem3A_1255 : i32 to index
        %get3A_1662 = arith.index_cast %add3A_1660 : i32 to index
        %get3A_1663 = arith.constant 0 : index
        %get3A_1664 = tpu.vector_load %arg9[%get3A_1661, %get3A_1662, %get3A_1663] {strides = array<i32>} : memref<4x200x64xf32, #tpu.memory_space<vmem>>, vector<16xf32>,
        %mul3A_1665 = arith.mulf %get3A_1664, %get3A_1281 : vector<16xf32>
        %get3A_1666 = arith.index_cast %rem3A_1255 : i32 to index
        %get3A_1667 = arith.index_cast %add3A_1660 : i32 to index
        %get3A_1668 = arith.constant 16 : index
        %get3A_1669 = tpu.vector_load %arg9[%get3A_1666, %get3A_1667, %get3A_1668] {strides = array<i32>} : memref<4x200x64xf32, #tpu.memory_space<vmem>>, vector<16xf32>,
        %mul3A_1670 = arith.mulf %get3A_1669, %get3A_1284 : vector<16xf32>
        %add3A_1671 = arith.addf %mul3A_1665, %mul3A_1670 : vector<16xf32>
        %get3A_1672 = arith.index_cast %rem3A_1255 : i32 to index
        %get3A_1673 = arith.index_cast %add3A_1660 : i32 to index
        %get3A_1674 = arith.constant 32 : index
        %get3A_1675 = tpu.vector_load %arg9[%get3A_1672, %get3A_1673, %get3A_1674] {strides = array<i32>} : memref<4x200x64xf32, #tpu.memory_space<vmem>>, vector<16xf32>,
        %mul3A_1676 = arith.mulf %get3A_1675, %get3A_1287 : vector<16xf32>
        %add3A_1677 = arith.addf %add3A_1671, %mul3A_1676 : vector<16xf32>
        %get3A_1678 = arith.index_cast %rem3A_1255 : i32 to index
        %get3A_1679 = arith.index_cast %add3A_1660 : i32 to index
        %get3A_1680 = arith.constant 48 : index
        %get3A_1681 = tpu.vector_load %arg9[%get3A_1678, %get3A_1679, %get3A_1680] {strides = array<i32>} : memref<4x200x64xf32, #tpu.memory_space<vmem>>, vector<16xf32>,
        %mul3A_1682 = arith.mulf %get3A_1681, %get3A_1290 : vector<16xf32>
        %add3A_1683 = arith.addf %add3A_1677, %mul3A_1682 : vector<16xf32>
        %broadcast_in_dim3A_1684 = arith.constant true
        %broadcast_in_dim3A_1685 = vector.broadcast %broadcast_in_dim3A_1684 : i1 to vector<16xi1>
        %masked_cumsum3A_1686 = tpu.scan <sum>, %add3A_1683 masked %broadcast_in_dim3A_1685 : vector<16xf32>, vector<16xi1> -> vector<16xf32>
        %broadcast_in_dim3A_1687 = vector.shape_cast %broadcast_in_dim3A_1292 : vector<16xi32> to vector<16x1xi32>
        %gather3A_1688 = vector.shape_cast %broadcast_in_dim3A_1687 : vector<16x1xi32> to vector<16xi32>
        %gather3A_1689 = tpu.dynamic_gather %masked_cumsum3A_1686[%gather3A_1688] in [0] : vector<16xf32>, vector<16xi32> -> vector<16xf32>
        %select_n3A_1690 = arith.select %eq3A_1658, %gather3A_1689, %select_n3A_1655 : vector<16xi1>, vector<16xf32>
        %eq3A_1691 = arith.constant 2 : i32
        %eq3A_1692 = vector.broadcast %eq3A_1691 : i32 to vector<16xi32>
        %eq3A_1693 = arith.cmpi eq, %iota3A, %eq3A_1692 : vector<16xi32>
        %add3A_1694 = arith.constant 2 : i32
        %add3A_1695 = arith.addi %mul3A_1618, %add3A_1694 : i32
        %get3A_1696 = arith.index_cast %rem3A_1255 : i32 to index
        %get3A_1697 = arith.index_cast %add3A_1695 : i32 to index
        %get3A_1698 = arith.constant 0 : index
        %get3A_1699 = tpu.vector_load %arg9[%get3A_1696, %get3A_1697, %get3A_1698] {strides = array<i32>} : memref<4x200x64xf32, #tpu.memory_space<vmem>>, vector<16xf32>,
        %mul3A_1700 = arith.mulf %get3A_1699, %get3A_1281 : vector<16xf32>
        %get3A_1701 = arith.index_cast %rem3A_1255 : i32 to index
        %get3A_1702 = arith.index_cast %add3A_1695 : i32 to index
        %get3A_1703 = arith.constant 16 : index
        %get3A_1704 = tpu.vector_load %arg9[%get3A_1701, %get3A_1702, %get3A_1703] {strides = array<i32>} : memref<4x200x64xf32, #tpu.memory_space<vmem>>, vector<16xf32>,
        %mul3A_1705 = arith.mulf %get3A_1704, %get3A_1284 : vector<16xf32>
        %add3A_1706 = arith.addf %mul3A_1700, %mul3A_1705 : vector<16xf32>
        %get3A_1707 = arith.index_cast %rem3A_1255 : i32 to index
        %get3A_1708 = arith.index_cast %add3A_1695 : i32 to index
        %get3A_1709 = arith.constant 32 : index
        %get3A_1710 = tpu.vector_load %arg9[%get3A_1707, %get3A_1708, %get3A_1709] {strides = array<i32>} : memref<4x200x64xf32, #tpu.memory_space<vmem>>, vector<16xf32>,
        %mul3A_1711 = arith.mulf %get3A_1710, %get3A_1287 : vector<16xf32>
        %add3A_1712 = arith.addf %add3A_1706, %mul3A_1711 : vector<16xf32>
        %get3A_1713 = arith.index_cast %rem3A_1255 : i32 to index
        %get3A_1714 = arith.index_cast %add3A_1695 : i32 to index
        %get3A_1715 = arith.constant 48 : index
        %get3A_1716 = tpu.vector_load %arg9[%get3A_1713, %get3A_1714, %get3A_1715] {strides = array<i32>} : memref<4x200x64xf32, #tpu.memory_space<vmem>>, vector<16xf32>,
        %mul3A_1717 = arith.mulf %get3A_1716, %get3A_1290 : vector<16xf32>
        %add3A_1718 = arith.addf %add3A_1712, %mul3A_1717 : vector<16xf32>
        %broadcast_in_dim3A_1719 = arith.constant true
        %broadcast_in_dim3A_1720 = vector.broadcast %broadcast_in_dim3A_1719 : i1 to vector<16xi1>
        %masked_cumsum3A_1721 = tpu.scan <sum>, %add3A_1718 masked %broadcast_in_dim3A_1720 : vector<16xf32>, vector<16xi1> -> vector<16xf32>
        %broadcast_in_dim3A_1722 = vector.shape_cast %broadcast_in_dim3A_1292 : vector<16xi32> to vector<16x1xi32>
        %gather3A_1723 = vector.shape_cast %broadcast_in_dim3A_1722 : vector<16x1xi32> to vector<16xi32>
        %gather3A_1724 = tpu.dynamic_gather %masked_cumsum3A_1721[%gather3A_1723] in [0] : vector<16xf32>, vector<16xi32> -> vector<16xf32>
        %select_n3A_1725 = arith.select %eq3A_1693, %gather3A_1724, %select_n3A_1690 : vector<16xi1>, vector<16xf32>
        %eq3A_1726 = arith.constant 3 : i32
        %eq3A_1727 = vector.broadcast %eq3A_1726 : i32 to vector<16xi32>
        %eq3A_1728 = arith.cmpi eq, %iota3A, %eq3A_1727 : vector<16xi32>
        %add3A_1729 = arith.constant 3 : i32
        %add3A_1730 = arith.addi %mul3A_1618, %add3A_1729 : i32
        %get3A_1731 = arith.index_cast %rem3A_1255 : i32 to index
        %get3A_1732 = arith.index_cast %add3A_1730 : i32 to index
        %get3A_1733 = arith.constant 0 : index
        %get3A_1734 = tpu.vector_load %arg9[%get3A_1731, %get3A_1732, %get3A_1733] {strides = array<i32>} : memref<4x200x64xf32, #tpu.memory_space<vmem>>, vector<16xf32>,
        %mul3A_1735 = arith.mulf %get3A_1734, %get3A_1281 : vector<16xf32>
        %get3A_1736 = arith.index_cast %rem3A_1255 : i32 to index
        %get3A_1737 = arith.index_cast %add3A_1730 : i32 to index
        %get3A_1738 = arith.constant 16 : index
        %get3A_1739 = tpu.vector_load %arg9[%get3A_1736, %get3A_1737, %get3A_1738] {strides = array<i32>} : memref<4x200x64xf32, #tpu.memory_space<vmem>>, vector<16xf32>,
        %mul3A_1740 = arith.mulf %get3A_1739, %get3A_1284 : vector<16xf32>
        %add3A_1741 = arith.addf %mul3A_1735, %mul3A_1740 : vector<16xf32>
        %get3A_1742 = arith.index_cast %rem3A_1255 : i32 to index
        %get3A_1743 = arith.index_cast %add3A_1730 : i32 to index
        %get3A_1744 = arith.constant 32 : index
        %get3A_1745 = tpu.vector_load %arg9[%get3A_1742, %get3A_1743, %get3A_1744] {strides = array<i32>} : memref<4x200x64xf32, #tpu.memory_space<vmem>>, vector<16xf32>,
        %mul3A_1746 = arith.mulf %get3A_1745, %get3A_1287 : vector<16xf32>
        %add3A_1747 = arith.addf %add3A_1741, %mul3A_1746 : vector<16xf32>
        %get3A_1748 = arith.index_cast %rem3A_1255 : i32 to index
        %get3A_1749 = arith.index_cast %add3A_1730 : i32 to index
        %get3A_1750 = arith.constant 48 : index
        %get3A_1751 = tpu.vector_load %arg9[%get3A_1748, %get3A_1749, %get3A_1750] {strides = array<i32>} : memref<4x200x64xf32, #tpu.memory_space<vmem>>, vector<16xf32>,
        %mul3A_1752 = arith.mulf %get3A_1751, %get3A_1290 : vector<16xf32>
        %add3A_1753 = arith.addf %add3A_1747, %mul3A_1752 : vector<16xf32>
        %broadcast_in_dim3A_1754 = arith.constant true
        %broadcast_in_dim3A_1755 = vector.broadcast %broadcast_in_dim3A_1754 : i1 to vector<16xi1>
        %masked_cumsum3A_1756 = tpu.scan <sum>, %add3A_1753 masked %broadcast_in_dim3A_1755 : vector<16xf32>, vector<16xi1> -> vector<16xf32>
        %broadcast_in_dim3A_1757 = vector.shape_cast %broadcast_in_dim3A_1292 : vector<16xi32> to vector<16x1xi32>
        %gather3A_1758 = vector.shape_cast %broadcast_in_dim3A_1757 : vector<16x1xi32> to vector<16xi32>
        %gather3A_1759 = tpu.dynamic_gather %masked_cumsum3A_1756[%gather3A_1758] in [0] : vector<16xf32>, vector<16xi32> -> vector<16xf32>
        %select_n3A_1760 = arith.select %eq3A_1728, %gather3A_1759, %select_n3A_1725 : vector<16xi1>, vector<16xf32>
        %eq3A_1761 = arith.constant 4 : i32
        %eq3A_1762 = vector.broadcast %eq3A_1761 : i32 to vector<16xi32>
        %eq3A_1763 = arith.cmpi eq, %iota3A, %eq3A_1762 : vector<16xi32>
        %add3A_1764 = arith.constant 4 : i32
        %add3A_1765 = arith.addi %mul3A_1618, %add3A_1764 : i32
        %get3A_1766 = arith.index_cast %rem3A_1255 : i32 to index
        %get3A_1767 = arith.index_cast %add3A_1765 : i32 to index
        %get3A_1768 = arith.constant 0 : index
        %get3A_1769 = tpu.vector_load %arg9[%get3A_1766, %get3A_1767, %get3A_1768] {strides = array<i32>} : memref<4x200x64xf32, #tpu.memory_space<vmem>>, vector<16xf32>,
        %mul3A_1770 = arith.mulf %get3A_1769, %get3A_1281 : vector<16xf32>
        %get3A_1771 = arith.index_cast %rem3A_1255 : i32 to index
        %get3A_1772 = arith.index_cast %add3A_1765 : i32 to index
        %get3A_1773 = arith.constant 16 : index
        %get3A_1774 = tpu.vector_load %arg9[%get3A_1771, %get3A_1772, %get3A_1773] {strides = array<i32>} : memref<4x200x64xf32, #tpu.memory_space<vmem>>, vector<16xf32>,
        %mul3A_1775 = arith.mulf %get3A_1774, %get3A_1284 : vector<16xf32>
        %add3A_1776 = arith.addf %mul3A_1770, %mul3A_1775 : vector<16xf32>
        %get3A_1777 = arith.index_cast %rem3A_1255 : i32 to index
        %get3A_1778 = arith.index_cast %add3A_1765 : i32 to index
        %get3A_1779 = arith.constant 32 : index
        %get3A_1780 = tpu.vector_load %arg9[%get3A_1777, %get3A_1778, %get3A_1779] {strides = array<i32>} : memref<4x200x64xf32, #tpu.memory_space<vmem>>, vector<16xf32>,
        %mul3A_1781 = arith.mulf %get3A_1780, %get3A_1287 : vector<16xf32>
        %add3A_1782 = arith.addf %add3A_1776, %mul3A_1781 : vector<16xf32>
        %get3A_1783 = arith.index_cast %rem3A_1255 : i32 to index
        %get3A_1784 = arith.index_cast %add3A_1765 : i32 to index
        %get3A_1785 = arith.constant 48 : index
        %get3A_1786 = tpu.vector_load %arg9[%get3A_1783, %get3A_1784, %get3A_1785] {strides = array<i32>} : memref<4x200x64xf32, #tpu.memory_space<vmem>>, vector<16xf32>,
        %mul3A_1787 = arith.mulf %get3A_1786, %get3A_1290 : vector<16xf32>
        %add3A_1788 = arith.addf %add3A_1782, %mul3A_1787 : vector<16xf32>
        %broadcast_in_dim3A_1789 = arith.constant true
        %broadcast_in_dim3A_1790 = vector.broadcast %broadcast_in_dim3A_1789 : i1 to vector<16xi1>
        %masked_cumsum3A_1791 = tpu.scan <sum>, %add3A_1788 masked %broadcast_in_dim3A_1790 : vector<16xf32>, vector<16xi1> -> vector<16xf32>
        %broadcast_in_dim3A_1792 = vector.shape_cast %broadcast_in_dim3A_1292 : vector<16xi32> to vector<16x1xi32>
        %gather3A_1793 = vector.shape_cast %broadcast_in_dim3A_1792 : vector<16x1xi32> to vector<16xi32>
        %gather3A_1794 = tpu.dynamic_gather %masked_cumsum3A_1791[%gather3A_1793] in [0] : vector<16xf32>, vector<16xi32> -> vector<16xf32>
        %select_n3A_1795 = arith.select %eq3A_1763, %gather3A_1794, %select_n3A_1760 : vector<16xi1>, vector<16xf32>
        %eq3A_1796 = arith.constant 5 : i32
        %eq3A_1797 = vector.broadcast %eq3A_1796 : i32 to vector<16xi32>
        %eq3A_1798 = arith.cmpi eq, %iota3A, %eq3A_1797 : vector<16xi32>
        %add3A_1799 = arith.constant 5 : i32
        %add3A_1800 = arith.addi %mul3A_1618, %add3A_1799 : i32
        %get3A_1801 = arith.index_cast %rem3A_1255 : i32 to index
        %get3A_1802 = arith.index_cast %add3A_1800 : i32 to index
        %get3A_1803 = arith.constant 0 : index
        %get3A_1804 = tpu.vector_load %arg9[%get3A_1801, %get3A_1802, %get3A_1803] {strides = array<i32>} : memref<4x200x64xf32, #tpu.memory_space<vmem>>, vector<16xf32>,
        %mul3A_1805 = arith.mulf %get3A_1804, %get3A_1281 : vector<16xf32>
        %get3A_1806 = arith.index_cast %rem3A_1255 : i32 to index
        %get3A_1807 = arith.index_cast %add3A_1800 : i32 to index
        %get3A_1808 = arith.constant 16 : index
        %get3A_1809 = tpu.vector_load %arg9[%get3A_1806, %get3A_1807, %get3A_1808] {strides = array<i32>} : memref<4x200x64xf32, #tpu.memory_space<vmem>>, vector<16xf32>,
        %mul3A_1810 = arith.mulf %get3A_1809, %get3A_1284 : vector<16xf32>
        %add3A_1811 = arith.addf %mul3A_1805, %mul3A_1810 : vector<16xf32>
        %get3A_1812 = arith.index_cast %rem3A_1255 : i32 to index
        %get3A_1813 = arith.index_cast %add3A_1800 : i32 to index
        %get3A_1814 = arith.constant 32 : index
        %get3A_1815 = tpu.vector_load %arg9[%get3A_1812, %get3A_1813, %get3A_1814] {strides = array<i32>} : memref<4x200x64xf32, #tpu.memory_space<vmem>>, vector<16xf32>,
        %mul3A_1816 = arith.mulf %get3A_1815, %get3A_1287 : vector<16xf32>
        %add3A_1817 = arith.addf %add3A_1811, %mul3A_1816 : vector<16xf32>
        %get3A_1818 = arith.index_cast %rem3A_1255 : i32 to index
        %get3A_1819 = arith.index_cast %add3A_1800 : i32 to index
        %get3A_1820 = arith.constant 48 : index
        %get3A_1821 = tpu.vector_load %arg9[%get3A_1818, %get3A_1819, %get3A_1820] {strides = array<i32>} : memref<4x200x64xf32, #tpu.memory_space<vmem>>, vector<16xf32>,
        %mul3A_1822 = arith.mulf %get3A_1821, %get3A_1290 : vector<16xf32>
        %add3A_1823 = arith.addf %add3A_1817, %mul3A_1822 : vector<16xf32>
        %broadcast_in_dim3A_1824 = arith.constant true
        %broadcast_in_dim3A_1825 = vector.broadcast %broadcast_in_dim3A_1824 : i1 to vector<16xi1>
        %masked_cumsum3A_1826 = tpu.scan <sum>, %add3A_1823 masked %broadcast_in_dim3A_1825 : vector<16xf32>, vector<16xi1> -> vector<16xf32>
        %broadcast_in_dim3A_1827 = vector.shape_cast %broadcast_in_dim3A_1292 : vector<16xi32> to vector<16x1xi32>
        %gather3A_1828 = vector.shape_cast %broadcast_in_dim3A_1827 : vector<16x1xi32> to vector<16xi32>
        %gather3A_1829 = tpu.dynamic_gather %masked_cumsum3A_1826[%gather3A_1828] in [0] : vector<16xf32>, vector<16xi32> -> vector<16xf32>
        %select_n3A_1830 = arith.select %eq3A_1798, %gather3A_1829, %select_n3A_1795 : vector<16xi1>, vector<16xf32>
        %eq3A_1831 = arith.constant 6 : i32
        %eq3A_1832 = vector.broadcast %eq3A_1831 : i32 to vector<16xi32>
        %eq3A_1833 = arith.cmpi eq, %iota3A, %eq3A_1832 : vector<16xi32>
        %add3A_1834 = arith.constant 6 : i32
        %add3A_1835 = arith.addi %mul3A_1618, %add3A_1834 : i32
        %get3A_1836 = arith.index_cast %rem3A_1255 : i32 to index
        %get3A_1837 = arith.index_cast %add3A_1835 : i32 to index
        %get3A_1838 = arith.constant 0 : index
        %get3A_1839 = tpu.vector_load %arg9[%get3A_1836, %get3A_1837, %get3A_1838] {strides = array<i32>} : memref<4x200x64xf32, #tpu.memory_space<vmem>>, vector<16xf32>,
        %mul3A_1840 = arith.mulf %get3A_1839, %get3A_1281 : vector<16xf32>
        %get3A_1841 = arith.index_cast %rem3A_1255 : i32 to index
        %get3A_1842 = arith.index_cast %add3A_1835 : i32 to index
        %get3A_1843 = arith.constant 16 : index
        %get3A_1844 = tpu.vector_load %arg9[%get3A_1841, %get3A_1842, %get3A_1843] {strides = array<i32>} : memref<4x200x64xf32, #tpu.memory_space<vmem>>, vector<16xf32>,
        %mul3A_1845 = arith.mulf %get3A_1844, %get3A_1284 : vector<16xf32>
        %add3A_1846 = arith.addf %mul3A_1840, %mul3A_1845 : vector<16xf32>
        %get3A_1847 = arith.index_cast %rem3A_1255 : i32 to index
        %get3A_1848 = arith.index_cast %add3A_1835 : i32 to index
        %get3A_1849 = arith.constant 32 : index
        %get3A_1850 = tpu.vector_load %arg9[%get3A_1847, %get3A_1848, %get3A_1849] {strides = array<i32>} : memref<4x200x64xf32, #tpu.memory_space<vmem>>, vector<16xf32>,
        %mul3A_1851 = arith.mulf %get3A_1850, %get3A_1287 : vector<16xf32>
        %add3A_1852 = arith.addf %add3A_1846, %mul3A_1851 : vector<16xf32>
        %get3A_1853 = arith.index_cast %rem3A_1255 : i32 to index
        %get3A_1854 = arith.index_cast %add3A_1835 : i32 to index
        %get3A_1855 = arith.constant 48 : index
        %get3A_1856 = tpu.vector_load %arg9[%get3A_1853, %get3A_1854, %get3A_1855] {strides = array<i32>} : memref<4x200x64xf32, #tpu.memory_space<vmem>>, vector<16xf32>,
        %mul3A_1857 = arith.mulf %get3A_1856, %get3A_1290 : vector<16xf32>
        %add3A_1858 = arith.addf %add3A_1852, %mul3A_1857 : vector<16xf32>
        %broadcast_in_dim3A_1859 = arith.constant true
        %broadcast_in_dim3A_1860 = vector.broadcast %broadcast_in_dim3A_1859 : i1 to vector<16xi1>
        %masked_cumsum3A_1861 = tpu.scan <sum>, %add3A_1858 masked %broadcast_in_dim3A_1860 : vector<16xf32>, vector<16xi1> -> vector<16xf32>
        %broadcast_in_dim3A_1862 = vector.shape_cast %broadcast_in_dim3A_1292 : vector<16xi32> to vector<16x1xi32>
        %gather3A_1863 = vector.shape_cast %broadcast_in_dim3A_1862 : vector<16x1xi32> to vector<16xi32>
        %gather3A_1864 = tpu.dynamic_gather %masked_cumsum3A_1861[%gather3A_1863] in [0] : vector<16xf32>, vector<16xi32> -> vector<16xf32>
        %select_n3A_1865 = arith.select %eq3A_1833, %gather3A_1864, %select_n3A_1830 : vector<16xi1>, vector<16xf32>
        %eq3A_1866 = arith.constant 7 : i32
        %eq3A_1867 = vector.broadcast %eq3A_1866 : i32 to vector<16xi32>
        %eq3A_1868 = arith.cmpi eq, %iota3A, %eq3A_1867 : vector<16xi32>
        %add3A_1869 = arith.constant 7 : i32
        %add3A_1870 = arith.addi %mul3A_1618, %add3A_1869 : i32
        %get3A_1871 = arith.index_cast %rem3A_1255 : i32 to index
        %get3A_1872 = arith.index_cast %add3A_1870 : i32 to index
        %get3A_1873 = arith.constant 0 : index
        %get3A_1874 = tpu.vector_load %arg9[%get3A_1871, %get3A_1872, %get3A_1873] {strides = array<i32>} : memref<4x200x64xf32, #tpu.memory_space<vmem>>, vector<16xf32>,
        %mul3A_1875 = arith.mulf %get3A_1874, %get3A_1281 : vector<16xf32>
        %get3A_1876 = arith.index_cast %rem3A_1255 : i32 to index
        %get3A_1877 = arith.index_cast %add3A_1870 : i32 to index
        %get3A_1878 = arith.constant 16 : index
        %get3A_1879 = tpu.vector_load %arg9[%get3A_1876, %get3A_1877, %get3A_1878] {strides = array<i32>} : memref<4x200x64xf32, #tpu.memory_space<vmem>>, vector<16xf32>,
        %mul3A_1880 = arith.mulf %get3A_1879, %get3A_1284 : vector<16xf32>
        %add3A_1881 = arith.addf %mul3A_1875, %mul3A_1880 : vector<16xf32>
        %get3A_1882 = arith.index_cast %rem3A_1255 : i32 to index
        %get3A_1883 = arith.index_cast %add3A_1870 : i32 to index
        %get3A_1884 = arith.constant 32 : index
        %get3A_1885 = tpu.vector_load %arg9[%get3A_1882, %get3A_1883, %get3A_1884] {strides = array<i32>} : memref<4x200x64xf32, #tpu.memory_space<vmem>>, vector<16xf32>,
        %mul3A_1886 = arith.mulf %get3A_1885, %get3A_1287 : vector<16xf32>
        %add3A_1887 = arith.addf %add3A_1881, %mul3A_1886 : vector<16xf32>
        %get3A_1888 = arith.index_cast %rem3A_1255 : i32 to index
        %get3A_1889 = arith.index_cast %add3A_1870 : i32 to index
        %get3A_1890 = arith.constant 48 : index
        %get3A_1891 = tpu.vector_load %arg9[%get3A_1888, %get3A_1889, %get3A_1890] {strides = array<i32>} : memref<4x200x64xf32, #tpu.memory_space<vmem>>, vector<16xf32>,
        %mul3A_1892 = arith.mulf %get3A_1891, %get3A_1290 : vector<16xf32>
        %add3A_1893 = arith.addf %add3A_1887, %mul3A_1892 : vector<16xf32>
        %broadcast_in_dim3A_1894 = arith.constant true
        %broadcast_in_dim3A_1895 = vector.broadcast %broadcast_in_dim3A_1894 : i1 to vector<16xi1>
        %masked_cumsum3A_1896 = tpu.scan <sum>, %add3A_1893 masked %broadcast_in_dim3A_1895 : vector<16xf32>, vector<16xi1> -> vector<16xf32>
        %broadcast_in_dim3A_1897 = vector.shape_cast %broadcast_in_dim3A_1292 : vector<16xi32> to vector<16x1xi32>
        %gather3A_1898 = vector.shape_cast %broadcast_in_dim3A_1897 : vector<16x1xi32> to vector<16xi32>
        %gather3A_1899 = tpu.dynamic_gather %masked_cumsum3A_1896[%gather3A_1898] in [0] : vector<16xf32>, vector<16xi32> -> vector<16xf32>
        %select_n3A_1900 = arith.select %eq3A_1868, %gather3A_1899, %select_n3A_1865 : vector<16xi1>, vector<16xf32>
        %eq3A_1901 = arith.constant 8 : i32
        %eq3A_1902 = vector.broadcast %eq3A_1901 : i32 to vector<16xi32>
        %eq3A_1903 = arith.cmpi eq, %iota3A, %eq3A_1902 : vector<16xi32>
        %add3A_1904 = arith.constant 8 : i32
        %add3A_1905 = arith.addi %mul3A_1618, %add3A_1904 : i32
        %get3A_1906 = arith.index_cast %rem3A_1255 : i32 to index
        %get3A_1907 = arith.index_cast %add3A_1905 : i32 to index
        %get3A_1908 = arith.constant 0 : index
        %get3A_1909 = tpu.vector_load %arg9[%get3A_1906, %get3A_1907, %get3A_1908] {strides = array<i32>} : memref<4x200x64xf32, #tpu.memory_space<vmem>>, vector<16xf32>,
        %mul3A_1910 = arith.mulf %get3A_1909, %get3A_1281 : vector<16xf32>
        %get3A_1911 = arith.index_cast %rem3A_1255 : i32 to index
        %get3A_1912 = arith.index_cast %add3A_1905 : i32 to index
        %get3A_1913 = arith.constant 16 : index
        %get3A_1914 = tpu.vector_load %arg9[%get3A_1911, %get3A_1912, %get3A_1913] {strides = array<i32>} : memref<4x200x64xf32, #tpu.memory_space<vmem>>, vector<16xf32>,
        %mul3A_1915 = arith.mulf %get3A_1914, %get3A_1284 : vector<16xf32>
        %add3A_1916 = arith.addf %mul3A_1910, %mul3A_1915 : vector<16xf32>
        %get3A_1917 = arith.index_cast %rem3A_1255 : i32 to index
        %get3A_1918 = arith.index_cast %add3A_1905 : i32 to index
        %get3A_1919 = arith.constant 32 : index
        %get3A_1920 = tpu.vector_load %arg9[%get3A_1917, %get3A_1918, %get3A_1919] {strides = array<i32>} : memref<4x200x64xf32, #tpu.memory_space<vmem>>, vector<16xf32>,
        %mul3A_1921 = arith.mulf %get3A_1920, %get3A_1287 : vector<16xf32>
        %add3A_1922 = arith.addf %add3A_1916, %mul3A_1921 : vector<16xf32>
        %get3A_1923 = arith.index_cast %rem3A_1255 : i32 to index
        %get3A_1924 = arith.index_cast %add3A_1905 : i32 to index
        %get3A_1925 = arith.constant 48 : index
        %get3A_1926 = tpu.vector_load %arg9[%get3A_1923, %get3A_1924, %get3A_1925] {strides = array<i32>} : memref<4x200x64xf32, #tpu.memory_space<vmem>>, vector<16xf32>,
        %mul3A_1927 = arith.mulf %get3A_1926, %get3A_1290 : vector<16xf32>
        %add3A_1928 = arith.addf %add3A_1922, %mul3A_1927 : vector<16xf32>
        %broadcast_in_dim3A_1929 = arith.constant true
        %broadcast_in_dim3A_1930 = vector.broadcast %broadcast_in_dim3A_1929 : i1 to vector<16xi1>
        %masked_cumsum3A_1931 = tpu.scan <sum>, %add3A_1928 masked %broadcast_in_dim3A_1930 : vector<16xf32>, vector<16xi1> -> vector<16xf32>
        %broadcast_in_dim3A_1932 = vector.shape_cast %broadcast_in_dim3A_1292 : vector<16xi32> to vector<16x1xi32>
        %gather3A_1933 = vector.shape_cast %broadcast_in_dim3A_1932 : vector<16x1xi32> to vector<16xi32>
        %gather3A_1934 = tpu.dynamic_gather %masked_cumsum3A_1931[%gather3A_1933] in [0] : vector<16xf32>, vector<16xi32> -> vector<16xf32>
        %select_n3A_1935 = arith.select %eq3A_1903, %gather3A_1934, %select_n3A_1900 : vector<16xi1>, vector<16xf32>
        %eq3A_1936 = arith.constant 9 : i32
        %eq3A_1937 = vector.broadcast %eq3A_1936 : i32 to vector<16xi32>
        %eq3A_1938 = arith.cmpi eq, %iota3A, %eq3A_1937 : vector<16xi32>
        %add3A_1939 = arith.constant 9 : i32
        %add3A_1940 = arith.addi %mul3A_1618, %add3A_1939 : i32
        %get3A_1941 = arith.index_cast %rem3A_1255 : i32 to index
        %get3A_1942 = arith.index_cast %add3A_1940 : i32 to index
        %get3A_1943 = arith.constant 0 : index
        %get3A_1944 = tpu.vector_load %arg9[%get3A_1941, %get3A_1942, %get3A_1943] {strides = array<i32>} : memref<4x200x64xf32, #tpu.memory_space<vmem>>, vector<16xf32>,
        %mul3A_1945 = arith.mulf %get3A_1944, %get3A_1281 : vector<16xf32>
        %get3A_1946 = arith.index_cast %rem3A_1255 : i32 to index
        %get3A_1947 = arith.index_cast %add3A_1940 : i32 to index
        %get3A_1948 = arith.constant 16 : index
        %get3A_1949 = tpu.vector_load %arg9[%get3A_1946, %get3A_1947, %get3A_1948] {strides = array<i32>} : memref<4x200x64xf32, #tpu.memory_space<vmem>>, vector<16xf32>,
        %mul3A_1950 = arith.mulf %get3A_1949, %get3A_1284 : vector<16xf32>
        %add3A_1951 = arith.addf %mul3A_1945, %mul3A_1950 : vector<16xf32>
        %get3A_1952 = arith.index_cast %rem3A_1255 : i32 to index
        %get3A_1953 = arith.index_cast %add3A_1940 : i32 to index
        %get3A_1954 = arith.constant 32 : index
        %get3A_1955 = tpu.vector_load %arg9[%get3A_1952, %get3A_1953, %get3A_1954] {strides = array<i32>} : memref<4x200x64xf32, #tpu.memory_space<vmem>>, vector<16xf32>,
        %mul3A_1956 = arith.mulf %get3A_1955, %get3A_1287 : vector<16xf32>
        %add3A_1957 = arith.addf %add3A_1951, %mul3A_1956 : vector<16xf32>
        %get3A_1958 = arith.index_cast %rem3A_1255 : i32 to index
        %get3A_1959 = arith.index_cast %add3A_1940 : i32 to index
        %get3A_1960 = arith.constant 48 : index
        %get3A_1961 = tpu.vector_load %arg9[%get3A_1958, %get3A_1959, %get3A_1960] {strides = array<i32>} : memref<4x200x64xf32, #tpu.memory_space<vmem>>, vector<16xf32>,
        %mul3A_1962 = arith.mulf %get3A_1961, %get3A_1290 : vector<16xf32>
        %add3A_1963 = arith.addf %add3A_1957, %mul3A_1962 : vector<16xf32>
        %broadcast_in_dim3A_1964 = arith.constant true
        %broadcast_in_dim3A_1965 = vector.broadcast %broadcast_in_dim3A_1964 : i1 to vector<16xi1>
        %masked_cumsum3A_1966 = tpu.scan <sum>, %add3A_1963 masked %broadcast_in_dim3A_1965 : vector<16xf32>, vector<16xi1> -> vector<16xf32>
        %broadcast_in_dim3A_1967 = vector.shape_cast %broadcast_in_dim3A_1292 : vector<16xi32> to vector<16x1xi32>
        %gather3A_1968 = vector.shape_cast %broadcast_in_dim3A_1967 : vector<16x1xi32> to vector<16xi32>
        %gather3A_1969 = tpu.dynamic_gather %masked_cumsum3A_1966[%gather3A_1968] in [0] : vector<16xf32>, vector<16xi32> -> vector<16xf32>
        %select_n3A_1970 = arith.select %eq3A_1938, %gather3A_1969, %select_n3A_1935 : vector<16xi1>, vector<16xf32>
        %eq3A_1971 = arith.constant 10 : i32
        %eq3A_1972 = vector.broadcast %eq3A_1971 : i32 to vector<16xi32>
        %eq3A_1973 = arith.cmpi eq, %iota3A, %eq3A_1972 : vector<16xi32>
        %add3A_1974 = arith.constant 10 : i32
        %add3A_1975 = arith.addi %mul3A_1618, %add3A_1974 : i32
        %get3A_1976 = arith.index_cast %rem3A_1255 : i32 to index
        %get3A_1977 = arith.index_cast %add3A_1975 : i32 to index
        %get3A_1978 = arith.constant 0 : index
        %get3A_1979 = tpu.vector_load %arg9[%get3A_1976, %get3A_1977, %get3A_1978] {strides = array<i32>} : memref<4x200x64xf32, #tpu.memory_space<vmem>>, vector<16xf32>,
        %mul3A_1980 = arith.mulf %get3A_1979, %get3A_1281 : vector<16xf32>
        %get3A_1981 = arith.index_cast %rem3A_1255 : i32 to index
        %get3A_1982 = arith.index_cast %add3A_1975 : i32 to index
        %get3A_1983 = arith.constant 16 : index
        %get3A_1984 = tpu.vector_load %arg9[%get3A_1981, %get3A_1982, %get3A_1983] {strides = array<i32>} : memref<4x200x64xf32, #tpu.memory_space<vmem>>, vector<16xf32>,
        %mul3A_1985 = arith.mulf %get3A_1984, %get3A_1284 : vector<16xf32>
        %add3A_1986 = arith.addf %mul3A_1980, %mul3A_1985 : vector<16xf32>
        %get3A_1987 = arith.index_cast %rem3A_1255 : i32 to index
        %get3A_1988 = arith.index_cast %add3A_1975 : i32 to index
        %get3A_1989 = arith.constant 32 : index
        %get3A_1990 = tpu.vector_load %arg9[%get3A_1987, %get3A_1988, %get3A_1989] {strides = array<i32>} : memref<4x200x64xf32, #tpu.memory_space<vmem>>, vector<16xf32>,
        %mul3A_1991 = arith.mulf %get3A_1990, %get3A_1287 : vector<16xf32>
        %add3A_1992 = arith.addf %add3A_1986, %mul3A_1991 : vector<16xf32>
        %get3A_1993 = arith.index_cast %rem3A_1255 : i32 to index
        %get3A_1994 = arith.index_cast %add3A_1975 : i32 to index
        %get3A_1995 = arith.constant 48 : index
        %get3A_1996 = tpu.vector_load %arg9[%get3A_1993, %get3A_1994, %get3A_1995] {strides = array<i32>} : memref<4x200x64xf32, #tpu.memory_space<vmem>>, vector<16xf32>,
        %mul3A_1997 = arith.mulf %get3A_1996, %get3A_1290 : vector<16xf32>
        %add3A_1998 = arith.addf %add3A_1992, %mul3A_1997 : vector<16xf32>
        %broadcast_in_dim3A_1999 = arith.constant true
        %broadcast_in_dim3A_2000 = vector.broadcast %broadcast_in_dim3A_1999 : i1 to vector<16xi1>
        %masked_cumsum3A_2001 = tpu.scan <sum>, %add3A_1998 masked %broadcast_in_dim3A_2000 : vector<16xf32>, vector<16xi1> -> vector<16xf32>
        %broadcast_in_dim3A_2002 = vector.shape_cast %broadcast_in_dim3A_1292 : vector<16xi32> to vector<16x1xi32>
        %gather3A_2003 = vector.shape_cast %broadcast_in_dim3A_2002 : vector<16x1xi32> to vector<16xi32>
        %gather3A_2004 = tpu.dynamic_gather %masked_cumsum3A_2001[%gather3A_2003] in [0] : vector<16xf32>, vector<16xi32> -> vector<16xf32>
        %select_n3A_2005 = arith.select %eq3A_1973, %gather3A_2004, %select_n3A_1970 : vector<16xi1>, vector<16xf32>
        %eq3A_2006 = arith.constant 11 : i32
        %eq3A_2007 = vector.broadcast %eq3A_2006 : i32 to vector<16xi32>
        %eq3A_2008 = arith.cmpi eq, %iota3A, %eq3A_2007 : vector<16xi32>
        %add3A_2009 = arith.constant 11 : i32
        %add3A_2010 = arith.addi %mul3A_1618, %add3A_2009 : i32
        %get3A_2011 = arith.index_cast %rem3A_1255 : i32 to index
        %get3A_2012 = arith.index_cast %add3A_2010 : i32 to index
        %get3A_2013 = arith.constant 0 : index
        %get3A_2014 = tpu.vector_load %arg9[%get3A_2011, %get3A_2012, %get3A_2013] {strides = array<i32>} : memref<4x200x64xf32, #tpu.memory_space<vmem>>, vector<16xf32>,
        %mul3A_2015 = arith.mulf %get3A_2014, %get3A_1281 : vector<16xf32>
        %get3A_2016 = arith.index_cast %rem3A_1255 : i32 to index
        %get3A_2017 = arith.index_cast %add3A_2010 : i32 to index
        %get3A_2018 = arith.constant 16 : index
        %get3A_2019 = tpu.vector_load %arg9[%get3A_2016, %get3A_2017, %get3A_2018] {strides = array<i32>} : memref<4x200x64xf32, #tpu.memory_space<vmem>>, vector<16xf32>,
        %mul3A_2020 = arith.mulf %get3A_2019, %get3A_1284 : vector<16xf32>
        %add3A_2021 = arith.addf %mul3A_2015, %mul3A_2020 : vector<16xf32>
        %get3A_2022 = arith.index_cast %rem3A_1255 : i32 to index
        %get3A_2023 = arith.index_cast %add3A_2010 : i32 to index
        %get3A_2024 = arith.constant 32 : index
        %get3A_2025 = tpu.vector_load %arg9[%get3A_2022, %get3A_2023, %get3A_2024] {strides = array<i32>} : memref<4x200x64xf32, #tpu.memory_space<vmem>>, vector<16xf32>,
        %mul3A_2026 = arith.mulf %get3A_2025, %get3A_1287 : vector<16xf32>
        %add3A_2027 = arith.addf %add3A_2021, %mul3A_2026 : vector<16xf32>
        %get3A_2028 = arith.index_cast %rem3A_1255 : i32 to index
        %get3A_2029 = arith.index_cast %add3A_2010 : i32 to index
        %get3A_2030 = arith.constant 48 : index
        %get3A_2031 = tpu.vector_load %arg9[%get3A_2028, %get3A_2029, %get3A_2030] {strides = array<i32>} : memref<4x200x64xf32, #tpu.memory_space<vmem>>, vector<16xf32>,
        %mul3A_2032 = arith.mulf %get3A_2031, %get3A_1290 : vector<16xf32>
        %add3A_2033 = arith.addf %add3A_2027, %mul3A_2032 : vector<16xf32>
        %broadcast_in_dim3A_2034 = arith.constant true
        %broadcast_in_dim3A_2035 = vector.broadcast %broadcast_in_dim3A_2034 : i1 to vector<16xi1>
        %masked_cumsum3A_2036 = tpu.scan <sum>, %add3A_2033 masked %broadcast_in_dim3A_2035 : vector<16xf32>, vector<16xi1> -> vector<16xf32>
        %broadcast_in_dim3A_2037 = vector.shape_cast %broadcast_in_dim3A_1292 : vector<16xi32> to vector<16x1xi32>
        %gather3A_2038 = vector.shape_cast %broadcast_in_dim3A_2037 : vector<16x1xi32> to vector<16xi32>
        %gather3A_2039 = tpu.dynamic_gather %masked_cumsum3A_2036[%gather3A_2038] in [0] : vector<16xf32>, vector<16xi32> -> vector<16xf32>
        %select_n3A_2040 = arith.select %eq3A_2008, %gather3A_2039, %select_n3A_2005 : vector<16xi1>, vector<16xf32>
        %eq3A_2041 = arith.constant 12 : i32
        %eq3A_2042 = vector.broadcast %eq3A_2041 : i32 to vector<16xi32>
        %eq3A_2043 = arith.cmpi eq, %iota3A, %eq3A_2042 : vector<16xi32>
        %add3A_2044 = arith.constant 12 : i32
        %add3A_2045 = arith.addi %mul3A_1618, %add3A_2044 : i32
        %get3A_2046 = arith.index_cast %rem3A_1255 : i32 to index
        %get3A_2047 = arith.index_cast %add3A_2045 : i32 to index
        %get3A_2048 = arith.constant 0 : index
        %get3A_2049 = tpu.vector_load %arg9[%get3A_2046, %get3A_2047, %get3A_2048] {strides = array<i32>} : memref<4x200x64xf32, #tpu.memory_space<vmem>>, vector<16xf32>,
        %mul3A_2050 = arith.mulf %get3A_2049, %get3A_1281 : vector<16xf32>
        %get3A_2051 = arith.index_cast %rem3A_1255 : i32 to index
        %get3A_2052 = arith.index_cast %add3A_2045 : i32 to index
        %get3A_2053 = arith.constant 16 : index
        %get3A_2054 = tpu.vector_load %arg9[%get3A_2051, %get3A_2052, %get3A_2053] {strides = array<i32>} : memref<4x200x64xf32, #tpu.memory_space<vmem>>, vector<16xf32>,
        %mul3A_2055 = arith.mulf %get3A_2054, %get3A_1284 : vector<16xf32>
        %add3A_2056 = arith.addf %mul3A_2050, %mul3A_2055 : vector<16xf32>
        %get3A_2057 = arith.index_cast %rem3A_1255 : i32 to index
        %get3A_2058 = arith.index_cast %add3A_2045 : i32 to index
        %get3A_2059 = arith.constant 32 : index
        %get3A_2060 = tpu.vector_load %arg9[%get3A_2057, %get3A_2058, %get3A_2059] {strides = array<i32>} : memref<4x200x64xf32, #tpu.memory_space<vmem>>, vector<16xf32>,
        %mul3A_2061 = arith.mulf %get3A_2060, %get3A_1287 : vector<16xf32>
        %add3A_2062 = arith.addf %add3A_2056, %mul3A_2061 : vector<16xf32>
        %get3A_2063 = arith.index_cast %rem3A_1255 : i32 to index
        %get3A_2064 = arith.index_cast %add3A_2045 : i32 to index
        %get3A_2065 = arith.constant 48 : index
        %get3A_2066 = tpu.vector_load %arg9[%get3A_2063, %get3A_2064, %get3A_2065] {strides = array<i32>} : memref<4x200x64xf32, #tpu.memory_space<vmem>>, vector<16xf32>,
        %mul3A_2067 = arith.mulf %get3A_2066, %get3A_1290 : vector<16xf32>
        %add3A_2068 = arith.addf %add3A_2062, %mul3A_2067 : vector<16xf32>
        %broadcast_in_dim3A_2069 = arith.constant true
        %broadcast_in_dim3A_2070 = vector.broadcast %broadcast_in_dim3A_2069 : i1 to vector<16xi1>
        %masked_cumsum3A_2071 = tpu.scan <sum>, %add3A_2068 masked %broadcast_in_dim3A_2070 : vector<16xf32>, vector<16xi1> -> vector<16xf32>
        %broadcast_in_dim3A_2072 = vector.shape_cast %broadcast_in_dim3A_1292 : vector<16xi32> to vector<16x1xi32>
        %gather3A_2073 = vector.shape_cast %broadcast_in_dim3A_2072 : vector<16x1xi32> to vector<16xi32>
        %gather3A_2074 = tpu.dynamic_gather %masked_cumsum3A_2071[%gather3A_2073] in [0] : vector<16xf32>, vector<16xi32> -> vector<16xf32>
        %select_n3A_2075 = arith.select %eq3A_2043, %gather3A_2074, %select_n3A_2040 : vector<16xi1>, vector<16xf32>
        %eq3A_2076 = arith.constant 13 : i32
        %eq3A_2077 = vector.broadcast %eq3A_2076 : i32 to vector<16xi32>
        %eq3A_2078 = arith.cmpi eq, %iota3A, %eq3A_2077 : vector<16xi32>
        %add3A_2079 = arith.constant 13 : i32
        %add3A_2080 = arith.addi %mul3A_1618, %add3A_2079 : i32
        %get3A_2081 = arith.index_cast %rem3A_1255 : i32 to index
        %get3A_2082 = arith.index_cast %add3A_2080 : i32 to index
        %get3A_2083 = arith.constant 0 : index
        %get3A_2084 = tpu.vector_load %arg9[%get3A_2081, %get3A_2082, %get3A_2083] {strides = array<i32>} : memref<4x200x64xf32, #tpu.memory_space<vmem>>, vector<16xf32>,
        %mul3A_2085 = arith.mulf %get3A_2084, %get3A_1281 : vector<16xf32>
        %get3A_2086 = arith.index_cast %rem3A_1255 : i32 to index
        %get3A_2087 = arith.index_cast %add3A_2080 : i32 to index
        %get3A_2088 = arith.constant 16 : index
        %get3A_2089 = tpu.vector_load %arg9[%get3A_2086, %get3A_2087, %get3A_2088] {strides = array<i32>} : memref<4x200x64xf32, #tpu.memory_space<vmem>>, vector<16xf32>,
        %mul3A_2090 = arith.mulf %get3A_2089, %get3A_1284 : vector<16xf32>
        %add3A_2091 = arith.addf %mul3A_2085, %mul3A_2090 : vector<16xf32>
        %get3A_2092 = arith.index_cast %rem3A_1255 : i32 to index
        %get3A_2093 = arith.index_cast %add3A_2080 : i32 to index
        %get3A_2094 = arith.constant 32 : index
        %get3A_2095 = tpu.vector_load %arg9[%get3A_2092, %get3A_2093, %get3A_2094] {strides = array<i32>} : memref<4x200x64xf32, #tpu.memory_space<vmem>>, vector<16xf32>,
        %mul3A_2096 = arith.mulf %get3A_2095, %get3A_1287 : vector<16xf32>
        %add3A_2097 = arith.addf %add3A_2091, %mul3A_2096 : vector<16xf32>
        %get3A_2098 = arith.index_cast %rem3A_1255 : i32 to index
        %get3A_2099 = arith.index_cast %add3A_2080 : i32 to index
        %get3A_2100 = arith.constant 48 : index
        %get3A_2101 = tpu.vector_load %arg9[%get3A_2098, %get3A_2099, %get3A_2100] {strides = array<i32>} : memref<4x200x64xf32, #tpu.memory_space<vmem>>, vector<16xf32>,
        %mul3A_2102 = arith.mulf %get3A_2101, %get3A_1290 : vector<16xf32>
        %add3A_2103 = arith.addf %add3A_2097, %mul3A_2102 : vector<16xf32>
        %broadcast_in_dim3A_2104 = arith.constant true
        %broadcast_in_dim3A_2105 = vector.broadcast %broadcast_in_dim3A_2104 : i1 to vector<16xi1>
        %masked_cumsum3A_2106 = tpu.scan <sum>, %add3A_2103 masked %broadcast_in_dim3A_2105 : vector<16xf32>, vector<16xi1> -> vector<16xf32>
        %broadcast_in_dim3A_2107 = vector.shape_cast %broadcast_in_dim3A_1292 : vector<16xi32> to vector<16x1xi32>
        %gather3A_2108 = vector.shape_cast %broadcast_in_dim3A_2107 : vector<16x1xi32> to vector<16xi32>
        %gather3A_2109 = tpu.dynamic_gather %masked_cumsum3A_2106[%gather3A_2108] in [0] : vector<16xf32>, vector<16xi32> -> vector<16xf32>
        %select_n3A_2110 = arith.select %eq3A_2078, %gather3A_2109, %select_n3A_2075 : vector<16xi1>, vector<16xf32>
        %eq3A_2111 = arith.constant 14 : i32
        %eq3A_2112 = vector.broadcast %eq3A_2111 : i32 to vector<16xi32>
        %eq3A_2113 = arith.cmpi eq, %iota3A, %eq3A_2112 : vector<16xi32>
        %add3A_2114 = arith.constant 14 : i32
        %add3A_2115 = arith.addi %mul3A_1618, %add3A_2114 : i32
        %get3A_2116 = arith.index_cast %rem3A_1255 : i32 to index
        %get3A_2117 = arith.index_cast %add3A_2115 : i32 to index
        %get3A_2118 = arith.constant 0 : index
        %get3A_2119 = tpu.vector_load %arg9[%get3A_2116, %get3A_2117, %get3A_2118] {strides = array<i32>} : memref<4x200x64xf32, #tpu.memory_space<vmem>>, vector<16xf32>,
        %mul3A_2120 = arith.mulf %get3A_2119, %get3A_1281 : vector<16xf32>
        %get3A_2121 = arith.index_cast %rem3A_1255 : i32 to index
        %get3A_2122 = arith.index_cast %add3A_2115 : i32 to index
        %get3A_2123 = arith.constant 16 : index
        %get3A_2124 = tpu.vector_load %arg9[%get3A_2121, %get3A_2122, %get3A_2123] {strides = array<i32>} : memref<4x200x64xf32, #tpu.memory_space<vmem>>, vector<16xf32>,
        %mul3A_2125 = arith.mulf %get3A_2124, %get3A_1284 : vector<16xf32>
        %add3A_2126 = arith.addf %mul3A_2120, %mul3A_2125 : vector<16xf32>
        %get3A_2127 = arith.index_cast %rem3A_1255 : i32 to index
        %get3A_2128 = arith.index_cast %add3A_2115 : i32 to index
        %get3A_2129 = arith.constant 32 : index
        %get3A_2130 = tpu.vector_load %arg9[%get3A_2127, %get3A_2128, %get3A_2129] {strides = array<i32>} : memref<4x200x64xf32, #tpu.memory_space<vmem>>, vector<16xf32>,
        %mul3A_2131 = arith.mulf %get3A_2130, %get3A_1287 : vector<16xf32>
        %add3A_2132 = arith.addf %add3A_2126, %mul3A_2131 : vector<16xf32>
        %get3A_2133 = arith.index_cast %rem3A_1255 : i32 to index
        %get3A_2134 = arith.index_cast %add3A_2115 : i32 to index
        %get3A_2135 = arith.constant 48 : index
        %get3A_2136 = tpu.vector_load %arg9[%get3A_2133, %get3A_2134, %get3A_2135] {strides = array<i32>} : memref<4x200x64xf32, #tpu.memory_space<vmem>>, vector<16xf32>,
        %mul3A_2137 = arith.mulf %get3A_2136, %get3A_1290 : vector<16xf32>
        %add3A_2138 = arith.addf %add3A_2132, %mul3A_2137 : vector<16xf32>
        %broadcast_in_dim3A_2139 = arith.constant true
        %broadcast_in_dim3A_2140 = vector.broadcast %broadcast_in_dim3A_2139 : i1 to vector<16xi1>
        %masked_cumsum3A_2141 = tpu.scan <sum>, %add3A_2138 masked %broadcast_in_dim3A_2140 : vector<16xf32>, vector<16xi1> -> vector<16xf32>
        %broadcast_in_dim3A_2142 = vector.shape_cast %broadcast_in_dim3A_1292 : vector<16xi32> to vector<16x1xi32>
        %gather3A_2143 = vector.shape_cast %broadcast_in_dim3A_2142 : vector<16x1xi32> to vector<16xi32>
        %gather3A_2144 = tpu.dynamic_gather %masked_cumsum3A_2141[%gather3A_2143] in [0] : vector<16xf32>, vector<16xi32> -> vector<16xf32>
        %select_n3A_2145 = arith.select %eq3A_2113, %gather3A_2144, %select_n3A_2110 : vector<16xi1>, vector<16xf32>
        %eq3A_2146 = arith.constant 15 : i32
        %eq3A_2147 = vector.broadcast %eq3A_2146 : i32 to vector<16xi32>
        %eq3A_2148 = arith.cmpi eq, %iota3A, %eq3A_2147 : vector<16xi32>
        %add3A_2149 = arith.constant 15 : i32
        %add3A_2150 = arith.addi %mul3A_1618, %add3A_2149 : i32
        %get3A_2151 = arith.index_cast %rem3A_1255 : i32 to index
        %get3A_2152 = arith.index_cast %add3A_2150 : i32 to index
        %get3A_2153 = arith.constant 0 : index
        %get3A_2154 = tpu.vector_load %arg9[%get3A_2151, %get3A_2152, %get3A_2153] {strides = array<i32>} : memref<4x200x64xf32, #tpu.memory_space<vmem>>, vector<16xf32>,
        %mul3A_2155 = arith.mulf %get3A_2154, %get3A_1281 : vector<16xf32>
        %get3A_2156 = arith.index_cast %rem3A_1255 : i32 to index
        %get3A_2157 = arith.index_cast %add3A_2150 : i32 to index
        %get3A_2158 = arith.constant 16 : index
        %get3A_2159 = tpu.vector_load %arg9[%get3A_2156, %get3A_2157, %get3A_2158] {strides = array<i32>} : memref<4x200x64xf32, #tpu.memory_space<vmem>>, vector<16xf32>,
        %mul3A_2160 = arith.mulf %get3A_2159, %get3A_1284 : vector<16xf32>
        %add3A_2161 = arith.addf %mul3A_2155, %mul3A_2160 : vector<16xf32>
        %get3A_2162 = arith.index_cast %rem3A_1255 : i32 to index
        %get3A_2163 = arith.index_cast %add3A_2150 : i32 to index
        %get3A_2164 = arith.constant 32 : index
        %get3A_2165 = tpu.vector_load %arg9[%get3A_2162, %get3A_2163, %get3A_2164] {strides = array<i32>} : memref<4x200x64xf32, #tpu.memory_space<vmem>>, vector<16xf32>,
        %mul3A_2166 = arith.mulf %get3A_2165, %get3A_1287 : vector<16xf32>
        %add3A_2167 = arith.addf %add3A_2161, %mul3A_2166 : vector<16xf32>
        %get3A_2168 = arith.index_cast %rem3A_1255 : i32 to index
        %get3A_2169 = arith.index_cast %add3A_2150 : i32 to index
        %get3A_2170 = arith.constant 48 : index
        %get3A_2171 = tpu.vector_load %arg9[%get3A_2168, %get3A_2169, %get3A_2170] {strides = array<i32>} : memref<4x200x64xf32, #tpu.memory_space<vmem>>, vector<16xf32>,
        %mul3A_2172 = arith.mulf %get3A_2171, %get3A_1290 : vector<16xf32>
        %add3A_2173 = arith.addf %add3A_2167, %mul3A_2172 : vector<16xf32>
        %broadcast_in_dim3A_2174 = arith.constant true
        %broadcast_in_dim3A_2175 = vector.broadcast %broadcast_in_dim3A_2174 : i1 to vector<16xi1>
        %masked_cumsum3A_2176 = tpu.scan <sum>, %add3A_2173 masked %broadcast_in_dim3A_2175 : vector<16xf32>, vector<16xi1> -> vector<16xf32>
        %broadcast_in_dim3A_2177 = vector.shape_cast %broadcast_in_dim3A_1292 : vector<16xi32> to vector<16x1xi32>
        %gather3A_2178 = vector.shape_cast %broadcast_in_dim3A_2177 : vector<16x1xi32> to vector<16xi32>
        %gather3A_2179 = tpu.dynamic_gather %masked_cumsum3A_2176[%gather3A_2178] in [0] : vector<16xf32>, vector<16xi32> -> vector<16xf32>
        %select_n3A_2180 = arith.select %eq3A_2148, %gather3A_2179, %select_n3A_2145 : vector<16xi1>, vector<16xf32>
        %swap3A_2181 = arith.index_cast %rem3A_1255 : i32 to index
        %swap3A_2182 = arith.index_cast %mul3A_1618 : i32 to index
        %swap3A_2183 = tpu.vector_load %arg10[%swap3A_2181, %swap3A_2182] {strides = array<i32>} : memref<4x208xf32, #tpu.memory_space<vmem>>, vector<16xf32>,
        tpu.vector_store %arg10[%swap3A_2181, %swap3A_2182], %select_n3A_2180 {strides = array<i32>} : memref<4x208xf32, #tpu.memory_space<vmem>>, vector<16xf32>,
      }
      %scan3A_1298 = arith.constant 12 : i32
      %broadcast_in_dim3A_1299 = arith.constant 0.000000e+00 : f32
      %broadcast_in_dim3A_1300 = vector.broadcast %broadcast_in_dim3A_1299 : f32 to vector<16xf32>
      %eq3A = arith.constant 0 : i32
      %eq3A_1301 = vector.broadcast %eq3A : i32 to vector<16xi32>
      %eq3A_1302 = arith.cmpi eq, %iota3A, %eq3A_1301 : vector<16xi32>
      %get3A_1303 = arith.constant 192 : i32
      %get3A_1304 = arith.index_cast %rem3A_1255 : i32 to index
      %get3A_1305 = arith.index_cast %get3A_1303 : i32 to index
      %get3A_1306 = arith.constant 0 : index
      %get3A_1307 = tpu.vector_load %arg9[%get3A_1304, %get3A_1305, %get3A_1306] {strides = array<i32>} : memref<4x200x64xf32, #tpu.memory_space<vmem>>, vector<16xf32>,
      %mul3A_1308 = arith.mulf %get3A_1307, %get3A_1281 : vector<16xf32>
      %get3A_1309 = arith.constant 192 : i32
      %get3A_1310 = arith.index_cast %rem3A_1255 : i32 to index
      %get3A_1311 = arith.index_cast %get3A_1309 : i32 to index
      %get3A_1312 = arith.constant 16 : index
      %get3A_1313 = tpu.vector_load %arg9[%get3A_1310, %get3A_1311, %get3A_1312] {strides = array<i32>} : memref<4x200x64xf32, #tpu.memory_space<vmem>>, vector<16xf32>,
      %mul3A_1314 = arith.mulf %get3A_1313, %get3A_1284 : vector<16xf32>
      %add3A_1315 = arith.addf %mul3A_1308, %mul3A_1314 : vector<16xf32>
      %get3A_1316 = arith.constant 192 : i32
      %get3A_1317 = arith.index_cast %rem3A_1255 : i32 to index
      %get3A_1318 = arith.index_cast %get3A_1316 : i32 to index
      %get3A_1319 = arith.constant 32 : index
      %get3A_1320 = tpu.vector_load %arg9[%get3A_1317, %get3A_1318, %get3A_1319] {strides = array<i32>} : memref<4x200x64xf32, #tpu.memory_space<vmem>>, vector<16xf32>,
      %mul3A_1321 = arith.mulf %get3A_1320, %get3A_1287 : vector<16xf32>
      %add3A_1322 = arith.addf %add3A_1315, %mul3A_1321 : vector<16xf32>
      %get3A_1323 = arith.constant 192 : i32
      %get3A_1324 = arith.index_cast %rem3A_1255 : i32 to index
      %get3A_1325 = arith.index_cast %get3A_1323 : i32 to index
      %get3A_1326 = arith.constant 48 : index
      %get3A_1327 = tpu.vector_load %arg9[%get3A_1324, %get3A_1325, %get3A_1326] {strides = array<i32>} : memref<4x200x64xf32, #tpu.memory_space<vmem>>, vector<16xf32>,
      %mul3A_1328 = arith.mulf %get3A_1327, %get3A_1290 : vector<16xf32>
      %add3A_1329 = arith.addf %add3A_1322, %mul3A_1328 : vector<16xf32>
      %broadcast_in_dim3A_1330 = arith.constant true
      %broadcast_in_dim3A_1331 = vector.broadcast %broadcast_in_dim3A_1330 : i1 to vector<16xi1>
      %masked_cumsum3A = tpu.scan <sum>, %add3A_1329 masked %broadcast_in_dim3A_1331 : vector<16xf32>, vector<16xi1> -> vector<16xf32>
      %broadcast_in_dim3A_1332 = vector.shape_cast %broadcast_in_dim3A_1292 : vector<16xi32> to vector<16x1xi32>
      %gather3A = vector.shape_cast %broadcast_in_dim3A_1332 : vector<16x1xi32> to vector<16xi32>
      %gather3A_1333 = tpu.dynamic_gather %masked_cumsum3A[%gather3A] in [0] : vector<16xf32>, vector<16xi32> -> vector<16xf32>
      %select_n3A_1334 = arith.select %eq3A_1302, %gather3A_1333, %broadcast_in_dim3A_1300 : vector<16xi1>, vector<16xf32>
      %eq3A_1335 = arith.constant 1 : i32
      %eq3A_1336 = vector.broadcast %eq3A_1335 : i32 to vector<16xi32>
      %eq3A_1337 = arith.cmpi eq, %iota3A, %eq3A_1336 : vector<16xi32>
      %get3A_1338 = arith.constant 193 : i32
      %get3A_1339 = arith.index_cast %rem3A_1255 : i32 to index
      %get3A_1340 = arith.index_cast %get3A_1338 : i32 to index
      %get3A_1341 = arith.constant 0 : index
      %get3A_1342 = tpu.vector_load %arg9[%get3A_1339, %get3A_1340, %get3A_1341] {strides = array<i32>} : memref<4x200x64xf32, #tpu.memory_space<vmem>>, vector<16xf32>,
      %mul3A_1343 = arith.mulf %get3A_1342, %get3A_1281 : vector<16xf32>
      %get3A_1344 = arith.constant 193 : i32
      %get3A_1345 = arith.index_cast %rem3A_1255 : i32 to index
      %get3A_1346 = arith.index_cast %get3A_1344 : i32 to index
      %get3A_1347 = arith.constant 16 : index
      %get3A_1348 = tpu.vector_load %arg9[%get3A_1345, %get3A_1346, %get3A_1347] {strides = array<i32>} : memref<4x200x64xf32, #tpu.memory_space<vmem>>, vector<16xf32>,
      %mul3A_1349 = arith.mulf %get3A_1348, %get3A_1284 : vector<16xf32>
      %add3A_1350 = arith.addf %mul3A_1343, %mul3A_1349 : vector<16xf32>
      %get3A_1351 = arith.constant 193 : i32
      %get3A_1352 = arith.index_cast %rem3A_1255 : i32 to index
      %get3A_1353 = arith.index_cast %get3A_1351 : i32 to index
      %get3A_1354 = arith.constant 32 : index
      %get3A_1355 = tpu.vector_load %arg9[%get3A_1352, %get3A_1353, %get3A_1354] {strides = array<i32>} : memref<4x200x64xf32, #tpu.memory_space<vmem>>, vector<16xf32>,
      %mul3A_1356 = arith.mulf %get3A_1355, %get3A_1287 : vector<16xf32>
      %add3A_1357 = arith.addf %add3A_1350, %mul3A_1356 : vector<16xf32>
      %get3A_1358 = arith.constant 193 : i32
      %get3A_1359 = arith.index_cast %rem3A_1255 : i32 to index
      %get3A_1360 = arith.index_cast %get3A_1358 : i32 to index
      %get3A_1361 = arith.constant 48 : index
      %get3A_1362 = tpu.vector_load %arg9[%get3A_1359, %get3A_1360, %get3A_1361] {strides = array<i32>} : memref<4x200x64xf32, #tpu.memory_space<vmem>>, vector<16xf32>,
      %mul3A_1363 = arith.mulf %get3A_1362, %get3A_1290 : vector<16xf32>
      %add3A_1364 = arith.addf %add3A_1357, %mul3A_1363 : vector<16xf32>
      %broadcast_in_dim3A_1365 = arith.constant true
      %broadcast_in_dim3A_1366 = vector.broadcast %broadcast_in_dim3A_1365 : i1 to vector<16xi1>
      %masked_cumsum3A_1367 = tpu.scan <sum>, %add3A_1364 masked %broadcast_in_dim3A_1366 : vector<16xf32>, vector<16xi1> -> vector<16xf32>
      %broadcast_in_dim3A_1368 = vector.shape_cast %broadcast_in_dim3A_1292 : vector<16xi32> to vector<16x1xi32>
      %gather3A_1369 = vector.shape_cast %broadcast_in_dim3A_1368 : vector<16x1xi32> to vector<16xi32>
      %gather3A_1370 = tpu.dynamic_gather %masked_cumsum3A_1367[%gather3A_1369] in [0] : vector<16xf32>, vector<16xi32> -> vector<16xf32>
      %select_n3A_1371 = arith.select %eq3A_1337, %gather3A_1370, %select_n3A_1334 : vector<16xi1>, vector<16xf32>
      %eq3A_1372 = arith.constant 2 : i32
      %eq3A_1373 = vector.broadcast %eq3A_1372 : i32 to vector<16xi32>
      %eq3A_1374 = arith.cmpi eq, %iota3A, %eq3A_1373 : vector<16xi32>
      %get3A_1375 = arith.constant 194 : i32
      %get3A_1376 = arith.index_cast %rem3A_1255 : i32 to index
      %get3A_1377 = arith.index_cast %get3A_1375 : i32 to index
      %get3A_1378 = arith.constant 0 : index
      %get3A_1379 = tpu.vector_load %arg9[%get3A_1376, %get3A_1377, %get3A_1378] {strides = array<i32>} : memref<4x200x64xf32, #tpu.memory_space<vmem>>, vector<16xf32>,
      %mul3A_1380 = arith.mulf %get3A_1379, %get3A_1281 : vector<16xf32>
      %get3A_1381 = arith.constant 194 : i32
      %get3A_1382 = arith.index_cast %rem3A_1255 : i32 to index
      %get3A_1383 = arith.index_cast %get3A_1381 : i32 to index
      %get3A_1384 = arith.constant 16 : index
      %get3A_1385 = tpu.vector_load %arg9[%get3A_1382, %get3A_1383, %get3A_1384] {strides = array<i32>} : memref<4x200x64xf32, #tpu.memory_space<vmem>>, vector<16xf32>,
      %mul3A_1386 = arith.mulf %get3A_1385, %get3A_1284 : vector<16xf32>
      %add3A_1387 = arith.addf %mul3A_1380, %mul3A_1386 : vector<16xf32>
      %get3A_1388 = arith.constant 194 : i32
      %get3A_1389 = arith.index_cast %rem3A_1255 : i32 to index
      %get3A_1390 = arith.index_cast %get3A_1388 : i32 to index
      %get3A_1391 = arith.constant 32 : index
      %get3A_1392 = tpu.vector_load %arg9[%get3A_1389, %get3A_1390, %get3A_1391] {strides = array<i32>} : memref<4x200x64xf32, #tpu.memory_space<vmem>>, vector<16xf32>,
      %mul3A_1393 = arith.mulf %get3A_1392, %get3A_1287 : vector<16xf32>
      %add3A_1394 = arith.addf %add3A_1387, %mul3A_1393 : vector<16xf32>
      %get3A_1395 = arith.constant 194 : i32
      %get3A_1396 = arith.index_cast %rem3A_1255 : i32 to index
      %get3A_1397 = arith.index_cast %get3A_1395 : i32 to index
      %get3A_1398 = arith.constant 48 : index
      %get3A_1399 = tpu.vector_load %arg9[%get3A_1396, %get3A_1397, %get3A_1398] {strides = array<i32>} : memref<4x200x64xf32, #tpu.memory_space<vmem>>, vector<16xf32>,
      %mul3A_1400 = arith.mulf %get3A_1399, %get3A_1290 : vector<16xf32>
      %add3A_1401 = arith.addf %add3A_1394, %mul3A_1400 : vector<16xf32>
      %broadcast_in_dim3A_1402 = arith.constant true
      %broadcast_in_dim3A_1403 = vector.broadcast %broadcast_in_dim3A_1402 : i1 to vector<16xi1>
      %masked_cumsum3A_1404 = tpu.scan <sum>, %add3A_1401 masked %broadcast_in_dim3A_1403 : vector<16xf32>, vector<16xi1> -> vector<16xf32>
      %broadcast_in_dim3A_1405 = vector.shape_cast %broadcast_in_dim3A_1292 : vector<16xi32> to vector<16x1xi32>
      %gather3A_1406 = vector.shape_cast %broadcast_in_dim3A_1405 : vector<16x1xi32> to vector<16xi32>
      %gather3A_1407 = tpu.dynamic_gather %masked_cumsum3A_1404[%gather3A_1406] in [0] : vector<16xf32>, vector<16xi32> -> vector<16xf32>
      %select_n3A_1408 = arith.select %eq3A_1374, %gather3A_1407, %select_n3A_1371 : vector<16xi1>, vector<16xf32>
      %eq3A_1409 = arith.constant 3 : i32
      %eq3A_1410 = vector.broadcast %eq3A_1409 : i32 to vector<16xi32>
      %eq3A_1411 = arith.cmpi eq, %iota3A, %eq3A_1410 : vector<16xi32>
      %get3A_1412 = arith.constant 195 : i32
      %get3A_1413 = arith.index_cast %rem3A_1255 : i32 to index
      %get3A_1414 = arith.index_cast %get3A_1412 : i32 to index
      %get3A_1415 = arith.constant 0 : index
      %get3A_1416 = tpu.vector_load %arg9[%get3A_1413, %get3A_1414, %get3A_1415] {strides = array<i32>} : memref<4x200x64xf32, #tpu.memory_space<vmem>>, vector<16xf32>,
      %mul3A_1417 = arith.mulf %get3A_1416, %get3A_1281 : vector<16xf32>
      %get3A_1418 = arith.constant 195 : i32
      %get3A_1419 = arith.index_cast %rem3A_1255 : i32 to index
      %get3A_1420 = arith.index_cast %get3A_1418 : i32 to index
      %get3A_1421 = arith.constant 16 : index
      %get3A_1422 = tpu.vector_load %arg9[%get3A_1419, %get3A_1420, %get3A_1421] {strides = array<i32>} : memref<4x200x64xf32, #tpu.memory_space<vmem>>, vector<16xf32>,
      %mul3A_1423 = arith.mulf %get3A_1422, %get3A_1284 : vector<16xf32>
      %add3A_1424 = arith.addf %mul3A_1417, %mul3A_1423 : vector<16xf32>
      %get3A_1425 = arith.constant 195 : i32
      %get3A_1426 = arith.index_cast %rem3A_1255 : i32 to index
      %get3A_1427 = arith.index_cast %get3A_1425 : i32 to index
      %get3A_1428 = arith.constant 32 : index
      %get3A_1429 = tpu.vector_load %arg9[%get3A_1426, %get3A_1427, %get3A_1428] {strides = array<i32>} : memref<4x200x64xf32, #tpu.memory_space<vmem>>, vector<16xf32>,
      %mul3A_1430 = arith.mulf %get3A_1429, %get3A_1287 : vector<16xf32>
      %add3A_1431 = arith.addf %add3A_1424, %mul3A_1430 : vector<16xf32>
      %get3A_1432 = arith.constant 195 : i32
      %get3A_1433 = arith.index_cast %rem3A_1255 : i32 to index
      %get3A_1434 = arith.index_cast %get3A_1432 : i32 to index
      %get3A_1435 = arith.constant 48 : index
      %get3A_1436 = tpu.vector_load %arg9[%get3A_1433, %get3A_1434, %get3A_1435] {strides = array<i32>} : memref<4x200x64xf32, #tpu.memory_space<vmem>>, vector<16xf32>,
      %mul3A_1437 = arith.mulf %get3A_1436, %get3A_1290 : vector<16xf32>
      %add3A_1438 = arith.addf %add3A_1431, %mul3A_1437 : vector<16xf32>
      %broadcast_in_dim3A_1439 = arith.constant true
      %broadcast_in_dim3A_1440 = vector.broadcast %broadcast_in_dim3A_1439 : i1 to vector<16xi1>
      %masked_cumsum3A_1441 = tpu.scan <sum>, %add3A_1438 masked %broadcast_in_dim3A_1440 : vector<16xf32>, vector<16xi1> -> vector<16xf32>
      %broadcast_in_dim3A_1442 = vector.shape_cast %broadcast_in_dim3A_1292 : vector<16xi32> to vector<16x1xi32>
      %gather3A_1443 = vector.shape_cast %broadcast_in_dim3A_1442 : vector<16x1xi32> to vector<16xi32>
      %gather3A_1444 = tpu.dynamic_gather %masked_cumsum3A_1441[%gather3A_1443] in [0] : vector<16xf32>, vector<16xi32> -> vector<16xf32>
      %select_n3A_1445 = arith.select %eq3A_1411, %gather3A_1444, %select_n3A_1408 : vector<16xi1>, vector<16xf32>
      %eq3A_1446 = arith.constant 4 : i32
      %eq3A_1447 = vector.broadcast %eq3A_1446 : i32 to vector<16xi32>
      %eq3A_1448 = arith.cmpi eq, %iota3A, %eq3A_1447 : vector<16xi32>
      %get3A_1449 = arith.constant 196 : i32
      %get3A_1450 = arith.index_cast %rem3A_1255 : i32 to index
      %get3A_1451 = arith.index_cast %get3A_1449 : i32 to index
      %get3A_1452 = arith.constant 0 : index
      %get3A_1453 = tpu.vector_load %arg9[%get3A_1450, %get3A_1451, %get3A_1452] {strides = array<i32>} : memref<4x200x64xf32, #tpu.memory_space<vmem>>, vector<16xf32>,
      %mul3A_1454 = arith.mulf %get3A_1453, %get3A_1281 : vector<16xf32>
      %get3A_1455 = arith.constant 196 : i32
      %get3A_1456 = arith.index_cast %rem3A_1255 : i32 to index
      %get3A_1457 = arith.index_cast %get3A_1455 : i32 to index
      %get3A_1458 = arith.constant 16 : index
      %get3A_1459 = tpu.vector_load %arg9[%get3A_1456, %get3A_1457, %get3A_1458] {strides = array<i32>} : memref<4x200x64xf32, #tpu.memory_space<vmem>>, vector<16xf32>,
      %mul3A_1460 = arith.mulf %get3A_1459, %get3A_1284 : vector<16xf32>
      %add3A_1461 = arith.addf %mul3A_1454, %mul3A_1460 : vector<16xf32>
      %get3A_1462 = arith.constant 196 : i32
      %get3A_1463 = arith.index_cast %rem3A_1255 : i32 to index
      %get3A_1464 = arith.index_cast %get3A_1462 : i32 to index
      %get3A_1465 = arith.constant 32 : index
      %get3A_1466 = tpu.vector_load %arg9[%get3A_1463, %get3A_1464, %get3A_1465] {strides = array<i32>} : memref<4x200x64xf32, #tpu.memory_space<vmem>>, vector<16xf32>,
      %mul3A_1467 = arith.mulf %get3A_1466, %get3A_1287 : vector<16xf32>
      %add3A_1468 = arith.addf %add3A_1461, %mul3A_1467 : vector<16xf32>
      %get3A_1469 = arith.constant 196 : i32
      %get3A_1470 = arith.index_cast %rem3A_1255 : i32 to index
      %get3A_1471 = arith.index_cast %get3A_1469 : i32 to index
      %get3A_1472 = arith.constant 48 : index
      %get3A_1473 = tpu.vector_load %arg9[%get3A_1470, %get3A_1471, %get3A_1472] {strides = array<i32>} : memref<4x200x64xf32, #tpu.memory_space<vmem>>, vector<16xf32>,
      %mul3A_1474 = arith.mulf %get3A_1473, %get3A_1290 : vector<16xf32>
      %add3A_1475 = arith.addf %add3A_1468, %mul3A_1474 : vector<16xf32>
      %broadcast_in_dim3A_1476 = arith.constant true
      %broadcast_in_dim3A_1477 = vector.broadcast %broadcast_in_dim3A_1476 : i1 to vector<16xi1>
      %masked_cumsum3A_1478 = tpu.scan <sum>, %add3A_1475 masked %broadcast_in_dim3A_1477 : vector<16xf32>, vector<16xi1> -> vector<16xf32>
      %broadcast_in_dim3A_1479 = vector.shape_cast %broadcast_in_dim3A_1292 : vector<16xi32> to vector<16x1xi32>
      %gather3A_1480 = vector.shape_cast %broadcast_in_dim3A_1479 : vector<16x1xi32> to vector<16xi32>
      %gather3A_1481 = tpu.dynamic_gather %masked_cumsum3A_1478[%gather3A_1480] in [0] : vector<16xf32>, vector<16xi32> -> vector<16xf32>
      %select_n3A_1482 = arith.select %eq3A_1448, %gather3A_1481, %select_n3A_1445 : vector<16xi1>, vector<16xf32>
      %eq3A_1483 = arith.constant 5 : i32
      %eq3A_1484 = vector.broadcast %eq3A_1483 : i32 to vector<16xi32>
      %eq3A_1485 = arith.cmpi eq, %iota3A, %eq3A_1484 : vector<16xi32>
      %get3A_1486 = arith.constant 197 : i32
      %get3A_1487 = arith.index_cast %rem3A_1255 : i32 to index
      %get3A_1488 = arith.index_cast %get3A_1486 : i32 to index
      %get3A_1489 = arith.constant 0 : index
      %get3A_1490 = tpu.vector_load %arg9[%get3A_1487, %get3A_1488, %get3A_1489] {strides = array<i32>} : memref<4x200x64xf32, #tpu.memory_space<vmem>>, vector<16xf32>,
      %mul3A_1491 = arith.mulf %get3A_1490, %get3A_1281 : vector<16xf32>
      %get3A_1492 = arith.constant 197 : i32
      %get3A_1493 = arith.index_cast %rem3A_1255 : i32 to index
      %get3A_1494 = arith.index_cast %get3A_1492 : i32 to index
      %get3A_1495 = arith.constant 16 : index
      %get3A_1496 = tpu.vector_load %arg9[%get3A_1493, %get3A_1494, %get3A_1495] {strides = array<i32>} : memref<4x200x64xf32, #tpu.memory_space<vmem>>, vector<16xf32>,
      %mul3A_1497 = arith.mulf %get3A_1496, %get3A_1284 : vector<16xf32>
      %add3A_1498 = arith.addf %mul3A_1491, %mul3A_1497 : vector<16xf32>
      %get3A_1499 = arith.constant 197 : i32
      %get3A_1500 = arith.index_cast %rem3A_1255 : i32 to index
      %get3A_1501 = arith.index_cast %get3A_1499 : i32 to index
      %get3A_1502 = arith.constant 32 : index
      %get3A_1503 = tpu.vector_load %arg9[%get3A_1500, %get3A_1501, %get3A_1502] {strides = array<i32>} : memref<4x200x64xf32, #tpu.memory_space<vmem>>, vector<16xf32>,
      %mul3A_1504 = arith.mulf %get3A_1503, %get3A_1287 : vector<16xf32>
      %add3A_1505 = arith.addf %add3A_1498, %mul3A_1504 : vector<16xf32>
      %get3A_1506 = arith.constant 197 : i32
      %get3A_1507 = arith.index_cast %rem3A_1255 : i32 to index
      %get3A_1508 = arith.index_cast %get3A_1506 : i32 to index
      %get3A_1509 = arith.constant 48 : index
      %get3A_1510 = tpu.vector_load %arg9[%get3A_1507, %get3A_1508, %get3A_1509] {strides = array<i32>} : memref<4x200x64xf32, #tpu.memory_space<vmem>>, vector<16xf32>,
      %mul3A_1511 = arith.mulf %get3A_1510, %get3A_1290 : vector<16xf32>
      %add3A_1512 = arith.addf %add3A_1505, %mul3A_1511 : vector<16xf32>
      %broadcast_in_dim3A_1513 = arith.constant true
      %broadcast_in_dim3A_1514 = vector.broadcast %broadcast_in_dim3A_1513 : i1 to vector<16xi1>
      %masked_cumsum3A_1515 = tpu.scan <sum>, %add3A_1512 masked %broadcast_in_dim3A_1514 : vector<16xf32>, vector<16xi1> -> vector<16xf32>
      %broadcast_in_dim3A_1516 = vector.shape_cast %broadcast_in_dim3A_1292 : vector<16xi32> to vector<16x1xi32>
      %gather3A_1517 = vector.shape_cast %broadcast_in_dim3A_1516 : vector<16x1xi32> to vector<16xi32>
      %gather3A_1518 = tpu.dynamic_gather %masked_cumsum3A_1515[%gather3A_1517] in [0] : vector<16xf32>, vector<16xi32> -> vector<16xf32>
      %select_n3A_1519 = arith.select %eq3A_1485, %gather3A_1518, %select_n3A_1482 : vector<16xi1>, vector<16xf32>
      %eq3A_1520 = arith.constant 6 : i32
      %eq3A_1521 = vector.broadcast %eq3A_1520 : i32 to vector<16xi32>
      %eq3A_1522 = arith.cmpi eq, %iota3A, %eq3A_1521 : vector<16xi32>
      %get3A_1523 = arith.constant 198 : i32
      %get3A_1524 = arith.index_cast %rem3A_1255 : i32 to index
      %get3A_1525 = arith.index_cast %get3A_1523 : i32 to index
      %get3A_1526 = arith.constant 0 : index
      %get3A_1527 = tpu.vector_load %arg9[%get3A_1524, %get3A_1525, %get3A_1526] {strides = array<i32>} : memref<4x200x64xf32, #tpu.memory_space<vmem>>, vector<16xf32>,
      %mul3A_1528 = arith.mulf %get3A_1527, %get3A_1281 : vector<16xf32>
      %get3A_1529 = arith.constant 198 : i32
      %get3A_1530 = arith.index_cast %rem3A_1255 : i32 to index
      %get3A_1531 = arith.index_cast %get3A_1529 : i32 to index
      %get3A_1532 = arith.constant 16 : index
      %get3A_1533 = tpu.vector_load %arg9[%get3A_1530, %get3A_1531, %get3A_1532] {strides = array<i32>} : memref<4x200x64xf32, #tpu.memory_space<vmem>>, vector<16xf32>,
      %mul3A_1534 = arith.mulf %get3A_1533, %get3A_1284 : vector<16xf32>
      %add3A_1535 = arith.addf %mul3A_1528, %mul3A_1534 : vector<16xf32>
      %get3A_1536 = arith.constant 198 : i32
      %get3A_1537 = arith.index_cast %rem3A_1255 : i32 to index
      %get3A_1538 = arith.index_cast %get3A_1536 : i32 to index
      %get3A_1539 = arith.constant 32 : index
      %get3A_1540 = tpu.vector_load %arg9[%get3A_1537, %get3A_1538, %get3A_1539] {strides = array<i32>} : memref<4x200x64xf32, #tpu.memory_space<vmem>>, vector<16xf32>,
      %mul3A_1541 = arith.mulf %get3A_1540, %get3A_1287 : vector<16xf32>
      %add3A_1542 = arith.addf %add3A_1535, %mul3A_1541 : vector<16xf32>
      %get3A_1543 = arith.constant 198 : i32
      %get3A_1544 = arith.index_cast %rem3A_1255 : i32 to index
      %get3A_1545 = arith.index_cast %get3A_1543 : i32 to index
      %get3A_1546 = arith.constant 48 : index
      %get3A_1547 = tpu.vector_load %arg9[%get3A_1544, %get3A_1545, %get3A_1546] {strides = array<i32>} : memref<4x200x64xf32, #tpu.memory_space<vmem>>, vector<16xf32>,
      %mul3A_1548 = arith.mulf %get3A_1547, %get3A_1290 : vector<16xf32>
      %add3A_1549 = arith.addf %add3A_1542, %mul3A_1548 : vector<16xf32>
      %broadcast_in_dim3A_1550 = arith.constant true
      %broadcast_in_dim3A_1551 = vector.broadcast %broadcast_in_dim3A_1550 : i1 to vector<16xi1>
      %masked_cumsum3A_1552 = tpu.scan <sum>, %add3A_1549 masked %broadcast_in_dim3A_1551 : vector<16xf32>, vector<16xi1> -> vector<16xf32>
      %broadcast_in_dim3A_1553 = vector.shape_cast %broadcast_in_dim3A_1292 : vector<16xi32> to vector<16x1xi32>
      %gather3A_1554 = vector.shape_cast %broadcast_in_dim3A_1553 : vector<16x1xi32> to vector<16xi32>
      %gather3A_1555 = tpu.dynamic_gather %masked_cumsum3A_1552[%gather3A_1554] in [0] : vector<16xf32>, vector<16xi32> -> vector<16xf32>
      %select_n3A_1556 = arith.select %eq3A_1522, %gather3A_1555, %select_n3A_1519 : vector<16xi1>, vector<16xf32>
      %eq3A_1557 = arith.constant 7 : i32
      %eq3A_1558 = vector.broadcast %eq3A_1557 : i32 to vector<16xi32>
      %eq3A_1559 = arith.cmpi eq, %iota3A, %eq3A_1558 : vector<16xi32>
      %get3A_1560 = arith.constant 199 : i32
      %get3A_1561 = arith.index_cast %rem3A_1255 : i32 to index
      %get3A_1562 = arith.index_cast %get3A_1560 : i32 to index
      %get3A_1563 = arith.constant 0 : index
      %get3A_1564 = tpu.vector_load %arg9[%get3A_1561, %get3A_1562, %get3A_1563] {strides = array<i32>} : memref<4x200x64xf32, #tpu.memory_space<vmem>>, vector<16xf32>,
      %mul3A_1565 = arith.mulf %get3A_1564, %get3A_1281 : vector<16xf32>
      %get3A_1566 = arith.constant 199 : i32
      %get3A_1567 = arith.index_cast %rem3A_1255 : i32 to index
      %get3A_1568 = arith.index_cast %get3A_1566 : i32 to index
      %get3A_1569 = arith.constant 16 : index
      %get3A_1570 = tpu.vector_load %arg9[%get3A_1567, %get3A_1568, %get3A_1569] {strides = array<i32>} : memref<4x200x64xf32, #tpu.memory_space<vmem>>, vector<16xf32>,
      %mul3A_1571 = arith.mulf %get3A_1570, %get3A_1284 : vector<16xf32>
      %add3A_1572 = arith.addf %mul3A_1565, %mul3A_1571 : vector<16xf32>
      %get3A_1573 = arith.constant 199 : i32
      %get3A_1574 = arith.index_cast %rem3A_1255 : i32 to index
      %get3A_1575 = arith.index_cast %get3A_1573 : i32 to index
      %get3A_1576 = arith.constant 32 : index
      %get3A_1577 = tpu.vector_load %arg9[%get3A_1574, %get3A_1575, %get3A_1576] {strides = array<i32>} : memref<4x200x64xf32, #tpu.memory_space<vmem>>, vector<16xf32>,
      %mul3A_1578 = arith.mulf %get3A_1577, %get3A_1287 : vector<16xf32>
      %add3A_1579 = arith.addf %add3A_1572, %mul3A_1578 : vector<16xf32>
      %get3A_1580 = arith.constant 199 : i32
      %get3A_1581 = arith.index_cast %rem3A_1255 : i32 to index
      %get3A_1582 = arith.index_cast %get3A_1580 : i32 to index
      %get3A_1583 = arith.constant 48 : index
      %get3A_1584 = tpu.vector_load %arg9[%get3A_1581, %get3A_1582, %get3A_1583] {strides = array<i32>} : memref<4x200x64xf32, #tpu.memory_space<vmem>>, vector<16xf32>,
      %mul3A_1585 = arith.mulf %get3A_1584, %get3A_1290 : vector<16xf32>
      %add3A_1586 = arith.addf %add3A_1579, %mul3A_1585 : vector<16xf32>
      %broadcast_in_dim3A_1587 = arith.constant true
      %broadcast_in_dim3A_1588 = vector.broadcast %broadcast_in_dim3A_1587 : i1 to vector<16xi1>
      %masked_cumsum3A_1589 = tpu.scan <sum>, %add3A_1586 masked %broadcast_in_dim3A_1588 : vector<16xf32>, vector<16xi1> -> vector<16xf32>
      %broadcast_in_dim3A_1590 = vector.shape_cast %broadcast_in_dim3A_1292 : vector<16xi32> to vector<16x1xi32>
      %gather3A_1591 = vector.shape_cast %broadcast_in_dim3A_1590 : vector<16x1xi32> to vector<16xi32>
      %gather3A_1592 = tpu.dynamic_gather %masked_cumsum3A_1589[%gather3A_1591] in [0] : vector<16xf32>, vector<16xi32> -> vector<16xf32>
      %select_n3A_1593 = arith.select %eq3A_1559, %gather3A_1592, %select_n3A_1556 : vector<16xi1>, vector<16xf32>
      %swap3A_1594 = arith.index_cast %rem3A_1255 : i32 to index
      %swap3A_1595 = arith.constant 192 : index
      %swap3A_1596 = tpu.vector_load %arg10[%swap3A_1594, %swap3A_1595] {strides = array<i32>} : memref<4x208xf32, #tpu.memory_space<vmem>>, vector<16xf32>,
      tpu.vector_store %arg10[%swap3A_1594, %swap3A_1595], %select_n3A_1593 {strides = array<i32>} : memref<4x208xf32, #tpu.memory_space<vmem>>, vector<16xf32>,
      %add3A_1597 = arith.constant 4 : i32
      %add3A_1598 = arith.addi %scan3A_1253, %add3A_1597 : i32
      %lt3A = arith.constant 128 : i32
      %lt3A_1599 = arith.cmpi slt, %add3A_1598, %lt3A : i32
      %convert_element_type3A_1600 = arith.extui %lt3A_1599 : i1 to i32
      %cond3A_1601 = arith.constant 0 : i32
      %cond3A_1602 = arith.cmpi ne, %convert_element_type3A_1600, %cond3A_1601 : i32
      scf.if %cond3A_1602 {
        %add3A_1616 = arith.constant 4 : i32
        %add3A_1617 = arith.addi %scan3A_1253, %add3A_1616 : i32
        %get3A_1618 = arith.index_cast %add3A_1617 : i32 to index
        %get3A_1619 = arith.constant 0 : index
        %get3A_1620 = tpu.vector_load %arg7[%get3A_1618, %get3A_1619] {strides = array<i32>} : memref<128x200xi32, #tpu.memory_space<vmem>>, vector<16xi32>,
        %and3A_1621 = arith.constant 127 : i32
        %and3A_1622 = vector.broadcast %and3A_1621 : i32 to vector<16xi32>
        %and3A_1623 = arith.andi %get3A_1620, %and3A_1622 : vector<16xi32>
        %add3A_1624 = arith.addi %get3A_1620, %and3A_1623 : vector<16xi32>
        %ge3A_1625 = arith.constant 64 : i32
        %ge3A_1626 = vector.broadcast %ge3A_1625 : i32 to vector<16xi32>
        %ge3A_1627 = arith.cmpi sge, %and3A_1623, %ge3A_1626 : vector<16xi32>
        %jit3A_1628 = arith.constant 127 : i32
        %jit3A_1629 = arith.constant 0 : i32
        %broadcast_in_dim3A_1630 = vector.broadcast %jit3A_1628 : i32 to vector<16xi32>
        %broadcast_in_dim3A_1631 = vector.broadcast %jit3A_1629 : i32 to vector<16xi32>
        %select_n3A_1632 = arith.select %ge3A_1627, %broadcast_in_dim3A_1630, %broadcast_in_dim3A_1631 : vector<16xi1>, vector<16xi32>
        %sub3A_1633 = arith.subi %add3A_1624, %select_n3A_1632 : vector<16xi32>
        %swap3A_1634 = arith.index_cast %rem3A_1255 : i32 to index
        %swap3A_1635 = arith.constant 0 : index
        %swap3A_1636 = tpu.vector_load %arg8[%swap3A_1634, %swap3A_1635] {strides = array<i32>} : memref<4x208xi32, #tpu.memory_space<vmem>>, vector<16xi32>,
        tpu.vector_store %arg8[%swap3A_1634, %swap3A_1635], %sub3A_1633 {strides = array<i32>} : memref<4x208xi32, #tpu.memory_space<vmem>>, vector<16xi32>,
        %get3A_1637 = arith.index_cast %add3A_1617 : i32 to index
        %get3A_1638 = arith.constant 16 : index
        %get3A_1639 = tpu.vector_load %arg7[%get3A_1637, %get3A_1638] {strides = array<i32>} : memref<128x200xi32, #tpu.memory_space<vmem>>, vector<16xi32>,
        %and3A_1640 = arith.constant 127 : i32
        %and3A_1641 = vector.broadcast %and3A_1640 : i32 to vector<16xi32>
        %and3A_1642 = arith.andi %get3A_1639, %and3A_1641 : vector<16xi32>
        %add3A_1643 = arith.addi %get3A_1639, %and3A_1642 : vector<16xi32>
        %ge3A_1644 = arith.constant 64 : i32
        %ge3A_1645 = vector.broadcast %ge3A_1644 : i32 to vector<16xi32>
        %ge3A_1646 = arith.cmpi sge, %and3A_1642, %ge3A_1645 : vector<16xi32>
        %jit3A_1647 = arith.constant 127 : i32
        %jit3A_1648 = arith.constant 0 : i32
        %broadcast_in_dim3A_1649 = vector.broadcast %jit3A_1647 : i32 to vector<16xi32>
        %broadcast_in_dim3A_1650 = vector.broadcast %jit3A_1648 : i32 to vector<16xi32>
        %select_n3A_1651 = arith.select %ge3A_1646, %broadcast_in_dim3A_1649, %broadcast_in_dim3A_1650 : vector<16xi1>, vector<16xi32>
        %sub3A_1652 = arith.subi %add3A_1643, %select_n3A_1651 : vector<16xi32>
        %swap3A_1653 = arith.index_cast %rem3A_1255 : i32 to index
        %swap3A_1654 = arith.constant 16 : index
        %swap3A_1655 = tpu.vector_load %arg8[%swap3A_1653, %swap3A_1654] {strides = array<i32>} : memref<4x208xi32, #tpu.memory_space<vmem>>, vector<16xi32>,
        tpu.vector_store %arg8[%swap3A_1653, %swap3A_1654], %sub3A_1652 {strides = array<i32>} : memref<4x208xi32, #tpu.memory_space<vmem>>, vector<16xi32>,
        %get3A_1656 = arith.index_cast %add3A_1617 : i32 to index
        %get3A_1657 = arith.constant 32 : index
        %get3A_1658 = tpu.vector_load %arg7[%get3A_1656, %get3A_1657] {strides = array<i32>} : memref<128x200xi32, #tpu.memory_space<vmem>>, vector<16xi32>,
        %and3A_1659 = arith.constant 127 : i32
        %and3A_1660 = vector.broadcast %and3A_1659 : i32 to vector<16xi32>
        %and3A_1661 = arith.andi %get3A_1658, %and3A_1660 : vector<16xi32>
        %add3A_1662 = arith.addi %get3A_1658, %and3A_1661 : vector<16xi32>
        %ge3A_1663 = arith.constant 64 : i32
        %ge3A_1664 = vector.broadcast %ge3A_1663 : i32 to vector<16xi32>
        %ge3A_1665 = arith.cmpi sge, %and3A_1661, %ge3A_1664 : vector<16xi32>
        %jit3A_1666 = arith.constant 127 : i32
        %jit3A_1667 = arith.constant 0 : i32
        %broadcast_in_dim3A_1668 = vector.broadcast %jit3A_1666 : i32 to vector<16xi32>
        %broadcast_in_dim3A_1669 = vector.broadcast %jit3A_1667 : i32 to vector<16xi32>
        %select_n3A_1670 = arith.select %ge3A_1665, %broadcast_in_dim3A_1668, %broadcast_in_dim3A_1669 : vector<16xi1>, vector<16xi32>
        %sub3A_1671 = arith.subi %add3A_1662, %select_n3A_1670 : vector<16xi32>
        %swap3A_1672 = arith.index_cast %rem3A_1255 : i32 to index
        %swap3A_1673 = arith.constant 32 : index
        %swap3A_1674 = tpu.vector_load %arg8[%swap3A_1672, %swap3A_1673] {strides = array<i32>} : memref<4x208xi32, #tpu.memory_space<vmem>>, vector<16xi32>,
        tpu.vector_store %arg8[%swap3A_1672, %swap3A_1673], %sub3A_1671 {strides = array<i32>} : memref<4x208xi32, #tpu.memory_space<vmem>>, vector<16xi32>,
        %get3A_1675 = arith.index_cast %add3A_1617 : i32 to index
        %get3A_1676 = arith.constant 48 : index
        %get3A_1677 = tpu.vector_load %arg7[%get3A_1675, %get3A_1676] {strides = array<i32>} : memref<128x200xi32, #tpu.memory_space<vmem>>, vector<16xi32>,
        %and3A_1678 = arith.constant 127 : i32
        %and3A_1679 = vector.broadcast %and3A_1678 : i32 to vector<16xi32>
        %and3A_1680 = arith.andi %get3A_1677, %and3A_1679 : vector<16xi32>
        %add3A_1681 = arith.addi %get3A_1677, %and3A_1680 : vector<16xi32>
        %ge3A_1682 = arith.constant 64 : i32
        %ge3A_1683 = vector.broadcast %ge3A_1682 : i32 to vector<16xi32>
        %ge3A_1684 = arith.cmpi sge, %and3A_1680, %ge3A_1683 : vector<16xi32>
        %jit3A_1685 = arith.constant 127 : i32
        %jit3A_1686 = arith.constant 0 : i32
        %broadcast_in_dim3A_1687 = vector.broadcast %jit3A_1685 : i32 to vector<16xi32>
        %broadcast_in_dim3A_1688 = vector.broadcast %jit3A_1686 : i32 to vector<16xi32>
        %select_n3A_1689 = arith.select %ge3A_1684, %broadcast_in_dim3A_1687, %broadcast_in_dim3A_1688 : vector<16xi1>, vector<16xi32>
        %sub3A_1690 = arith.subi %add3A_1681, %select_n3A_1689 : vector<16xi32>
        %swap3A_1691 = arith.index_cast %rem3A_1255 : i32 to index
        %swap3A_1692 = arith.constant 48 : index
        %swap3A_1693 = tpu.vector_load %arg8[%swap3A_1691, %swap3A_1692] {strides = array<i32>} : memref<4x208xi32, #tpu.memory_space<vmem>>, vector<16xi32>,
        tpu.vector_store %arg8[%swap3A_1691, %swap3A_1692], %sub3A_1690 {strides = array<i32>} : memref<4x208xi32, #tpu.memory_space<vmem>>, vector<16xi32>,
        %get3A_1694 = arith.index_cast %add3A_1617 : i32 to index
        %get3A_1695 = arith.constant 64 : index
        %get3A_1696 = tpu.vector_load %arg7[%get3A_1694, %get3A_1695] {strides = array<i32>} : memref<128x200xi32, #tpu.memory_space<vmem>>, vector<16xi32>,
        %and3A_1697 = arith.constant 127 : i32
        %and3A_1698 = vector.broadcast %and3A_1697 : i32 to vector<16xi32>
        %and3A_1699 = arith.andi %get3A_1696, %and3A_1698 : vector<16xi32>
        %add3A_1700 = arith.addi %get3A_1696, %and3A_1699 : vector<16xi32>
        %ge3A_1701 = arith.constant 64 : i32
        %ge3A_1702 = vector.broadcast %ge3A_1701 : i32 to vector<16xi32>
        %ge3A_1703 = arith.cmpi sge, %and3A_1699, %ge3A_1702 : vector<16xi32>
        %jit3A_1704 = arith.constant 127 : i32
        %jit3A_1705 = arith.constant 0 : i32
        %broadcast_in_dim3A_1706 = vector.broadcast %jit3A_1704 : i32 to vector<16xi32>
        %broadcast_in_dim3A_1707 = vector.broadcast %jit3A_1705 : i32 to vector<16xi32>
        %select_n3A_1708 = arith.select %ge3A_1703, %broadcast_in_dim3A_1706, %broadcast_in_dim3A_1707 : vector<16xi1>, vector<16xi32>
        %sub3A_1709 = arith.subi %add3A_1700, %select_n3A_1708 : vector<16xi32>
        %swap3A_1710 = arith.index_cast %rem3A_1255 : i32 to index
        %swap3A_1711 = arith.constant 64 : index
        %swap3A_1712 = tpu.vector_load %arg8[%swap3A_1710, %swap3A_1711] {strides = array<i32>} : memref<4x208xi32, #tpu.memory_space<vmem>>, vector<16xi32>,
        tpu.vector_store %arg8[%swap3A_1710, %swap3A_1711], %sub3A_1709 {strides = array<i32>} : memref<4x208xi32, #tpu.memory_space<vmem>>, vector<16xi32>,
        %get3A_1713 = arith.index_cast %add3A_1617 : i32 to index
        %get3A_1714 = arith.constant 80 : index
        %get3A_1715 = tpu.vector_load %arg7[%get3A_1713, %get3A_1714] {strides = array<i32>} : memref<128x200xi32, #tpu.memory_space<vmem>>, vector<16xi32>,
        %and3A_1716 = arith.constant 127 : i32
        %and3A_1717 = vector.broadcast %and3A_1716 : i32 to vector<16xi32>
        %and3A_1718 = arith.andi %get3A_1715, %and3A_1717 : vector<16xi32>
        %add3A_1719 = arith.addi %get3A_1715, %and3A_1718 : vector<16xi32>
        %ge3A_1720 = arith.constant 64 : i32
        %ge3A_1721 = vector.broadcast %ge3A_1720 : i32 to vector<16xi32>
        %ge3A_1722 = arith.cmpi sge, %and3A_1718, %ge3A_1721 : vector<16xi32>
        %jit3A_1723 = arith.constant 127 : i32
        %jit3A_1724 = arith.constant 0 : i32
        %broadcast_in_dim3A_1725 = vector.broadcast %jit3A_1723 : i32 to vector<16xi32>
        %broadcast_in_dim3A_1726 = vector.broadcast %jit3A_1724 : i32 to vector<16xi32>
        %select_n3A_1727 = arith.select %ge3A_1722, %broadcast_in_dim3A_1725, %broadcast_in_dim3A_1726 : vector<16xi1>, vector<16xi32>
        %sub3A_1728 = arith.subi %add3A_1719, %select_n3A_1727 : vector<16xi32>
        %swap3A_1729 = arith.index_cast %rem3A_1255 : i32 to index
        %swap3A_1730 = arith.constant 80 : index
        %swap3A_1731 = tpu.vector_load %arg8[%swap3A_1729, %swap3A_1730] {strides = array<i32>} : memref<4x208xi32, #tpu.memory_space<vmem>>, vector<16xi32>,
        tpu.vector_store %arg8[%swap3A_1729, %swap3A_1730], %sub3A_1728 {strides = array<i32>} : memref<4x208xi32, #tpu.memory_space<vmem>>, vector<16xi32>,
        %get3A_1732 = arith.index_cast %add3A_1617 : i32 to index
        %get3A_1733 = arith.constant 96 : index
        %get3A_1734 = tpu.vector_load %arg7[%get3A_1732, %get3A_1733] {strides = array<i32>} : memref<128x200xi32, #tpu.memory_space<vmem>>, vector<16xi32>,
        %and3A_1735 = arith.constant 127 : i32
        %and3A_1736 = vector.broadcast %and3A_1735 : i32 to vector<16xi32>
        %and3A_1737 = arith.andi %get3A_1734, %and3A_1736 : vector<16xi32>
        %add3A_1738 = arith.addi %get3A_1734, %and3A_1737 : vector<16xi32>
        %ge3A_1739 = arith.constant 64 : i32
        %ge3A_1740 = vector.broadcast %ge3A_1739 : i32 to vector<16xi32>
        %ge3A_1741 = arith.cmpi sge, %and3A_1737, %ge3A_1740 : vector<16xi32>
        %jit3A_1742 = arith.constant 127 : i32
        %jit3A_1743 = arith.constant 0 : i32
        %broadcast_in_dim3A_1744 = vector.broadcast %jit3A_1742 : i32 to vector<16xi32>
        %broadcast_in_dim3A_1745 = vector.broadcast %jit3A_1743 : i32 to vector<16xi32>
        %select_n3A_1746 = arith.select %ge3A_1741, %broadcast_in_dim3A_1744, %broadcast_in_dim3A_1745 : vector<16xi1>, vector<16xi32>
        %sub3A_1747 = arith.subi %add3A_1738, %select_n3A_1746 : vector<16xi32>
        %swap3A_1748 = arith.index_cast %rem3A_1255 : i32 to index
        %swap3A_1749 = arith.constant 96 : index
        %swap3A_1750 = tpu.vector_load %arg8[%swap3A_1748, %swap3A_1749] {strides = array<i32>} : memref<4x208xi32, #tpu.memory_space<vmem>>, vector<16xi32>,
        tpu.vector_store %arg8[%swap3A_1748, %swap3A_1749], %sub3A_1747 {strides = array<i32>} : memref<4x208xi32, #tpu.memory_space<vmem>>, vector<16xi32>,
        %get3A_1751 = arith.index_cast %add3A_1617 : i32 to index
        %get3A_1752 = arith.constant 112 : index
        %get3A_1753 = tpu.vector_load %arg7[%get3A_1751, %get3A_1752] {strides = array<i32>} : memref<128x200xi32, #tpu.memory_space<vmem>>, vector<16xi32>,
        %and3A_1754 = arith.constant 127 : i32
        %and3A_1755 = vector.broadcast %and3A_1754 : i32 to vector<16xi32>
        %and3A_1756 = arith.andi %get3A_1753, %and3A_1755 : vector<16xi32>
        %add3A_1757 = arith.addi %get3A_1753, %and3A_1756 : vector<16xi32>
        %ge3A_1758 = arith.constant 64 : i32
        %ge3A_1759 = vector.broadcast %ge3A_1758 : i32 to vector<16xi32>
        %ge3A_1760 = arith.cmpi sge, %and3A_1756, %ge3A_1759 : vector<16xi32>
        %jit3A_1761 = arith.constant 127 : i32
        %jit3A_1762 = arith.constant 0 : i32
        %broadcast_in_dim3A_1763 = vector.broadcast %jit3A_1761 : i32 to vector<16xi32>
        %broadcast_in_dim3A_1764 = vector.broadcast %jit3A_1762 : i32 to vector<16xi32>
        %select_n3A_1765 = arith.select %ge3A_1760, %broadcast_in_dim3A_1763, %broadcast_in_dim3A_1764 : vector<16xi1>, vector<16xi32>
        %sub3A_1766 = arith.subi %add3A_1757, %select_n3A_1765 : vector<16xi32>
        %swap3A_1767 = arith.index_cast %rem3A_1255 : i32 to index
        %swap3A_1768 = arith.constant 112 : index
        %swap3A_1769 = tpu.vector_load %arg8[%swap3A_1767, %swap3A_1768] {strides = array<i32>} : memref<4x208xi32, #tpu.memory_space<vmem>>, vector<16xi32>,
        tpu.vector_store %arg8[%swap3A_1767, %swap3A_1768], %sub3A_1766 {strides = array<i32>} : memref<4x208xi32, #tpu.memory_space<vmem>>, vector<16xi32>,
        %get3A_1770 = arith.index_cast %add3A_1617 : i32 to index
        %get3A_1771 = arith.constant 128 : index
        %get3A_1772 = tpu.vector_load %arg7[%get3A_1770, %get3A_1771] {strides = array<i32>} : memref<128x200xi32, #tpu.memory_space<vmem>>, vector<16xi32>,
        %and3A_1773 = arith.constant 127 : i32
        %and3A_1774 = vector.broadcast %and3A_1773 : i32 to vector<16xi32>
        %and3A_1775 = arith.andi %get3A_1772, %and3A_1774 : vector<16xi32>
        %add3A_1776 = arith.addi %get3A_1772, %and3A_1775 : vector<16xi32>
        %ge3A_1777 = arith.constant 64 : i32
        %ge3A_1778 = vector.broadcast %ge3A_1777 : i32 to vector<16xi32>
        %ge3A_1779 = arith.cmpi sge, %and3A_1775, %ge3A_1778 : vector<16xi32>
        %jit3A_1780 = arith.constant 127 : i32
        %jit3A_1781 = arith.constant 0 : i32
        %broadcast_in_dim3A_1782 = vector.broadcast %jit3A_1780 : i32 to vector<16xi32>
        %broadcast_in_dim3A_1783 = vector.broadcast %jit3A_1781 : i32 to vector<16xi32>
        %select_n3A_1784 = arith.select %ge3A_1779, %broadcast_in_dim3A_1782, %broadcast_in_dim3A_1783 : vector<16xi1>, vector<16xi32>
        %sub3A_1785 = arith.subi %add3A_1776, %select_n3A_1784 : vector<16xi32>
        %swap3A_1786 = arith.index_cast %rem3A_1255 : i32 to index
        %swap3A_1787 = arith.constant 128 : index
        %swap3A_1788 = tpu.vector_load %arg8[%swap3A_1786, %swap3A_1787] {strides = array<i32>} : memref<4x208xi32, #tpu.memory_space<vmem>>, vector<16xi32>,
        tpu.vector_store %arg8[%swap3A_1786, %swap3A_1787], %sub3A_1785 {strides = array<i32>} : memref<4x208xi32, #tpu.memory_space<vmem>>, vector<16xi32>,
        %get3A_1789 = arith.index_cast %add3A_1617 : i32 to index
        %get3A_1790 = arith.constant 144 : index
        %get3A_1791 = tpu.vector_load %arg7[%get3A_1789, %get3A_1790] {strides = array<i32>} : memref<128x200xi32, #tpu.memory_space<vmem>>, vector<16xi32>,
        %and3A_1792 = arith.constant 127 : i32
        %and3A_1793 = vector.broadcast %and3A_1792 : i32 to vector<16xi32>
        %and3A_1794 = arith.andi %get3A_1791, %and3A_1793 : vector<16xi32>
        %add3A_1795 = arith.addi %get3A_1791, %and3A_1794 : vector<16xi32>
        %ge3A_1796 = arith.constant 64 : i32
        %ge3A_1797 = vector.broadcast %ge3A_1796 : i32 to vector<16xi32>
        %ge3A_1798 = arith.cmpi sge, %and3A_1794, %ge3A_1797 : vector<16xi32>
        %jit3A_1799 = arith.constant 127 : i32
        %jit3A_1800 = arith.constant 0 : i32
        %broadcast_in_dim3A_1801 = vector.broadcast %jit3A_1799 : i32 to vector<16xi32>
        %broadcast_in_dim3A_1802 = vector.broadcast %jit3A_1800 : i32 to vector<16xi32>
        %select_n3A_1803 = arith.select %ge3A_1798, %broadcast_in_dim3A_1801, %broadcast_in_dim3A_1802 : vector<16xi1>, vector<16xi32>
        %sub3A_1804 = arith.subi %add3A_1795, %select_n3A_1803 : vector<16xi32>
        %swap3A_1805 = arith.index_cast %rem3A_1255 : i32 to index
        %swap3A_1806 = arith.constant 144 : index
        %swap3A_1807 = tpu.vector_load %arg8[%swap3A_1805, %swap3A_1806] {strides = array<i32>} : memref<4x208xi32, #tpu.memory_space<vmem>>, vector<16xi32>,
        tpu.vector_store %arg8[%swap3A_1805, %swap3A_1806], %sub3A_1804 {strides = array<i32>} : memref<4x208xi32, #tpu.memory_space<vmem>>, vector<16xi32>,
        %get3A_1808 = arith.index_cast %add3A_1617 : i32 to index
        %get3A_1809 = arith.constant 160 : index
        %get3A_1810 = tpu.vector_load %arg7[%get3A_1808, %get3A_1809] {strides = array<i32>} : memref<128x200xi32, #tpu.memory_space<vmem>>, vector<16xi32>,
        %and3A_1811 = arith.constant 127 : i32
        %and3A_1812 = vector.broadcast %and3A_1811 : i32 to vector<16xi32>
        %and3A_1813 = arith.andi %get3A_1810, %and3A_1812 : vector<16xi32>
        %add3A_1814 = arith.addi %get3A_1810, %and3A_1813 : vector<16xi32>
        %ge3A_1815 = arith.constant 64 : i32
        %ge3A_1816 = vector.broadcast %ge3A_1815 : i32 to vector<16xi32>
        %ge3A_1817 = arith.cmpi sge, %and3A_1813, %ge3A_1816 : vector<16xi32>
        %jit3A_1818 = arith.constant 127 : i32
        %jit3A_1819 = arith.constant 0 : i32
        %broadcast_in_dim3A_1820 = vector.broadcast %jit3A_1818 : i32 to vector<16xi32>
        %broadcast_in_dim3A_1821 = vector.broadcast %jit3A_1819 : i32 to vector<16xi32>
        %select_n3A_1822 = arith.select %ge3A_1817, %broadcast_in_dim3A_1820, %broadcast_in_dim3A_1821 : vector<16xi1>, vector<16xi32>
        %sub3A_1823 = arith.subi %add3A_1814, %select_n3A_1822 : vector<16xi32>
        %swap3A_1824 = arith.index_cast %rem3A_1255 : i32 to index
        %swap3A_1825 = arith.constant 160 : index
        %swap3A_1826 = tpu.vector_load %arg8[%swap3A_1824, %swap3A_1825] {strides = array<i32>} : memref<4x208xi32, #tpu.memory_space<vmem>>, vector<16xi32>,
        tpu.vector_store %arg8[%swap3A_1824, %swap3A_1825], %sub3A_1823 {strides = array<i32>} : memref<4x208xi32, #tpu.memory_space<vmem>>, vector<16xi32>,
        %get3A_1827 = arith.index_cast %add3A_1617 : i32 to index
        %get3A_1828 = arith.constant 176 : index
        %get3A_1829 = tpu.vector_load %arg7[%get3A_1827, %get3A_1828] {strides = array<i32>} : memref<128x200xi32, #tpu.memory_space<vmem>>, vector<16xi32>,
        %and3A_1830 = arith.constant 127 : i32
        %and3A_1831 = vector.broadcast %and3A_1830 : i32 to vector<16xi32>
        %and3A_1832 = arith.andi %get3A_1829, %and3A_1831 : vector<16xi32>
        %add3A_1833 = arith.addi %get3A_1829, %and3A_1832 : vector<16xi32>
        %ge3A_1834 = arith.constant 64 : i32
        %ge3A_1835 = vector.broadcast %ge3A_1834 : i32 to vector<16xi32>
        %ge3A_1836 = arith.cmpi sge, %and3A_1832, %ge3A_1835 : vector<16xi32>
        %jit3A_1837 = arith.constant 127 : i32
        %jit3A_1838 = arith.constant 0 : i32
        %broadcast_in_dim3A_1839 = vector.broadcast %jit3A_1837 : i32 to vector<16xi32>
        %broadcast_in_dim3A_1840 = vector.broadcast %jit3A_1838 : i32 to vector<16xi32>
        %select_n3A_1841 = arith.select %ge3A_1836, %broadcast_in_dim3A_1839, %broadcast_in_dim3A_1840 : vector<16xi1>, vector<16xi32>
        %sub3A_1842 = arith.subi %add3A_1833, %select_n3A_1841 : vector<16xi32>
        %swap3A_1843 = arith.index_cast %rem3A_1255 : i32 to index
        %swap3A_1844 = arith.constant 176 : index
        %swap3A_1845 = tpu.vector_load %arg8[%swap3A_1843, %swap3A_1844] {strides = array<i32>} : memref<4x208xi32, #tpu.memory_space<vmem>>, vector<16xi32>,
        tpu.vector_store %arg8[%swap3A_1843, %swap3A_1844], %sub3A_1842 {strides = array<i32>} : memref<4x208xi32, #tpu.memory_space<vmem>>, vector<16xi32>,
        %get3A_1846 = arith.index_cast %add3A_1617 : i32 to index
        %get3A_1847 = arith.constant 184 : index
        %get3A_1848 = tpu.vector_load %arg7[%get3A_1846, %get3A_1847] {strides = array<i32>} : memref<128x200xi32, #tpu.memory_space<vmem>>, vector<16xi32>,
        %and3A_1849 = arith.constant 127 : i32
        %and3A_1850 = vector.broadcast %and3A_1849 : i32 to vector<16xi32>
        %and3A_1851 = arith.andi %get3A_1848, %and3A_1850 : vector<16xi32>
        %add3A_1852 = arith.addi %get3A_1848, %and3A_1851 : vector<16xi32>
        %ge3A_1853 = arith.constant 64 : i32
        %ge3A_1854 = vector.broadcast %ge3A_1853 : i32 to vector<16xi32>
        %ge3A_1855 = arith.cmpi sge, %and3A_1851, %ge3A_1854 : vector<16xi32>
        %jit3A_1856 = arith.constant 127 : i32
        %jit3A_1857 = arith.constant 0 : i32
        %broadcast_in_dim3A_1858 = vector.broadcast %jit3A_1856 : i32 to vector<16xi32>
        %broadcast_in_dim3A_1859 = vector.broadcast %jit3A_1857 : i32 to vector<16xi32>
        %select_n3A_1860 = arith.select %ge3A_1855, %broadcast_in_dim3A_1858, %broadcast_in_dim3A_1859 : vector<16xi1>, vector<16xi32>
        %sub3A_1861 = arith.subi %add3A_1852, %select_n3A_1860 : vector<16xi32>
        %swap3A_1862 = arith.index_cast %rem3A_1255 : i32 to index
        %swap3A_1863 = arith.constant 184 : index
        %swap3A_1864 = tpu.vector_load %arg8[%swap3A_1862, %swap3A_1863] {strides = array<i32>} : memref<4x208xi32, #tpu.memory_space<vmem>>, vector<16xi32>,
        tpu.vector_store %arg8[%swap3A_1862, %swap3A_1863], %sub3A_1861 {strides = array<i32>} : memref<4x208xi32, #tpu.memory_space<vmem>>, vector<16xi32>,
        %dma_start3A_1865 = arith.constant 0 : i32
        %dma_start3A_1866 = arith.constant 0 : i32
        %dma_start3A_1867 = tpu.memref_slice %arg9[%rem3A_1255, %dma_start3A_1865, %dma_start3A_1866] : memref<4x200x64xf32, #tpu.memory_space<vmem>> -> memref<1x128x64xf32, #tpu.memory_space<vmem>>
        %dma_start3A_1868 = tpu.memref_squeeze %dma_start3A_1867 : memref<1x128x64xf32, #tpu.memory_space<vmem>> -> memref<128x64xf32, #tpu.memory_space<vmem>>
        %dma_start3A_1869 = arith.constant 0 : i32
        %dma_start3A_1870 = tpu.memref_slice %arg8[%rem3A_1255, %dma_start3A_1869] : memref<4x208xi32, #tpu.memory_space<vmem>> -> memref<1x128xi32, #tpu.memory_space<vmem>>
        %dma_start3A_1871 = tpu.memref_squeeze %dma_start3A_1870 : memref<1x128xi32, #tpu.memory_space<vmem>> -> memref<128xi32, #tpu.memory_space<vmem>>
        %dma_start3A_1872 = arith.constant 0 : i32
        %dma_start3A_1873 = arith.constant 0 : i32
        %dma_start3A_1874 = tpu.memref_slice %arg4[%dma_start3A_1872, %dma_start3A_1873] : memref<1000064x64xf32, #tpu.memory_space<hbm>> -> memref<1000064x64xf32, #tpu.memory_space<hbm>>
        tpu.enqueue_indirect_dma source(%dma_start3A_1874 : memref<1000064x64xf32, #tpu.memory_space<hbm>>) target(%dma_start3A_1868 : memref<128x64xf32, #tpu.memory_space<vmem>>) offsets(%dma_start3A_1871 : memref<128xi32, #tpu.memory_space<vmem>>) semaphore(%arg11 : memref<!tpu.dma_semaphore, #tpu.memory_space<semaphore_mem>>)
        %dma_start3A_1875 = arith.constant 128 : i32
        %dma_start3A_1876 = arith.constant 0 : i32
        %dma_start3A_1877 = tpu.memref_slice %arg9[%rem3A_1255, %dma_start3A_1875, %dma_start3A_1876] : memref<4x200x64xf32, #tpu.memory_space<vmem>> -> memref<1x72x64xf32, #tpu.memory_space<vmem>>
        %dma_start3A_1878 = tpu.memref_squeeze %dma_start3A_1877 : memref<1x72x64xf32, #tpu.memory_space<vmem>> -> memref<72x64xf32, #tpu.memory_space<vmem>>
        %dma_start3A_1879 = arith.constant 128 : i32
        %dma_start3A_1880 = tpu.memref_slice %arg8[%rem3A_1255, %dma_start3A_1879] : memref<4x208xi32, #tpu.memory_space<vmem>> -> memref<1x72xi32, #tpu.memory_space<vmem>>
        %dma_start3A_1881 = tpu.memref_squeeze %dma_start3A_1880 : memref<1x72xi32, #tpu.memory_space<vmem>> -> memref<72xi32, #tpu.memory_space<vmem>>
        %dma_start3A_1882 = arith.constant 0 : i32
        %dma_start3A_1883 = arith.constant 0 : i32
        %dma_start3A_1884 = tpu.memref_slice %arg4[%dma_start3A_1882, %dma_start3A_1883] : memref<1000064x64xf32, #tpu.memory_space<hbm>> -> memref<1000064x64xf32, #tpu.memory_space<hbm>>
        tpu.enqueue_indirect_dma source(%dma_start3A_1884 : memref<1000064x64xf32, #tpu.memory_space<hbm>>) target(%dma_start3A_1878 : memref<72x64xf32, #tpu.memory_space<vmem>>) offsets(%dma_start3A_1881 : memref<72xi32, #tpu.memory_space<vmem>>) semaphore(%arg11 : memref<!tpu.dma_semaphore, #tpu.memory_space<semaphore_mem>>)
      } else {
      }
      %add3A_1603 = arith.addi %mul3A_2, %scan3A_1253 : i32
      %dma_start3A_1604 = arith.constant 0 : i32
      %dma_start3A_1605 = tpu.memref_slice %arg10[%rem3A_1255, %dma_start3A_1604] : memref<4x208xf32, #tpu.memory_space<vmem>> -> memref<1x200xf32, #tpu.memory_space<vmem>>
      %dma_start3A_1606 = tpu.memref_squeeze %dma_start3A_1605 : memref<1x200xf32, #tpu.memory_space<vmem>> -> memref<200xf32, #tpu.memory_space<vmem>>
      %dma_start3A_1607 = arith.constant 0 : i32
      %dma_start3A_1608 = tpu.memref_slice %arg5[%add3A_1603, %dma_start3A_1607] : memref<4096x200xf32, #tpu.memory_space<hbm>> -> memref<1x200xf32, #tpu.memory_space<hbm>>
      %dma_start3A_1609 = tpu.memref_squeeze %dma_start3A_1608 : memref<1x200xf32, #tpu.memory_space<hbm>> -> memref<200xf32, #tpu.memory_space<hbm>>
      %dma_start3A_1610 = arith.constant 0 : i32
      %dma_start3A_1611 = tpu.memref_slice %arg5[%add3A_1603, %dma_start3A_1610] : memref<4096x200xf32, #tpu.memory_space<hbm>> -> memref<1x200xf32, #tpu.memory_space<hbm>>
      %dma_start3A_1612 = tpu.memref_squeeze %dma_start3A_1611 : memref<1x200xf32, #tpu.memory_space<hbm>> -> memref<200xf32, #tpu.memory_space<hbm>>
      %dma_start3A_1613 = arith.constant 0 : i32
      %dma_start3A_1614 = tpu.memref_slice %arg10[%rem3A_1255, %dma_start3A_1613] : memref<4x208xf32, #tpu.memory_space<vmem>> -> memref<1x200xf32, #tpu.memory_space<vmem>>
      %dma_start3A_1615 = tpu.memref_squeeze %dma_start3A_1614 : memref<1x200xf32, #tpu.memory_space<vmem>> -> memref<200xf32, #tpu.memory_space<vmem>>
      tpu.enqueue_dma source(%dma_start3A_1615 : memref<200xf32, #tpu.memory_space<vmem>>) target(%dma_start3A_1612 : memref<200xf32, #tpu.memory_space<hbm>>) target_semaphore(%arg12 : memref<!tpu.dma_semaphore, #tpu.memory_space<semaphore_mem>>)
    }
    %scan3A_1186 = arith.constant 128 : i32
    %rem3A = arith.constant 124 : i32
    %rem3A_1187 = arith.constant 4 : i32
    %rem3A_1188 = arith.remsi %rem3A, %rem3A_1187 : i32
    %add3A_1189 = arith.constant 124 : i32
    %add3A_1190 = arith.addi %mul3A_2, %add3A_1189 : i32
    %dma_wait3A = arith.constant 0 : i32
    %dma_wait3A_1191 = tpu.memref_slice %arg10[%rem3A_1188, %dma_wait3A] : memref<4x208xf32, #tpu.memory_space<vmem>> -> memref<1x200xf32, #tpu.memory_space<vmem>>
    %dma_wait3A_1192 = tpu.memref_squeeze %dma_wait3A_1191 : memref<1x200xf32, #tpu.memory_space<vmem>> -> memref<200xf32, #tpu.memory_space<vmem>>
    %dma_wait3A_1193 = arith.constant 0 : i32
    %dma_wait3A_1194 = tpu.memref_slice %arg5[%add3A_1190, %dma_wait3A_1193] : memref<4096x200xf32, #tpu.memory_space<hbm>> -> memref<1x200xf32, #tpu.memory_space<hbm>>
    %dma_wait3A_1195 = tpu.memref_squeeze %dma_wait3A_1194 : memref<1x200xf32, #tpu.memory_space<hbm>> -> memref<200xf32, #tpu.memory_space<hbm>>
    %dma_wait3A_1196 = arith.constant 0 : i32
    %dma_wait3A_1197 = tpu.memref_slice %arg5[%add3A_1190, %dma_wait3A_1196] : memref<4096x200xf32, #tpu.memory_space<hbm>> -> memref<1x200xf32, #tpu.memory_space<hbm>>
    %dma_wait3A_1198 = tpu.memref_squeeze %dma_wait3A_1197 : memref<1x200xf32, #tpu.memory_space<hbm>> -> memref<200xf32, #tpu.memory_space<hbm>>
    %dma_wait3A_1199 = arith.constant 0 : i32
    %dma_wait3A_1200 = tpu.memref_slice %arg10[%rem3A_1188, %dma_wait3A_1199] : memref<4x208xf32, #tpu.memory_space<vmem>> -> memref<1x200xf32, #tpu.memory_space<vmem>>
    %dma_wait3A_1201 = tpu.memref_squeeze %dma_wait3A_1200 : memref<1x200xf32, #tpu.memory_space<vmem>> -> memref<200xf32, #tpu.memory_space<vmem>>
    tpu.wait_dma2 semaphore(%arg12 : memref<!tpu.dma_semaphore, #tpu.memory_space<semaphore_mem>>) src(%dma_wait3A_1201 : memref<200xf32, #tpu.memory_space<vmem>>) dst(%dma_wait3A_1198 : memref<200xf32, #tpu.memory_space<hbm>>)
    %rem3A_1202 = arith.constant 125 : i32
    %rem3A_1203 = arith.constant 4 : i32
    %rem3A_1204 = arith.remsi %rem3A_1202, %rem3A_1203 : i32
    %add3A_1205 = arith.constant 125 : i32
    %add3A_1206 = arith.addi %mul3A_2, %add3A_1205 : i32
    %dma_wait3A_1207 = arith.constant 0 : i32
    %dma_wait3A_1208 = tpu.memref_slice %arg10[%rem3A_1204, %dma_wait3A_1207] : memref<4x208xf32, #tpu.memory_space<vmem>> -> memref<1x200xf32, #tpu.memory_space<vmem>>
    %dma_wait3A_1209 = tpu.memref_squeeze %dma_wait3A_1208 : memref<1x200xf32, #tpu.memory_space<vmem>> -> memref<200xf32, #tpu.memory_space<vmem>>
    %dma_wait3A_1210 = arith.constant 0 : i32
    %dma_wait3A_1211 = tpu.memref_slice %arg5[%add3A_1206, %dma_wait3A_1210] : memref<4096x200xf32, #tpu.memory_space<hbm>> -> memref<1x200xf32, #tpu.memory_space<hbm>>
    %dma_wait3A_1212 = tpu.memref_squeeze %dma_wait3A_1211 : memref<1x200xf32, #tpu.memory_space<hbm>> -> memref<200xf32, #tpu.memory_space<hbm>>
    %dma_wait3A_1213 = arith.constant 0 : i32
    %dma_wait3A_1214 = tpu.memref_slice %arg5[%add3A_1206, %dma_wait3A_1213] : memref<4096x200xf32, #tpu.memory_space<hbm>> -> memref<1x200xf32, #tpu.memory_space<hbm>>
    %dma_wait3A_1215 = tpu.memref_squeeze %dma_wait3A_1214 : memref<1x200xf32, #tpu.memory_space<hbm>> -> memref<200xf32, #tpu.memory_space<hbm>>
    %dma_wait3A_1216 = arith.constant 0 : i32
    %dma_wait3A_1217 = tpu.memref_slice %arg10[%rem3A_1204, %dma_wait3A_1216] : memref<4x208xf32, #tpu.memory_space<vmem>> -> memref<1x200xf32, #tpu.memory_space<vmem>>
    %dma_wait3A_1218 = tpu.memref_squeeze %dma_wait3A_1217 : memref<1x200xf32, #tpu.memory_space<vmem>> -> memref<200xf32, #tpu.memory_space<vmem>>
    tpu.wait_dma2 semaphore(%arg12 : memref<!tpu.dma_semaphore, #tpu.memory_space<semaphore_mem>>) src(%dma_wait3A_1218 : memref<200xf32, #tpu.memory_space<vmem>>) dst(%dma_wait3A_1215 : memref<200xf32, #tpu.memory_space<hbm>>)
    %rem3A_1219 = arith.constant 126 : i32
    %rem3A_1220 = arith.constant 4 : i32
    %rem3A_1221 = arith.remsi %rem3A_1219, %rem3A_1220 : i32
    %add3A_1222 = arith.constant 126 : i32
    %add3A_1223 = arith.addi %mul3A_2, %add3A_1222 : i32
    %dma_wait3A_1224 = arith.constant 0 : i32
    %dma_wait3A_1225 = tpu.memref_slice %arg10[%rem3A_1221, %dma_wait3A_1224] : memref<4x208xf32, #tpu.memory_space<vmem>> -> memref<1x200xf32, #tpu.memory_space<vmem>>
    %dma_wait3A_1226 = tpu.memref_squeeze %dma_wait3A_1225 : memref<1x200xf32, #tpu.memory_space<vmem>> -> memref<200xf32, #tpu.memory_space<vmem>>
    %dma_wait3A_1227 = arith.constant 0 : i32
    %dma_wait3A_1228 = tpu.memref_slice %arg5[%add3A_1223, %dma_wait3A_1227] : memref<4096x200xf32, #tpu.memory_space<hbm>> -> memref<1x200xf32, #tpu.memory_space<hbm>>
    %dma_wait3A_1229 = tpu.memref_squeeze %dma_wait3A_1228 : memref<1x200xf32, #tpu.memory_space<hbm>> -> memref<200xf32, #tpu.memory_space<hbm>>
    %dma_wait3A_1230 = arith.constant 0 : i32
    %dma_wait3A_1231 = tpu.memref_slice %arg5[%add3A_1223, %dma_wait3A_1230] : memref<4096x200xf32, #tpu.memory_space<hbm>> -> memref<1x200xf32, #tpu.memory_space<hbm>>
    %dma_wait3A_1232 = tpu.memref_squeeze %dma_wait3A_1231 : memref<1x200xf32, #tpu.memory_space<hbm>> -> memref<200xf32, #tpu.memory_space<hbm>>
    %dma_wait3A_1233 = arith.constant 0 : i32
    %dma_wait3A_1234 = tpu.memref_slice %arg10[%rem3A_1221, %dma_wait3A_1233] : memref<4x208xf32, #tpu.memory_space<vmem>> -> memref<1x200xf32, #tpu.memory_space<vmem>>
    %dma_wait3A_1235 = tpu.memref_squeeze %dma_wait3A_1234 : memref<1x200xf32, #tpu.memory_space<vmem>> -> memref<200xf32, #tpu.memory_space<vmem>>
    tpu.wait_dma2 semaphore(%arg12 : memref<!tpu.dma_semaphore, #tpu.memory_space<semaphore_mem>>) src(%dma_wait3A_1235 : memref<200xf32, #tpu.memory_space<vmem>>) dst(%dma_wait3A_1232 : memref<200xf32, #tpu.memory_space<hbm>>)
    %rem3A_1236 = arith.constant 127 : i32
    %rem3A_1237 = arith.constant 4 : i32
    %rem3A_1238 = arith.remsi %rem3A_1236, %rem3A_1237 : i32
    %add3A_1239 = arith.constant 127 : i32
    %add3A_1240 = arith.addi %mul3A_2, %add3A_1239 : i32
    %dma_wait3A_1241 = arith.constant 0 : i32
    %dma_wait3A_1242 = tpu.memref_slice %arg10[%rem3A_1238, %dma_wait3A_1241] : memref<4x208xf32, #tpu.memory_space<vmem>> -> memref<1x200xf32, #tpu.memory_space<vmem>>
    %dma_wait3A_1243 = tpu.memref_squeeze %dma_wait3A_1242 : memref<1x200xf32, #tpu.memory_space<vmem>> -> memref<200xf32, #tpu.memory_space<vmem>>
    %dma_wait3A_1244 = arith.constant 0 : i32
    %dma_wait3A_1245 = tpu.memref_slice %arg5[%add3A_1240, %dma_wait3A_1244] : memref<4096x200xf32, #tpu.memory_space<hbm>> -> memref<1x200xf32, #tpu.memory_space<hbm>>
    %dma_wait3A_1246 = tpu.memref_squeeze %dma_wait3A_1245 : memref<1x200xf32, #tpu.memory_space<hbm>> -> memref<200xf32, #tpu.memory_space<hbm>>
    %dma_wait3A_1247 = arith.constant 0 : i32
    %dma_wait3A_1248 = tpu.memref_slice %arg5[%add3A_1240, %dma_wait3A_1247] : memref<4096x200xf32, #tpu.memory_space<hbm>> -> memref<1x200xf32, #tpu.memory_space<hbm>>
    %dma_wait3A_1249 = tpu.memref_squeeze %dma_wait3A_1248 : memref<1x200xf32, #tpu.memory_space<hbm>> -> memref<200xf32, #tpu.memory_space<hbm>>
    %dma_wait3A_1250 = arith.constant 0 : i32
    %dma_wait3A_1251 = tpu.memref_slice %arg10[%rem3A_1238, %dma_wait3A_1250] : memref<4x208xf32, #tpu.memory_space<vmem>> -> memref<1x200xf32, #tpu.memory_space<vmem>>
    %dma_wait3A_1252 = tpu.memref_squeeze %dma_wait3A_1251 : memref<1x200xf32, #tpu.memory_space<vmem>> -> memref<200xf32, #tpu.memory_space<vmem>>
    tpu.wait_dma2 semaphore(%arg12 : memref<!tpu.dma_semaphore, #tpu.memory_space<semaphore_mem>>) src(%dma_wait3A_1252 : memref<200xf32, #tpu.memory_space<vmem>>) dst(%dma_wait3A_1249 : memref<200xf32, #tpu.memory_space<hbm>>)
    return
  }
}

module attributes {stable_mosaic.version = 14 : i64} {
  func.func @_tc_repack_body(%arg0: i32, %arg1: memref<64x1664xf32, #tpu.memory_space<vmem>>, %arg2: memref<832x128xf32, #tpu.memory_space<vmem>>) attributes {dimension_semantics = [#tpu.dimension_semantics<arbitrary>], iteration_bounds = array<i64: 601>, scalar_prefetch = 0 : i64, scratch_operands = 0 : i64, tpu.core_type = #tpu.core_type<tc>, window_params = [{transform_indices = @transform_0, window_bounds = array<i64: 64, 1664>}, {transform_indices = @transform_1, window_bounds = array<i64: 832, 128>}]} {
    %get3A = arith.constant 0 : index
    %get3A_0 = arith.constant 0 : index
    %get3A_1 = vector.load %arg1[%get3A, %get3A_0] : memref<64x1664xf32, #tpu.memory_space<vmem>>, vector<64x1664xf32>
    %iota3A = tpu.iota {dimensions = array<i32: 0>} : vector<64x64xi32>
    %iota3A_2 = tpu.iota {dimensions = array<i32: 1>} : vector<64x64xi32>
    %add3A = arith.constant 0 : i32
    %add3A_3 = vector.broadcast %add3A : i32 to vector<64x64xi32>
    %add3A_4 = arith.addi %iota3A, %add3A_3 : vector<64x64xi32>
    %eq3A = arith.cmpi eq, %add3A_4, %iota3A_2 : vector<64x64xi32>
    %convert_element_type3A = arith.extui %eq3A : vector<64x64xi1> to vector<64x64xi32>
    %convert_element_type3A_5 = arith.sitofp %convert_element_type3A : vector<64x64xi32> to vector<64x64xf32>
    %dot_general3A = arith.constant dense<0.000000e+00> : vector<1664x64xf32>
    %dot_general3A_6 = tpu.matmul %get3A_1, %convert_element_type3A_5, %dot_general3A {dimension_numbers = #tpu.dot_dimension_numbers<[0], [0], [1], [1], [0, 1, 1, 1], [], []>, transpose_lhs_hint = false} : vector<64x1664xf32>, vector<64x64xf32>, vector<1664x64xf32> -> vector<1664x64xf32>
    %slice3A = vector.extract_strided_slice %dot_general3A_6 {offsets = [0, 0], sizes = [64, 64], strides = [1, 1]} : vector<1664x64xf32> to vector<64x64xf32>
    %swap3A = arith.constant 0 : index
    %swap3A_7 = arith.constant 0 : index
    %swap3A_8 = vector.load %arg2[%swap3A, %swap3A_7] : memref<832x128xf32, #tpu.memory_space<vmem>>, vector<64x64xf32>
    tpu.vector_store %arg2[%swap3A, %swap3A_7], %slice3A {strides = array<i32>} : memref<832x128xf32, #tpu.memory_space<vmem>>, vector<64x64xf32>,
    %slice3A_9 = vector.extract_strided_slice %dot_general3A_6 {offsets = [64, 0], sizes = [64, 64], strides = [1, 1]} : vector<1664x64xf32> to vector<64x64xf32>
    %swap3A_10 = arith.constant 0 : index
    %swap3A_11 = arith.constant 64 : index
    %swap3A_12 = vector.load %arg2[%swap3A_10, %swap3A_11] : memref<832x128xf32, #tpu.memory_space<vmem>>, vector<64x64xf32>
    tpu.vector_store %arg2[%swap3A_10, %swap3A_11], %slice3A_9 {strides = array<i32>} : memref<832x128xf32, #tpu.memory_space<vmem>>, vector<64x64xf32>,
    %slice3A_13 = vector.extract_strided_slice %dot_general3A_6 {offsets = [128, 0], sizes = [64, 64], strides = [1, 1]} : vector<1664x64xf32> to vector<64x64xf32>
    %swap3A_14 = arith.constant 64 : index
    %swap3A_15 = arith.constant 0 : index
    %swap3A_16 = vector.load %arg2[%swap3A_14, %swap3A_15] : memref<832x128xf32, #tpu.memory_space<vmem>>, vector<64x64xf32>
    tpu.vector_store %arg2[%swap3A_14, %swap3A_15], %slice3A_13 {strides = array<i32>} : memref<832x128xf32, #tpu.memory_space<vmem>>, vector<64x64xf32>,
    %slice3A_17 = vector.extract_strided_slice %dot_general3A_6 {offsets = [192, 0], sizes = [64, 64], strides = [1, 1]} : vector<1664x64xf32> to vector<64x64xf32>
    %swap3A_18 = arith.constant 64 : index
    %swap3A_19 = arith.constant 64 : index
    %swap3A_20 = vector.load %arg2[%swap3A_18, %swap3A_19] : memref<832x128xf32, #tpu.memory_space<vmem>>, vector<64x64xf32>
    tpu.vector_store %arg2[%swap3A_18, %swap3A_19], %slice3A_17 {strides = array<i32>} : memref<832x128xf32, #tpu.memory_space<vmem>>, vector<64x64xf32>,
    %slice3A_21 = vector.extract_strided_slice %dot_general3A_6 {offsets = [256, 0], sizes = [64, 64], strides = [1, 1]} : vector<1664x64xf32> to vector<64x64xf32>
    %swap3A_22 = arith.constant 128 : index
    %swap3A_23 = arith.constant 0 : index
    %swap3A_24 = vector.load %arg2[%swap3A_22, %swap3A_23] : memref<832x128xf32, #tpu.memory_space<vmem>>, vector<64x64xf32>
    tpu.vector_store %arg2[%swap3A_22, %swap3A_23], %slice3A_21 {strides = array<i32>} : memref<832x128xf32, #tpu.memory_space<vmem>>, vector<64x64xf32>,
    %slice3A_25 = vector.extract_strided_slice %dot_general3A_6 {offsets = [320, 0], sizes = [64, 64], strides = [1, 1]} : vector<1664x64xf32> to vector<64x64xf32>
    %swap3A_26 = arith.constant 128 : index
    %swap3A_27 = arith.constant 64 : index
    %swap3A_28 = vector.load %arg2[%swap3A_26, %swap3A_27] : memref<832x128xf32, #tpu.memory_space<vmem>>, vector<64x64xf32>
    tpu.vector_store %arg2[%swap3A_26, %swap3A_27], %slice3A_25 {strides = array<i32>} : memref<832x128xf32, #tpu.memory_space<vmem>>, vector<64x64xf32>,
    %slice3A_29 = vector.extract_strided_slice %dot_general3A_6 {offsets = [384, 0], sizes = [64, 64], strides = [1, 1]} : vector<1664x64xf32> to vector<64x64xf32>
    %swap3A_30 = arith.constant 192 : index
    %swap3A_31 = arith.constant 0 : index
    %swap3A_32 = vector.load %arg2[%swap3A_30, %swap3A_31] : memref<832x128xf32, #tpu.memory_space<vmem>>, vector<64x64xf32>
    tpu.vector_store %arg2[%swap3A_30, %swap3A_31], %slice3A_29 {strides = array<i32>} : memref<832x128xf32, #tpu.memory_space<vmem>>, vector<64x64xf32>,
    %slice3A_33 = vector.extract_strided_slice %dot_general3A_6 {offsets = [448, 0], sizes = [64, 64], strides = [1, 1]} : vector<1664x64xf32> to vector<64x64xf32>
    %swap3A_34 = arith.constant 192 : index
    %swap3A_35 = arith.constant 64 : index
    %swap3A_36 = vector.load %arg2[%swap3A_34, %swap3A_35] : memref<832x128xf32, #tpu.memory_space<vmem>>, vector<64x64xf32>
    tpu.vector_store %arg2[%swap3A_34, %swap3A_35], %slice3A_33 {strides = array<i32>} : memref<832x128xf32, #tpu.memory_space<vmem>>, vector<64x64xf32>,
    %slice3A_37 = vector.extract_strided_slice %dot_general3A_6 {offsets = [512, 0], sizes = [64, 64], strides = [1, 1]} : vector<1664x64xf32> to vector<64x64xf32>
    %swap3A_38 = arith.constant 256 : index
    %swap3A_39 = arith.constant 0 : index
    %swap3A_40 = vector.load %arg2[%swap3A_38, %swap3A_39] : memref<832x128xf32, #tpu.memory_space<vmem>>, vector<64x64xf32>
    tpu.vector_store %arg2[%swap3A_38, %swap3A_39], %slice3A_37 {strides = array<i32>} : memref<832x128xf32, #tpu.memory_space<vmem>>, vector<64x64xf32>,
    %slice3A_41 = vector.extract_strided_slice %dot_general3A_6 {offsets = [576, 0], sizes = [64, 64], strides = [1, 1]} : vector<1664x64xf32> to vector<64x64xf32>
    %swap3A_42 = arith.constant 256 : index
    %swap3A_43 = arith.constant 64 : index
    %swap3A_44 = vector.load %arg2[%swap3A_42, %swap3A_43] : memref<832x128xf32, #tpu.memory_space<vmem>>, vector<64x64xf32>
    tpu.vector_store %arg2[%swap3A_42, %swap3A_43], %slice3A_41 {strides = array<i32>} : memref<832x128xf32, #tpu.memory_space<vmem>>, vector<64x64xf32>,
    %slice3A_45 = vector.extract_strided_slice %dot_general3A_6 {offsets = [640, 0], sizes = [64, 64], strides = [1, 1]} : vector<1664x64xf32> to vector<64x64xf32>
    %swap3A_46 = arith.constant 320 : index
    %swap3A_47 = arith.constant 0 : index
    %swap3A_48 = vector.load %arg2[%swap3A_46, %swap3A_47] : memref<832x128xf32, #tpu.memory_space<vmem>>, vector<64x64xf32>
    tpu.vector_store %arg2[%swap3A_46, %swap3A_47], %slice3A_45 {strides = array<i32>} : memref<832x128xf32, #tpu.memory_space<vmem>>, vector<64x64xf32>,
    %slice3A_49 = vector.extract_strided_slice %dot_general3A_6 {offsets = [704, 0], sizes = [64, 64], strides = [1, 1]} : vector<1664x64xf32> to vector<64x64xf32>
    %swap3A_50 = arith.constant 320 : index
    %swap3A_51 = arith.constant 64 : index
    %swap3A_52 = vector.load %arg2[%swap3A_50, %swap3A_51] : memref<832x128xf32, #tpu.memory_space<vmem>>, vector<64x64xf32>
    tpu.vector_store %arg2[%swap3A_50, %swap3A_51], %slice3A_49 {strides = array<i32>} : memref<832x128xf32, #tpu.memory_space<vmem>>, vector<64x64xf32>,
    %slice3A_53 = vector.extract_strided_slice %dot_general3A_6 {offsets = [768, 0], sizes = [64, 64], strides = [1, 1]} : vector<1664x64xf32> to vector<64x64xf32>
    %swap3A_54 = arith.constant 384 : index
    %swap3A_55 = arith.constant 0 : index
    %swap3A_56 = vector.load %arg2[%swap3A_54, %swap3A_55] : memref<832x128xf32, #tpu.memory_space<vmem>>, vector<64x64xf32>
    tpu.vector_store %arg2[%swap3A_54, %swap3A_55], %slice3A_53 {strides = array<i32>} : memref<832x128xf32, #tpu.memory_space<vmem>>, vector<64x64xf32>,
    %slice3A_57 = vector.extract_strided_slice %dot_general3A_6 {offsets = [832, 0], sizes = [64, 64], strides = [1, 1]} : vector<1664x64xf32> to vector<64x64xf32>
    %swap3A_58 = arith.constant 384 : index
    %swap3A_59 = arith.constant 64 : index
    %swap3A_60 = vector.load %arg2[%swap3A_58, %swap3A_59] : memref<832x128xf32, #tpu.memory_space<vmem>>, vector<64x64xf32>
    tpu.vector_store %arg2[%swap3A_58, %swap3A_59], %slice3A_57 {strides = array<i32>} : memref<832x128xf32, #tpu.memory_space<vmem>>, vector<64x64xf32>,
    %slice3A_61 = vector.extract_strided_slice %dot_general3A_6 {offsets = [896, 0], sizes = [64, 64], strides = [1, 1]} : vector<1664x64xf32> to vector<64x64xf32>
    %swap3A_62 = arith.constant 448 : index
    %swap3A_63 = arith.constant 0 : index
    %swap3A_64 = vector.load %arg2[%swap3A_62, %swap3A_63] : memref<832x128xf32, #tpu.memory_space<vmem>>, vector<64x64xf32>
    tpu.vector_store %arg2[%swap3A_62, %swap3A_63], %slice3A_61 {strides = array<i32>} : memref<832x128xf32, #tpu.memory_space<vmem>>, vector<64x64xf32>,
    %slice3A_65 = vector.extract_strided_slice %dot_general3A_6 {offsets = [960, 0], sizes = [64, 64], strides = [1, 1]} : vector<1664x64xf32> to vector<64x64xf32>
    %swap3A_66 = arith.constant 448 : index
    %swap3A_67 = arith.constant 64 : index
    %swap3A_68 = vector.load %arg2[%swap3A_66, %swap3A_67] : memref<832x128xf32, #tpu.memory_space<vmem>>, vector<64x64xf32>
    tpu.vector_store %arg2[%swap3A_66, %swap3A_67], %slice3A_65 {strides = array<i32>} : memref<832x128xf32, #tpu.memory_space<vmem>>, vector<64x64xf32>,
    %slice3A_69 = vector.extract_strided_slice %dot_general3A_6 {offsets = [1024, 0], sizes = [64, 64], strides = [1, 1]} : vector<1664x64xf32> to vector<64x64xf32>
    %swap3A_70 = arith.constant 512 : index
    %swap3A_71 = arith.constant 0 : index
    %swap3A_72 = vector.load %arg2[%swap3A_70, %swap3A_71] : memref<832x128xf32, #tpu.memory_space<vmem>>, vector<64x64xf32>
    tpu.vector_store %arg2[%swap3A_70, %swap3A_71], %slice3A_69 {strides = array<i32>} : memref<832x128xf32, #tpu.memory_space<vmem>>, vector<64x64xf32>,
    %slice3A_73 = vector.extract_strided_slice %dot_general3A_6 {offsets = [1088, 0], sizes = [64, 64], strides = [1, 1]} : vector<1664x64xf32> to vector<64x64xf32>
    %swap3A_74 = arith.constant 512 : index
    %swap3A_75 = arith.constant 64 : index
    %swap3A_76 = vector.load %arg2[%swap3A_74, %swap3A_75] : memref<832x128xf32, #tpu.memory_space<vmem>>, vector<64x64xf32>
    tpu.vector_store %arg2[%swap3A_74, %swap3A_75], %slice3A_73 {strides = array<i32>} : memref<832x128xf32, #tpu.memory_space<vmem>>, vector<64x64xf32>,
    %slice3A_77 = vector.extract_strided_slice %dot_general3A_6 {offsets = [1152, 0], sizes = [64, 64], strides = [1, 1]} : vector<1664x64xf32> to vector<64x64xf32>
    %swap3A_78 = arith.constant 576 : index
    %swap3A_79 = arith.constant 0 : index
    %swap3A_80 = vector.load %arg2[%swap3A_78, %swap3A_79] : memref<832x128xf32, #tpu.memory_space<vmem>>, vector<64x64xf32>
    tpu.vector_store %arg2[%swap3A_78, %swap3A_79], %slice3A_77 {strides = array<i32>} : memref<832x128xf32, #tpu.memory_space<vmem>>, vector<64x64xf32>,
    %slice3A_81 = vector.extract_strided_slice %dot_general3A_6 {offsets = [1216, 0], sizes = [64, 64], strides = [1, 1]} : vector<1664x64xf32> to vector<64x64xf32>
    %swap3A_82 = arith.constant 576 : index
    %swap3A_83 = arith.constant 64 : index
    %swap3A_84 = vector.load %arg2[%swap3A_82, %swap3A_83] : memref<832x128xf32, #tpu.memory_space<vmem>>, vector<64x64xf32>
    tpu.vector_store %arg2[%swap3A_82, %swap3A_83], %slice3A_81 {strides = array<i32>} : memref<832x128xf32, #tpu.memory_space<vmem>>, vector<64x64xf32>,
    %slice3A_85 = vector.extract_strided_slice %dot_general3A_6 {offsets = [1280, 0], sizes = [64, 64], strides = [1, 1]} : vector<1664x64xf32> to vector<64x64xf32>
    %swap3A_86 = arith.constant 640 : index
    %swap3A_87 = arith.constant 0 : index
    %swap3A_88 = vector.load %arg2[%swap3A_86, %swap3A_87] : memref<832x128xf32, #tpu.memory_space<vmem>>, vector<64x64xf32>
    tpu.vector_store %arg2[%swap3A_86, %swap3A_87], %slice3A_85 {strides = array<i32>} : memref<832x128xf32, #tpu.memory_space<vmem>>, vector<64x64xf32>,
    %slice3A_89 = vector.extract_strided_slice %dot_general3A_6 {offsets = [1344, 0], sizes = [64, 64], strides = [1, 1]} : vector<1664x64xf32> to vector<64x64xf32>
    %swap3A_90 = arith.constant 640 : index
    %swap3A_91 = arith.constant 64 : index
    %swap3A_92 = vector.load %arg2[%swap3A_90, %swap3A_91] : memref<832x128xf32, #tpu.memory_space<vmem>>, vector<64x64xf32>
    tpu.vector_store %arg2[%swap3A_90, %swap3A_91], %slice3A_89 {strides = array<i32>} : memref<832x128xf32, #tpu.memory_space<vmem>>, vector<64x64xf32>,
    %slice3A_93 = vector.extract_strided_slice %dot_general3A_6 {offsets = [1408, 0], sizes = [64, 64], strides = [1, 1]} : vector<1664x64xf32> to vector<64x64xf32>
    %swap3A_94 = arith.constant 704 : index
    %swap3A_95 = arith.constant 0 : index
    %swap3A_96 = vector.load %arg2[%swap3A_94, %swap3A_95] : memref<832x128xf32, #tpu.memory_space<vmem>>, vector<64x64xf32>
    tpu.vector_store %arg2[%swap3A_94, %swap3A_95], %slice3A_93 {strides = array<i32>} : memref<832x128xf32, #tpu.memory_space<vmem>>, vector<64x64xf32>,
    %slice3A_97 = vector.extract_strided_slice %dot_general3A_6 {offsets = [1472, 0], sizes = [64, 64], strides = [1, 1]} : vector<1664x64xf32> to vector<64x64xf32>
    %swap3A_98 = arith.constant 704 : index
    %swap3A_99 = arith.constant 64 : index
    %swap3A_100 = vector.load %arg2[%swap3A_98, %swap3A_99] : memref<832x128xf32, #tpu.memory_space<vmem>>, vector<64x64xf32>
    tpu.vector_store %arg2[%swap3A_98, %swap3A_99], %slice3A_97 {strides = array<i32>} : memref<832x128xf32, #tpu.memory_space<vmem>>, vector<64x64xf32>,
    %slice3A_101 = vector.extract_strided_slice %dot_general3A_6 {offsets = [1536, 0], sizes = [64, 64], strides = [1, 1]} : vector<1664x64xf32> to vector<64x64xf32>
    %swap3A_102 = arith.constant 768 : index
    %swap3A_103 = arith.constant 0 : index
    %swap3A_104 = vector.load %arg2[%swap3A_102, %swap3A_103] : memref<832x128xf32, #tpu.memory_space<vmem>>, vector<64x64xf32>
    tpu.vector_store %arg2[%swap3A_102, %swap3A_103], %slice3A_101 {strides = array<i32>} : memref<832x128xf32, #tpu.memory_space<vmem>>, vector<64x64xf32>,
    %slice3A_105 = vector.extract_strided_slice %dot_general3A_6 {offsets = [1600, 0], sizes = [64, 64], strides = [1, 1]} : vector<1664x64xf32> to vector<64x64xf32>
    %swap3A_106 = arith.constant 768 : index
    %swap3A_107 = arith.constant 64 : index
    %swap3A_108 = vector.load %arg2[%swap3A_106, %swap3A_107] : memref<832x128xf32, #tpu.memory_space<vmem>>, vector<64x64xf32>
    tpu.vector_store %arg2[%swap3A_106, %swap3A_107], %slice3A_105 {strides = array<i32>} : memref<832x128xf32, #tpu.memory_space<vmem>>, vector<64x64xf32>,
    return
  }
  func.func @transform_0(%arg0: i32) -> (i32, i32) {
    %c0_i32 = arith.constant 0 : i32
    %c0_i32_0 = arith.constant 0 : i32
    return %c0_i32, %arg0 : i32, i32
  }
  func.func @transform_1(%arg0: i32) -> (i32, i32) {
    %c0_i32 = arith.constant 0 : i32
    %c0_i32_0 = arith.constant 0 : i32
    return %arg0, %c0_i32 : i32, i32
  }
}

</mosaic_0001>

<sc_bundles>
// kernel: kernel.4.cloned.1.call-start
scs
__scs_entry_jumppad:
0x0: {  	(pc) =	sbr.rel $0x88, $3  }
0x1: {  	(tag) =	ssettag $0x0;
	lr =	simm.s32 $0x1  }
0x2: {  	[smem:$0x3F9E] =	sst lr;
	_ =	strace $0xD0000000  }
0x3: {  	_ = 	snop  }
0x4: {  	_ = 	snop  }
0x5: {  	_ = 	snop  }
0x6: {  	_ = 	snop  }
0x7: {  	_ = 	snop  }
__scs_overlays_trampoline_lowered:
0x8: {  	[smem:$0x3FAD] =	sst s0  }
0x9: {  	[smem:$0x3FAE] =	sst s1  }
0xa: {  	[smem:$0x3FAF] =	sst s2  }
0xb: {  	[smem:$0x3FB0] =	sst s3  }
0xc: {  	[smem:$0x3FB1] =	sst s4  }
0xd: {  	[smem:$0x3FB2] =	sst s5  }
0xe: {  	[smem:$0x3FB3] =	sst s6  }
0xf: {  	[smem:$0x3FB4] =	sst s7  }
0x10: {  	[smem:$0x3FB5] =	sst s8  }
0x11: {  	[smem:$0x3FB6] =	sst s9;
	s0 =	simm.s32 @!p0 $0x0  }
0x12: {  	s1 =	sld [smem:$0x3F9C];
	s0 =	simm.s32 @p0 $0x1  }
0x13: {  	[smem:$0x3FB7] =	sst s0;
	s0 =	simm.s32 @!p1 $0x0  }
0x14: {  	s2 =	sld [smem:$0x3F9B];
	s0 =	simm.s32 @p1 $0x1  }
0x15: {  	[smem:$0x3FB8] =	sst s0;
	s0 =	simm.s32 @!p2 $0x0  }
0x16: {  	s3 =	sld [smem:$0x3FDB];
	s0 =	simm.s32 @p2 $0x1  }
0x17: {  	s4 =	simm.s32 $0x1BF5;
	[smem:$0x3FBA] =	sst s0  }
0x18: {  	s0 =	sld [smem:$0x3F9D];
	_ =	swait.ge [sflag:s4], $0x0  }
0x19: {  	s7 =	sld [smem:$0x3F9E]  }
0x1a: {  	s8 =	sadd.s32 $0xFFFFE003, lr  }
0x1b: {  	s9 =	sadd.s32 $0xFFFFFEF7, lr;
	s5 =	simm.s32 $0xFFFFFFFF;
	p2 =	slt.u32 s8, $0xFFFFF086  }
0x1c: {  	p1 =	slt.u32 s9, $0xF7A;
	s5 =	simm.s32 @!p2 $0x0  }
0x1d: {  	s5 =	simm.s32 @p1 $0x1;
	p0 =	seq.s32 s7, s2  }
0x1e: {  	s7 =	smul.u32 @!p0 $0xF7A, s2;
	p2 =	seq.s32 @!p0 s5, $0x0  }
0x1f: {  	s9 =	smul.u32 $0xF7A, s1;
	s8 =	simm.s32 @!p0 $0x1BF5;
	p2 =	por !p2, p0  }
0x20: {  	[sflag:s8] =	ssyncset.s32 @!p0 $0xFFFFF086;
	s6 =	sadd.s32 @!p0 s3, s7;
	s7 =	simm.s32 @!p0 $0x108  }
0x21: {  	s3 =	sadd.s32 s3, s9;
	s6 =	sadd.s32 @!p0 $0x88, s6;
	s7 =	simm.s32 @p2 $0x1082  }
0x22: {  	[simem:s7], [sflag:s8] =	dma.local @!p0 [hbm:s6], $0xF7A  }
0x23: {  	s9 =	sor.u32 $0xD0000000, s2;
	s6 =	simm.s32 $0x108;
	_ =	swait.ge @!p0 [sflag:s8], $0x0  }
0x24: {  	s3 =	sadd.s32 $0x88, s3;
	s6 =	simm.s32 @!p1 $0x1082;
	[sflag:s4] =	ssyncset.s32 $0xFFFFF086  }
0x25: {  	[simem:s6], [sflag:s4] =	dma.local [hbm:s3], $0xF7A  }
0x26: {  	[smem:$0x3F9E] =	sst s1;
	(tag) =	ssettag s2;
	_ =	strace s9  }
0x27: {  	s1 =	sld [smem:$0x3FAE]  }
0x28: {  	s2 =	sld [smem:$0x3FAF]  }
0x29: {  	s4 =	sld [smem:$0x3FB1]  }
0x2a: {  	p0 =	seq.s32 s5, $0x0;
	s5 =	sld [smem:$0x3FB2]  }
0x2b: {  	s6 =	sld [smem:$0x3FB3]  }
0x2c: {  	s7 =	sld [smem:$0x3FB4]  }
0x2d: {  	s3 =	simm.s32 $0x108;
	s8 =	sld [smem:$0x3FB5]  }
0x2e: {  	s3 =	simm.s32 @!p0 $0x1082;
	s9 =	sld [smem:$0x3FB6]  }
0x2f: {  	lr =	sadd.s32 s0, s3;
	s0 =	sld [smem:$0x3FAD]  }
0x30: {  	s3 =	sld [smem:$0x3FB0]  }
0x31: {  	[smem:$0x3FB9] =	sst s10  }
0x32: {  	s10 =	sld [smem:$0x3FB7];
	_ =	sdelay $0x3  }
0x33: {  	p0 =	seq.s32 s10, $0x1;
	s10 =	sld [smem:$0x3FB9];
	_ =	sdelay $0x3  }
0x34: {  	[smem:$0x3FB9] =	sst s10  }
0x35: {  	s10 =	sld [smem:$0x3FB8];
	_ =	sdelay $0x3  }
0x36: {  	p1 =	seq.s32 s10, $0x1;
	s10 =	sld [smem:$0x3FB9];
	_ =	sdelay $0x3  }
0x37: {  	[smem:$0x3FB9] =	sst s10  }
0x38: {  	s10 =	sld [smem:$0x3FBA]  }
0x39: {  	_ = 	snop;
	(pc) =	sbr.ind lr, $3  }
0x3a: {  	_ = 	snop  }
0x3b: {  	_ = 	snop  }
0x3c: {  	p2 =	seq.s32 s10, $0x1;
	s10 =	sld [smem:$0x3FB9]  }
0x3d: {  	_ =	shalt  }
0x3e: {  	_ =	shalt  }
0x3f: {  	_ =	shalt  }
0x40: {  	_ =	shalt  }
0x41: {  	_ =	shalt  }
0x42: {  	_ =	shalt  }
0x43: {  	_ =	shalt  }
0x44: {  	_ =	shalt  }
0x45: {  	_ =	shalt  }
0x46: {  	_ =	shalt  }
0x47: {  	_ =	shalt  }
0x48: {  	_ =	shalt  }
0x49: {  	_ =	shalt  }
0x4a: {  	_ =	shalt  }
0x4b: {  	_ =	shalt  }
0x4c: {  	_ =	shalt  }
0x4d: {  	_ =	shalt  }
0x4e: {  	_ =	shalt  }
0x4f: {  	_ =	shalt  }
0x50: {  	_ =	shalt  }
0x51: {  	_ =	shalt  }
0x52: {  	_ =	shalt  }
0x53: {  	_ =	shalt  }
0x54: {  	_ =	shalt  }
0x55: {  	_ =	shalt  }
0x56: {  	_ =	shalt  }
0x57: {  	_ =	shalt  }
0x58: {  	_ =	shalt  }
0x59: {  	_ =	shalt  }
0x5a: {  	_ =	shalt  }
0x5b: {  	_ =	shalt  }
0x5c: {  	_ =	shalt  }
0x5d: {  	_ =	shalt  }
0x5e: {  	_ =	shalt  }
0x5f: {  	_ =	shalt  }
0x60: {  	_ =	shalt  }
0x61: {  	_ =	shalt  }
0x62: {  	_ =	shalt  }
0x63: {  	_ =	shalt  }
0x64: {  	_ =	shalt  }
0x65: {  	_ =	shalt  }
0x66: {  	_ =	shalt  }
0x67: {  	_ =	shalt  }
0x68: {  	_ =	shalt  }
0x69: {  	_ =	shalt  }
0x6a: {  	_ =	shalt  }
0x6b: {  	_ =	shalt  }
0x6c: {  	_ =	shalt  }
0x6d: {  	_ =	shalt  }
0x6e: {  	_ =	shalt  }
0x6f: {  	_ =	shalt  }
0x70: {  	_ =	shalt  }
0x71: {  	_ =	shalt  }
0x72: {  	_ =	shalt  }
0x73: {  	_ =	shalt  }
0x74: {  	_ =	shalt  }
0x75: {  	_ =	shalt  }
0x76: {  	_ =	shalt  }
0x77: {  	_ =	shalt  }
0x78: {  	_ =	shalt  }
0x79: {  	_ =	shalt  }
0x7a: {  	_ =	shalt  }
0x7b: {  	_ =	shalt  }
0x7c: {  	_ =	shalt  }
0x7d: {  	_ =	shalt  }
0x7e: {  	_ =	shalt  }
0x7f: {  	_ =	shalt  }
0x80: {  	_ =	shalt  }
0x81: {  	_ =	shalt  }
0x82: {  	_ =	shalt  }
0x83: {  	_ =	shalt  }
0x84: {  	_ =	shalt  }
0x85: {  	_ =	shalt  }
0x86: {  	_ =	shalt  }
0x87: {  	_ =	shalt  }
.Lfunc_end0:
.L_simem_size_0:
called_computation_lowered:
.L_overlay_start_0:
0x88: {  	s2 =	sld [smem:$0x3FD9]  }
0x89: {  	s3 =	sld [smem:$0x3FFE];
	_ =	sdelay $0x1  }
0x8a: {  	s1 =	srdreg.scid  }
0x8b: {  	s0 =	sand.u32 $0x1, s1  }
0x8c: {  	s17 =	sshll.u32 s0, $0xA;
	s2 =	sadd.s32 s3, s2  }
0x8d: {  	s2 =	sadd.s32 s2, s17  }
0x8e: {  	[smem:$0x3FC5] =	sst s2  }
0x8f: {  	_ = 	snop  }
0x90: {  	s2 =	sld [smem:$0x3FD0];
	(tm) =	ssettm $0x1  }
0x91: {  	s18 =	sld [smem:$0x3FFB];
	_ =	sdelay $0x3  }
0x92: {  	_ =	strace s18  }
0x93: {  	s3 =	sld [smem:$0x3FFC];
	_ =	sdelay $0x3  }
0x94: {  	_ =	strace s3  }
0x95: {  	s3 =	sld [smem:$0x3FFD];
	_ =	sdelay $0x3  }
0x96: {  	_ =	strace s3  }
0x97: {  	_ =	strace $0x8FFFFFFF  }
0x98: {  	s19 =	sld [smem:$0x3FDB];
	_ =	sdelay $0x1  }
0x99: {  	s4 =	simm.s32 $_scs_section_size  }
0x9a: {  	s5 =	simm.s32 $_size__tile_overlayer_lowered;
	s6 =	simm.s32 $_tile_overlayer_lowered  }
0x9b: {  	s22 =	simm.s32 $0x1BFF;
	s21 =	sshll.u32 s6, $0x1;
	s3 =	sadd.s32 s4, s19  }
0x9c: {  	s7 =	simm.s32 $0x0;
	s20 =	sshll.u32 s5, $0x1;
	s5 =	sadd.s32 s21, s3  }
0x9d: {  	[timem:s7], [sflag:s22] =	dma.local [hbm:s5], s20  }
0x9e: {  	_ =	swait.ge [sflag:s22], s20  }
0x9f: {  	s4 =	ssub.s32 $0x0, s20;
	[sflag:s22] =	ssyncset.done $0x0  }
0xa0: {  	[sflag:s22] =	ssyncadd.s32 s4;
	_ =	sdelay $0x1  }
0xa1: {  	s23 =	simm.s32 $0x1B8B  }
0xa2: {  	_ =	swait.ge [sflag:s23], $0x1  }
0xa3: {  	[sflag:s23] =	ssyncset.done $0x0  }
0xa4: {  	s25 =	simm.s32 $0x1B8E;
	s24 =	sld [smem:$0x3FFE];
	[sflag:s23] =	ssyncadd.s32 $0xFFFFFFFF  }
0xa5: {  	s26 =	simm.s32 $execute0_lowered;
	[smem:$0x3FD2] =	sst s25  }
0xa6: {  	s5 =	sshll.u32 s26, $0x1;
	_ =	strace $0x80000046;
	[dreg:$0x1] =	wrdreg $0xFFFFFFFF  }
0xa7: {  	s28 =	simm.s32 $_size_execute0_lowered;
	s3 =	sadd.s32 s3, s5;
	[dreg:$0x0] =	wrdreg $0x0  }
0xa8: {  	s5 =	sshll.u32 s28, $0x1;
	[dreg:$0x2] =	wrdreg s3  }
0xa9: {  	[dreg:$0x3] =	wrdreg s5  }
0xaa: {  	[dreg:$0x4] =	wrdreg $0xC0  }
0xab: {  	_ =	task [dreg:s7], $0x5FFFF  }
0xac: {  	[dreg:$0x1] =	wrdreg $0xFFFFFFFF  }
0xad: {  	[dreg:$0x0] =	wrdreg $0x60  }
0xae: {  	[dreg:$0x2] =	wrdreg s24  }
0xaf: {  	[dreg:$0x3] =	wrdreg s2  }
0xb0: {  	[dreg:$0x4] =	wrdreg $0x9  }
0xb1: {  	_ =	task.clear_ibuf [dreg:s7], $0x5FFFF;
	_ =	strace $0x90000046  }
0xb2: {  	s29 =	simm.s32 $0x9;
	_ =	strace $0x80000048  }
0xb3: {  	_ =	swait.ge [sflag:s29], $0x1  }
0xb4: {  	[sflag:s29] =	ssyncadd.s32 $0xFFFFFFFF  }
0xb5: {  	_ =	strace $0x90000048  }
0xb6: {  	_ =	sfence  }
0xb7: {  	s30 =	sld [smem:$0x0];
	_ =	sdelay $0x2  }
0xb8: {  	s31 =	sshll.u32 s1, $0xD;
	s1 =	sshrl.u32 s1, $0x2  }
0xb9: {  	s3 =	sand.u32 $0x4000, s31;
	s1 =	sadd.s32 s1, s30  }
0xba: {  	s0 =	sor.u32 s3, s0;
	s1 =	sshll.u32 s1, $0x11  }
0xbb: {  	s0 =	sor.u32 s1, s0  }
0xbc: {  	s0 =	sadd.s32 $0x8F2B, s0  }
0xbd: {  	[sflag:s0] =	ssyncadd.remote.s32 $0x1  }
0xbe: {  	_ =	sfence.sel $0xFFFF  }
0xbf: {  	[dreg:$0x0] =	wrdreg $0xFFFFFFFF;
	(pc) =	sbr.abs _section_cstart, $3  }
0xc0: {  	[dreg:$0x1] =	wrdreg $0xFFFFFFFF  }
0xc1: {  	_ =	task.clear_ibuf [dreg:s7], $0x2FFFF;
	_ =	strace $0x9FFFFFFF  }
0xc2: {  	(tm) =	ssettm $0x7FFFFFFF  }
0xc3: {  	_ =	shalt  }
tec
execute0_lowered:
.L_overlay_start_1:
0x0: {  	(tag) =	ssettag $0x1  }
0x1: {  	s0 =	rddreg [dreg:$0x0]  }
0x2: {  	s1 =	rddreg [dreg:$0x1]  }
0x3: {  	s2 =	srdreg.scid;
	s3 =	stileid.u32;
	s9 =	simm.s32 $0x3  }
0x4: {  	s11 =	simm.s32 $0x80;
	s14 =	simm.s32 $0x48;
	s20 =	simm.s32 $0xD940  }
0x5: {  	s21 =	simm.s32 $0x85A0;
	s22 =	simm.s32 $0xEB40;
	s23 =	simm.s32 $0x8620  }
0x6: {  	s24 =	simm.s32 $0x10B40;
	s25 =	simm.s32 $0x8670;
	s28 =	simm.s32 $0x86F0  }
0x7: {  	s29 =	simm.s32 $0x13D40;
	s30 =	simm.s32 $0x1;
	s31 =	simm.s32 $0x2  }
0x8: {  	s4 =	sand.u32 $0x1, s2;
	s2 =	simm.s32 $0x0;
	s3 =	sshll.u32 s3, $0x8  }
0x9: {  	v0 =	vimm.s32 $0x0;
	v1 =	vimm.s32 $0xF;
	s5 =	sshll.u32 s4, $0x7;
	[smem:$0x7FF] =	sst s2;
	s7 =	ssub.s32 $0x2, s4  }
.Ltmp0:
0xa: {  	vm6 =	vcmask $0x1B20;
	vm7 =	vmmov $0x1;
	vm8 =	vmmov $0x3;
	s4 =	sadd.s32 $0x8600, s0;
	s3 =	sor.u32 s5, s3;
	(pc) =	sbr.rel .LBB2_1-.Ltmp0, $4  }
0xb: {  	vm9 =	vmmov $0x7;
	vm10 =	vmmov $0xf;
	vm11 =	vmmov $0x1f;
	_ =	strace $0x80000047;
	s26 =	sshrl.u32 s7, $0x1;
	s5 =	sshll.u32 s3, $0x3  }
0xc: {  	vm12 =	vmmov $0x3f;
	vm13 =	vmmov $0x7f;
	vm14 =	vmmov $0xff;
	s8 =	smul.u32 $0x19, s3;
	s6 =	sadd.s32 s5, s0;
	s5 =	sadd.s32 $0x7A9A00, s0  }
0xd: {  	vm15 =	vmmov $0x1ff;
	vm1 =	vmmov $0x7ff;
	vm2 =	vmmov $0xfff;
	s0 =	ssub.s32 s7, s26;
	s26 =	simm.s32 $0x11D40;
	s6 =	sadd.s32 $0x600, s6  }
0xe: {  	vm3 =	vmmov $0x1fff;
	vm4 =	vmmov $0x3fff;
	vm5 =	vmmov $0x7fff;
	s7 =	sadd.s32 s1, s8;
	s8 =	smax.u32 s0, $0x1;
	s0 =	simm.s32 $0x0  }
.LBB2_7:
0xf: {  	_ =	swait.ge [sflag:s31], $0xC8  }
0x10: {  	[sflag:s31] =	ssyncset.done $0x0  }
0x11: {  	[sflag:s31] =	ssyncadd.s32 $0xFFFFFF38  }
0x12: {  	_ =	swait.ge [sflag:s31], $0xC8  }
0x13: {  	[sflag:s31] =	ssyncset.done $0x0  }
0x14: {  	s0 =	sadd.s32 $0x1, s0;
	[sflag:s31] =	ssyncadd.s32 $0xFFFFFF38  }
0x15: {  	p0 =	sne.s32 s0, s8;
	_ =	swait.ge [sflag:s31], $0xC8  }
.Ltmp1:
0x16: {  	[sflag:s31] =	ssyncset.done $0x0;
	(pc) =	sbr.rel @!p0 .LBB2_8-.Ltmp1, $4  }
0x17: {  	[sflag:s31] =	ssyncadd.s32 $0xFFFFFF38  }
0x18: {  	_ =	swait.ge [sflag:s31], $0xC8  }
0x19: {  	[sflag:s31] =	ssyncset.done $0x0  }
0x1a: {  	[sflag:s31] =	ssyncadd.s32 $0xFFFFFF38  }
.LBB2_1:
0x1b: {  	[tilespmem:s2], [sflag:$0x3] =	stream.linear.gather [hbm4b:s6+s2], $0x2000, $0x38;
	[tilespmem:$0x15280] =	vst v63  }
0x1c: {  	_ =	swait.ge [sflag:s9], $0x2000  }
0x1d: {  	[sflag:s9] =	ssyncset.done $0x0  }
0x1e: {  	s1 =	simm.s32 $0x2000;
	[sflag:s9] =	ssyncadd.s32 $0xFFFFE000  }
0x1f: {  	[tilespmem:s1], [sflag:$0x3] =	stream.linear.gather [hbm4b:s7+s2], $0x6400, $0x38;
	[tilespmem:$0x15280] =	vst v63  }
0x20: {  	_ =	swait.ge [sflag:s9], $0x6400  }
0x21: {  	[sflag:s9] =	ssyncset.done $0x0  }
0x22: {  	[sflag:s9] =	ssyncadd.s32 $0xFFFF9C00  }
0x23: {  	v2 =	vld [tilespmem:$0x2000]  }
0x24: {  	v3 =	vld [tilespmem:$0x2010]  }
0x25: {  	v4 =	vld [tilespmem:$0x2020]  }
0x26: {  	v6 =	vld [tilespmem:$0x2030]  }
0x27: {  	v8 =	vld [tilespmem:$0x2040]  }
0x28: {  	v9 =	vld [tilespmem:$0x2050]  }
0x29: {  	v10 =	vld [tilespmem:$0x2060]  }
0x2a: {  	v12 =	vld [tilespmem:$0x2070]  }
0x2b: {  	v18 =	vld [tilespmem:$0x2080]  }
0x2c: {  	v13 =	vld [tilespmem:$0x2090]  }
0x2d: {  	v14 =	vld [tilespmem:$0x20A0]  }
0x2e: {  	v26 =	vld [tilespmem:$0x20B0]  }
0x2f: {  	v28 =	vld [tilespmem:$0x20B8]  }
0x30: {  	v5 =	vand.u32 $0x7F, v2  }
0x31: {  	v7 =	vand.u32 $0x7F, v3;
	v60 =	vand.u32 $0x7F, v4;
	v61 =	vand.u32 $0x7F, v6  }
0x32: {  	v11 =	vand.u32 $0x7F, v8;
	v17 =	vand.u32 $0x7F, v9;
	v19 =	vand.u32 $0x7F, v10  }
0x33: {  	v22 =	vand.u32 $0x7F, v12;
	v25 =	vand.u32 $0x7F, v18;
	v27 =	vand.u32 $0x7F, v13  }
0x34: {  	v32 =	vand.u32 $0x7F, v14;
	v35 =	vand.u32 $0x7F, v26;
	v36 =	vand.u32 $0x7F, v28  }
0x35: {  	vm0 =	vgt.u32 v5, $0x3F;
	v2 =	vadd.s32 v2, v5;
	v3 =	vadd.s32 v3, v7  }
0x36: {  	v4 =	vadd.s32 v4, v60;
	v5 =	vadd.s32 v6, v61;
	v15 =	vadd.s32 v8, v11  }
0x37: {  	v8 =	vadd.s32 v9, v17;
	v23 =	vadd.s32 v12, v22;
	v29 =	vadd.s32 v18, v25  }
0x38: {  	v33 =	vadd.s32 v14, v32;
	v58 =	vsel vm0, $0xFFFFFF81, v0;
	vm0 =	vgt.u32 v7, $0x3F  }
0x39: {  	v2 =	vadd.s32 v58, v2;
	v59 =	vsel vm0, $0xFFFFFF81, v0;
	vm0 =	vgt.u32 v60, $0x3F  }
0x3a: {  	v3 =	vadd.s32 v59, v3;
	v62 =	vsel vm0, $0xFFFFFF81, v0;
	vm0 =	vgt.u32 v61, $0x3F  }
0x3b: {  	[tilespmem:$0x8400] =	vst v2;
	v2 =	vadd.s32 v10, v19;
	v63 =	vsel vm0, $0xFFFFFF81, v0;
	vm0 =	vgt.u32 v11, $0x3F  }
0x3c: {  	v4 =	vadd.s32 v62, v4;
	[tilespmem:$0x8410] =	vst v3;
	v16 =	vsel vm0, $0xFFFFFF81, v0;
	vm0 =	vgt.u32 v17, $0x3F  }
0x3d: {  	v5 =	vadd.s32 v63, v5;
	[tilespmem:$0x8420] =	vst v4;
	v20 =	vsel vm0, $0xFFFFFF81, v0;
	vm0 =	vgt.u32 v19, $0x3F  }
0x3e: {  	v6 =	vadd.s32 v16, v15;
	[tilespmem:$0x8430] =	vst v5;
	v21 =	vsel vm0, $0xFFFFFF81, v0;
	vm0 =	vgt.u32 v22, $0x3F  }
0x3f: {  	v3 =	vadd.s32 v20, v8;
	[tilespmem:$0x8440] =	vst v6;
	v24 =	vsel vm0, $0xFFFFFF81, v0;
	vm0 =	vgt.u32 v25, $0x3F  }
0x40: {  	v2 =	vadd.s32 v21, v2;
	[tilespmem:$0x8450] =	vst v3;
	v30 =	vsel vm0, $0xFFFFFF81, v0;
	vm0 =	vgt.u32 v27, $0x3F  }
0x41: {  	v4 =	vadd.s32 v24, v23;
	[tilespmem:$0x8460] =	vst v2;
	v31 =	vsel vm0, $0xFFFFFF81, v0;
	vm0 =	vgt.u32 v32, $0x3F  }
0x42: {  	v3 =	vadd.s32 v13, v27;
	v2 =	vadd.s32 v30, v29;
	[tilespmem:$0x8470] =	vst v4;
	v34 =	vsel vm0, $0xFFFFFF81, v0  }
0x43: {  	v3 =	vadd.s32 v31, v3;
	[tilespmem:$0x8480] =	vst v2;
	vm0 =	vgt.u32 v35, $0x3F;
	v2 =	vadd.s32 v34, v33  }
0x44: {  	[tilespmem:$0x8490] =	vst v3;
	v3 =	vadd.s32 v26, v35;
	v37 =	vsel vm0, $0xFFFFFF81, v0;
	vm0 =	vgt.u32 v36, $0x3F  }
0x45: {  	[tilespmem:$0x84A0] =	vst v2;
	v2 =	vadd.s32 v37, v3;
	v3 =	vadd.s32 v28, v36;
	v38 =	vsel vm0, $0xFFFFFF81, v0  }
0x46: {  	[tilespmem:$0x84B0] =	vst v2;
	v2 =	vadd.s32 v38, v3  }
0x47: {  	s13 =	simm.s32 $0x8400;
	s10 =	simm.s32 $0x8740;
	[tilespmem:$0x84B8] =	vst v2  }
0x48: {  	[tilespmem:s10], [sflag:$0x1] =	stream.indirect.gather [hbm4b:s4+s11], $0x40, s13, s11, $0xb8;
	[tilespmem:$0x15280] =	vst v63  }
0x49: {  	s15 =	simm.s32 $0x8480;
	s16 =	simm.s32 $0xA740  }
0x4a: {  	[tilespmem:s16], [sflag:$0x1] =	stream.indirect.gather [hbm4b:s4+s14], $0x40, s15, s14, $0xb8;
	[tilespmem:$0x15280] =	vst v63  }
0x4b: {  	v2 =	vld [tilespmem:$0x20C8]  }
0x4c: {  	v3 =	vld [tilespmem:$0x20D8]  }
0x4d: {  	v39 =	vld [tilespmem:$0x20E8]  }
0x4e: {  	v41 =	vld [tilespmem:$0x20F8]  }
0x4f: {  	v44 =	vld [tilespmem:$0x2108]  }
0x50: {  	v47 =	vld [tilespmem:$0x2118]  }
0x51: {  	v49 =	vld [tilespmem:$0x2128]  }
0x52: {  	v53 =	vld [tilespmem:$0x2138]  }
0x53: {  	v57 =	vld [tilespmem:$0x2148]  }
0x54: {  	v59 =	vld [tilespmem:$0x2158]  }
0x55: {  	v63 =	vld [tilespmem:$0x2168]  }
0x56: {  	v19 =	vld [tilespmem:$0x2178]  }
0x57: {  	v21 =	vld [tilespmem:$0x2180]  }
0x58: {  	v40 =	vand.u32 $0x7F, v2  }
0x59: {  	v43 =	vand.u32 $0x7F, v3;
	v46 =	vand.u32 $0x7F, v39;
	v48 =	vand.u32 $0x7F, v41  }
0x5a: {  	v52 =	vand.u32 $0x7F, v44;
	v56 =	vand.u32 $0x7F, v47;
	v58 =	vand.u32 $0x7F, v49  }
0x5b: {  	v62 =	vand.u32 $0x7F, v53;
	v18 =	vand.u32 $0x7F, v57;
	v20 =	vand.u32 $0x7F, v59  }
0x5c: {  	v25 =	vand.u32 $0x7F, v63;
	v28 =	vand.u32 $0x7F, v19;
	v29 =	vand.u32 $0x7F, v21  }
0x5d: {  	vm0 =	vgt.u32 v40, $0x3F;
	v2 =	vadd.s32 v2, v40;
	v3 =	vadd.s32 v3, v43  }
0x5e: {  	v4 =	vadd.s32 v39, v46;
	v5 =	vadd.s32 v41, v48;
	v54 =	vadd.s32 v44, v52  }
0x5f: {  	v8 =	vadd.s32 v47, v56;
	v16 =	vadd.s32 v53, v62;
	v22 =	vadd.s32 v57, v18  }
0x60: {  	v26 =	vadd.s32 v63, v25;
	v42 =	vsel vm0, $0xFFFFFF81, v0;
	vm0 =	vgt.u32 v43, $0x3F  }
0x61: {  	v2 =	vadd.s32 v42, v2;
	v45 =	vsel vm0, $0xFFFFFF81, v0;
	vm0 =	vgt.u32 v46, $0x3F  }
0x62: {  	v3 =	vadd.s32 v45, v3;
	v50 =	vsel vm0, $0xFFFFFF81, v0;
	vm0 =	vgt.u32 v48, $0x3F  }
0x63: {  	[tilespmem:$0x84D0] =	vst v2;
	v2 =	vadd.s32 v49, v58;
	v51 =	vsel vm0, $0xFFFFFF81, v0;
	vm0 =	vgt.u32 v52, $0x3F  }
0x64: {  	v4 =	vadd.s32 v50, v4;
	[tilespmem:$0x84E0] =	vst v3;
	v55 =	vsel vm0, $0xFFFFFF81, v0;
	vm0 =	vgt.u32 v56, $0x3F  }
0x65: {  	v5 =	vadd.s32 v51, v5;
	[tilespmem:$0x84F0] =	vst v4;
	v60 =	vsel vm0, $0xFFFFFF81, v0;
	vm0 =	vgt.u32 v58, $0x3F  }
0x66: {  	v6 =	vadd.s32 v55, v54;
	[tilespmem:$0x8500] =	vst v5;
	v61 =	vsel vm0, $0xFFFFFF81, v0;
	vm0 =	vgt.u32 v62, $0x3F  }
0x67: {  	v3 =	vadd.s32 v60, v8;
	[tilespmem:$0x8510] =	vst v6;
	v17 =	vsel vm0, $0xFFFFFF81, v0;
	vm0 =	vgt.u32 v18, $0x3F  }
0x68: {  	v2 =	vadd.s32 v61, v2;
	[tilespmem:$0x8520] =	vst v3;
	v23 =	vsel vm0, $0xFFFFFF81, v0;
	vm0 =	vgt.u32 v20, $0x3F  }
0x69: {  	v4 =	vadd.s32 v17, v16;
	[tilespmem:$0x8530] =	vst v2;
	v24 =	vsel vm0, $0xFFFFFF81, v0;
	vm0 =	vgt.u32 v25, $0x3F  }
0x6a: {  	v3 =	vadd.s32 v59, v20;
	v2 =	vadd.s32 v23, v22;
	[tilespmem:$0x8540] =	vst v4;
	v27 =	vsel vm0, $0xFFFFFF81, v0  }
0x6b: {  	v3 =	vadd.s32 v24, v3;
	[tilespmem:$0x8550] =	vst v2;
	vm0 =	vgt.u32 v28, $0x3F;
	v2 =	vadd.s32 v27, v26  }
0x6c: {  	[tilespmem:$0x8560] =	vst v3;
	v3 =	vadd.s32 v19, v28;
	v30 =	vsel vm0, $0xFFFFFF81, v0;
	vm0 =	vgt.u32 v29, $0x3F  }
0x6d: {  	[tilespmem:$0x8570] =	vst v2;
	v2 =	vadd.s32 v30, v3;
	v3 =	vadd.s32 v21, v29;
	v31 =	vsel vm0, $0xFFFFFF81, v0  }
0x6e: {  	[tilespmem:$0x8580] =	vst v2;
	v2 =	vadd.s32 v31, v3  }
0x6f: {  	s17 =	simm.s32 $0x84D0;
	s18 =	simm.s32 $0xB940;
	[tilespmem:$0x8588] =	vst v2  }
0x70: {  	[tilespmem:s18], [sflag:$0x1] =	stream.indirect.gather [hbm4b:s4+s11], $0x40, s17, s11, $0xb8;
	[tilespmem:$0x15280] =	vst v63  }
0x71: {  	s19 =	simm.s32 $0x8550  }
0x72: {  	[tilespmem:s20], [sflag:$0x1] =	stream.indirect.gather [hbm4b:s4+s14], $0x40, s19, s14, $0xb8;
	[tilespmem:$0x15280] =	vst v63  }
0x73: {  	v2 =	vld [tilespmem:$0x2190]  }
0x74: {  	v3 =	vld [tilespmem:$0x21A0]  }
0x75: {  	v32 =	vld [tilespmem:$0x21B0]  }
0x76: {  	v34 =	vld [tilespmem:$0x21C0]  }
0x77: {  	v37 =	vld [tilespmem:$0x21D0]  }
0x78: {  	v40 =	vld [tilespmem:$0x21E0]  }
0x79: {  	v42 =	vld [tilespmem:$0x21F0]  }
0x7a: {  	v46 =	vld [tilespmem:$0x2200]  }
0x7b: {  	v50 =	vld [tilespmem:$0x2210]  }
0x7c: {  	v52 =	vld [tilespmem:$0x2220]  }
0x7d: {  	v56 =	vld [tilespmem:$0x2230]  }
0x7e: {  	v60 =	vld [tilespmem:$0x2240]  }
0x7f: {  	v62 =	vld [tilespmem:$0x2248]  }
0x80: {  	v33 =	vand.u32 $0x7F, v2  }
0x81: {  	v36 =	vand.u32 $0x7F, v3;
	v39 =	vand.u32 $0x7F, v32;
	v41 =	vand.u32 $0x7F, v34  }
0x82: {  	v45 =	vand.u32 $0x7F, v37;
	v49 =	vand.u32 $0x7F, v40;
	v51 =	vand.u32 $0x7F, v42  }
0x83: {  	v55 =	vand.u32 $0x7F, v46;
	v59 =	vand.u32 $0x7F, v50;
	v61 =	vand.u32 $0x7F, v52  }
0x84: {  	v16 =	vand.u32 $0x7F, v56;
	v19 =	vand.u32 $0x7F, v60;
	v20 =	vand.u32 $0x7F, v62  }
0x85: {  	vm0 =	vgt.u32 v33, $0x3F;
	v2 =	vadd.s32 v2, v33;
	v3 =	vadd.s32 v3, v36  }
0x86: {  	v4 =	vadd.s32 v32, v39;
	v5 =	vadd.s32 v34, v41;
	v47 =	vadd.s32 v37, v45  }
0x87: {  	v8 =	vadd.s32 v40, v49;
	v57 =	vadd.s32 v46, v55;
	v63 =	vadd.s32 v50, v59  }
0x88: {  	v17 =	vadd.s32 v56, v16;
	v35 =	vsel vm0, $0xFFFFFF81, v0;
	vm0 =	vgt.u32 v36, $0x3F  }
0x89: {  	v2 =	vadd.s32 v35, v2;
	v38 =	vsel vm0, $0xFFFFFF81, v0;
	vm0 =	vgt.u32 v39, $0x3F  }
0x8a: {  	v3 =	vadd.s32 v38, v3;
	v43 =	vsel vm0, $0xFFFFFF81, v0;
	vm0 =	vgt.u32 v41, $0x3F  }
0x8b: {  	[tilespmem:$0x85A0] =	vst v2;
	v2 =	vadd.s32 v42, v51;
	v44 =	vsel vm0, $0xFFFFFF81, v0;
	vm0 =	vgt.u32 v45, $0x3F  }
0x8c: {  	v4 =	vadd.s32 v43, v4;
	[tilespmem:$0x85B0] =	vst v3;
	v48 =	vsel vm0, $0xFFFFFF81, v0;
	vm0 =	vgt.u32 v49, $0x3F  }
0x8d: {  	v5 =	vadd.s32 v44, v5;
	[tilespmem:$0x85C0] =	vst v4;
	v53 =	vsel vm0, $0xFFFFFF81, v0;
	vm0 =	vgt.u32 v51, $0x3F  }
0x8e: {  	v6 =	vadd.s32 v48, v47;
	[tilespmem:$0x85D0] =	vst v5;
	v54 =	vsel vm0, $0xFFFFFF81, v0;
	vm0 =	vgt.u32 v55, $0x3F  }
0x8f: {  	v3 =	vadd.s32 v53, v8;
	[tilespmem:$0x85E0] =	vst v6;
	v58 =	vsel vm0, $0xFFFFFF81, v0;
	vm0 =	vgt.u32 v59, $0x3F  }
0x90: {  	v2 =	vadd.s32 v54, v2;
	[tilespmem:$0x85F0] =	vst v3;
	v12 =	vsel vm0, $0xFFFFFF81, v0;
	vm0 =	vgt.u32 v61, $0x3F  }
0x91: {  	v4 =	vadd.s32 v58, v57;
	[tilespmem:$0x8600] =	vst v2;
	v15 =	vsel vm0, $0xFFFFFF81, v0;
	vm0 =	vgt.u32 v16, $0x3F  }
0x92: {  	v3 =	vadd.s32 v52, v61;
	v2 =	vadd.s32 v12, v63;
	[tilespmem:$0x8610] =	vst v4;
	v18 =	vsel vm0, $0xFFFFFF81, v0  }
0x93: {  	v3 =	vadd.s32 v15, v3;
	[tilespmem:$0x8620] =	vst v2;
	vm0 =	vgt.u32 v19, $0x3F;
	v2 =	vadd.s32 v18, v17  }
0x94: {  	[tilespmem:$0x8630] =	vst v3;
	v3 =	vadd.s32 v60, v19;
	v21 =	vsel vm0, $0xFFFFFF81, v0;
	vm0 =	vgt.u32 v20, $0x3F  }
0x95: {  	[tilespmem:$0x8640] =	vst v2;
	v2 =	vadd.s32 v21, v3;
	v3 =	vadd.s32 v62, v20;
	v22 =	vsel vm0, $0xFFFFFF81, v0  }
0x96: {  	[tilespmem:$0x8650] =	vst v2;
	v2 =	vadd.s32 v22, v3  }
0x97: {  	[tilespmem:$0x8658] =	vst v2  }
0x98: {  	[tilespmem:s22], [sflag:$0x1] =	stream.indirect.gather [hbm4b:s4+s11], $0x40, s21, s11, $0xb8;
	[tilespmem:$0x15280] =	vst v63  }
0x99: {  	_ = 	snop  }
0x9a: {  	[tilespmem:s24], [sflag:$0x1] =	stream.indirect.gather [hbm4b:s4+s14], $0x40, s23, s14, $0xb8;
	[tilespmem:$0x15280] =	vst v63  }
0x9b: {  	v2 =	vld [tilespmem:$0x2258]  }
0x9c: {  	v3 =	vld [tilespmem:$0x2268]  }
0x9d: {  	v23 =	vld [tilespmem:$0x2278]  }
0x9e: {  	v25 =	vld [tilespmem:$0x2288]  }
0x9f: {  	v28 =	vld [tilespmem:$0x2298]  }
0xa0: {  	v31 =	vld [tilespmem:$0x22A8]  }
0xa1: {  	v33 =	vld [tilespmem:$0x22B8]  }
0xa2: {  	v37 =	vld [tilespmem:$0x22C8]  }
0xa3: {  	v41 =	vld [tilespmem:$0x22D8]  }
0xa4: {  	v43 =	vld [tilespmem:$0x22E8]  }
0xa5: {  	v47 =	vld [tilespmem:$0x22F8]  }
0xa6: {  	v51 =	vld [tilespmem:$0x2308]  }
0xa7: {  	v53 =	vld [tilespmem:$0x2310]  }
0xa8: {  	v24 =	vand.u32 $0x7F, v2  }
0xa9: {  	v27 =	vand.u32 $0x7F, v3;
	v30 =	vand.u32 $0x7F, v23;
	v32 =	vand.u32 $0x7F, v25  }
0xaa: {  	v36 =	vand.u32 $0x7F, v28;
	v40 =	vand.u32 $0x7F, v31;
	v42 =	vand.u32 $0x7F, v33  }
0xab: {  	v46 =	vand.u32 $0x7F, v37;
	v50 =	vand.u32 $0x7F, v41;
	v52 =	vand.u32 $0x7F, v43  }
0xac: {  	v57 =	vand.u32 $0x7F, v47;
	v60 =	vand.u32 $0x7F, v51;
	v61 =	vand.u32 $0x7F, v53  }
0xad: {  	vm0 =	vgt.u32 v24, $0x3F;
	v2 =	vadd.s32 v2, v24;
	v3 =	vadd.s32 v3, v27  }
0xae: {  	v4 =	vadd.s32 v23, v30;
	v5 =	vadd.s32 v25, v32;
	v38 =	vadd.s32 v28, v36  }
0xaf: {  	v8 =	vadd.s32 v31, v40;
	v48 =	vadd.s32 v37, v46;
	v54 =	vadd.s32 v41, v50  }
0xb0: {  	v58 =	vadd.s32 v47, v57;
	v26 =	vsel vm0, $0xFFFFFF81, v0;
	vm0 =	vgt.u32 v27, $0x3F  }
0xb1: {  	v2 =	vadd.s32 v26, v2;
	v29 =	vsel vm0, $0xFFFFFF81, v0;
	vm0 =	vgt.u32 v30, $0x3F  }
0xb2: {  	v3 =	vadd.s32 v29, v3;
	v34 =	vsel vm0, $0xFFFFFF81, v0;
	vm0 =	vgt.u32 v32, $0x3F  }
0xb3: {  	[tilespmem:$0x8670] =	vst v2;
	v2 =	vadd.s32 v33, v42;
	v35 =	vsel vm0, $0xFFFFFF81, v0;
	vm0 =	vgt.u32 v36, $0x3F  }
0xb4: {  	v4 =	vadd.s32 v34, v4;
	[tilespmem:$0x8680] =	vst v3;
	v39 =	vsel vm0, $0xFFFFFF81, v0;
	vm0 =	vgt.u32 v40, $0x3F  }
0xb5: {  	v5 =	vadd.s32 v35, v5;
	[tilespmem:$0x8690] =	vst v4;
	v44 =	vsel vm0, $0xFFFFFF81, v0;
	vm0 =	vgt.u32 v42, $0x3F  }
0xb6: {  	v6 =	vadd.s32 v39, v38;
	[tilespmem:$0x86A0] =	vst v5;
	v45 =	vsel vm0, $0xFFFFFF81, v0;
	vm0 =	vgt.u32 v46, $0x3F  }
0xb7: {  	v3 =	vadd.s32 v44, v8;
	[tilespmem:$0x86B0] =	vst v6;
	v49 =	vsel vm0, $0xFFFFFF81, v0;
	vm0 =	vgt.u32 v50, $0x3F  }
0xb8: {  	v2 =	vadd.s32 v45, v2;
	[tilespmem:$0x86C0] =	vst v3;
	v55 =	vsel vm0, $0xFFFFFF81, v0;
	vm0 =	vgt.u32 v52, $0x3F  }
0xb9: {  	v4 =	vadd.s32 v49, v48;
	[tilespmem:$0x86D0] =	vst v2;
	v56 =	vsel vm0, $0xFFFFFF81, v0;
	vm0 =	vgt.u32 v57, $0x3F  }
0xba: {  	v3 =	vadd.s32 v43, v52;
	v2 =	vadd.s32 v55, v54;
	[tilespmem:$0x86E0] =	vst v4;
	v59 =	vsel vm0, $0xFFFFFF81, v0  }
0xbb: {  	v3 =	vadd.s32 v56, v3;
	[tilespmem:$0x86F0] =	vst v2;
	vm0 =	vgt.u32 v60, $0x3F;
	v2 =	vadd.s32 v59, v58  }
0xbc: {  	[tilespmem:$0x8700] =	vst v3;
	v3 =	vadd.s32 v51, v60;
	v62 =	vsel vm0, $0xFFFFFF81, v0;
	vm0 =	vgt.u32 v61, $0x3F  }
0xbd: {  	[tilespmem:$0x8710] =	vst v2;
	v2 =	vadd.s32 v62, v3;
	v3 =	vadd.s32 v53, v61;
	v63 =	vsel vm0, $0xFFFFFF81, v0  }
.Ltmp2:
0xbe: {  	[tilespmem:$0x8720] =	vst v2;
	v2 =	vadd.s32 v63, v3;
	(pc) =	sbr.rel .LBB2_2-.Ltmp2, $4  }
0xbf: {  	[tilespmem:$0x8728] =	vst v2  }
0xc0: {  	[tilespmem:s26], [sflag:$0x1] =	stream.indirect.gather [hbm4b:s4+s11], $0x40, s25, s11, $0xb8;
	[tilespmem:$0x15280] =	vst v63  }
0xc1: {  	s1 =	simm.s32 $0x0;
	s10 =	simm.s32 $0x0  }
0xc2: {  	[tilespmem:s29], [sflag:$0x1] =	stream.indirect.gather [hbm4b:s4+s14], $0x40, s28, s14, $0xb8;
	[tilespmem:$0x15280] =	vst v63  }
.LBB2_6:
0xc3: {  	s12 =	sadd.s32 s3, s10;
	s10 =	sadd.s32 $0x1, s10  }
0xc4: {  	p0 =	sne.s32 s10, $0x80  }
.Ltmp3:
0xc5: {  	_ = 	snop;
	(pc) =	sbr.rel @!p0 .LBB2_7-.Ltmp3, $3  }
0xc6: {  	s12 =	smul.u32 $0x19, s12;
	_ =	sdelay $0x1  }
0xc7: {  	s13 =	sadd.s32 $0x14F40, s15;
	s1 =	sadd.s32 $0x1, s1;
	s12 =	sadd.s32 s5, s12  }
0xc8: {  	[hbm4b:s12+s2] =	stream.linear.scatter [tilespmem:s13], [sflag:$0x2], $0xC8, $0x38;
	[tilespmem:$0x15280] =	vst v63  }
.LBB2_2:
0xc9: {  	_ =	swait.ge [sflag:s30], $0x2000  }
0xca: {  	[sflag:s30] =	ssyncset.done $0x0  }
0xcb: {  	[sflag:s30] =	ssyncadd.s32 $0xFFFFE000  }
0xcc: {  	_ =	swait.ge [sflag:s30], $0x1200  }
0xcd: {  	p0 =	slt.u32 s10, $0x4;
	[sflag:s30] =	ssyncset.done $0x0  }
0xce: {  	s13 =	simm.s32 @!p0 $0x2;
	[sflag:s30] =	ssyncadd.s32 $0xFFFFEE00  }
0xcf: {  	_ =	swait.ge @!p0 [sflag:s13], $0xC8  }
0xd0: {  	s15 =	sshll.u32 s10, $0x6;
	[sflag:s13] =	ssyncset.done @!p0 $0x0  }
0xd1: {  	s12 =	sand.u32 $0x3, s1;
	s17 =	sand.u32 $0x3FFFFFC0, s15;
	[sflag:s13] =	ssyncadd.s32 @!p0 $0xFFFFFF38  }
0xd2: {  	s18 =	smul.u32 $0xC800, s12;
	v4 =	vld [tilespmem:s17+$0x0]  }
0xd3: {  	v5 =	vld [tilespmem:s17+$0x10]  }
0xd4: {  	s15 =	sshrl.u32 s18, $0x2;
	v3 =	vld [tilespmem:s17+$0x20]  }
0xd5: {  	s16 =	sadd.s32 $0x8940, s15;
	v2 =	vld [tilespmem:s17+$0x30]  }
0xd6: {  	v6 =	vld [tilespmem:s16+$0x1F0]  }
0xd7: {  	v9 =	vld [tilespmem:s16+$0x1B0]  }
0xd8: {  	v10 =	vld [tilespmem:s16+$0x1E0]  }
0xd9: {  	v11 =	vld [tilespmem:s16+$0x1A0]  }
0xda: {  	v12 =	vld [tilespmem:s16+$0x1C0]  }
0xdb: {  	v13 =	vld [tilespmem:s16+$0x1D0]  }
0xdc: {  	v14 =	vld [tilespmem:s16+$0x130]  }
0xdd: {  	v15 =	vld [tilespmem:s16+$0x180]  }
0xde: {  	v16 =	vld [tilespmem:s16+$0x190]  }
0xdf: {  	v17 =	vld [tilespmem:s16+$0xF0]  }
0xe0: {  	v18 =	vld [tilespmem:s16+$0x120]  }
0xe1: {  	v7 =	vld [tilespmem:s16+$0x140]  }
0xe2: {  	v19 =	vld [tilespmem:s16+$0xE0]  }
0xe3: {  	v20 =	vld [tilespmem:s16+$0x100]  }
0xe4: {  	v21 =	vld [tilespmem:s16+$0x110]  }
0xe5: {  	v22 =	vld [tilespmem:s16+$0x70]  }
0xe6: {  	v23 =	vld [tilespmem:s16+$0xC0]  }
0xe7: {  	v24 =	vld [tilespmem:s16+$0xD0]  }
0xe8: {  	v25 =	vld [tilespmem:s16+$0x30]  }
0xe9: {  	v26 =	vld [tilespmem:s16+$0x60]  }
0xea: {  	v8 =	vld [tilespmem:s16+$0x80]  }
0xeb: {  	v27 =	vld [tilespmem:s16+$0x20];
	v12 =	vmul.f32 v12, v4  }
0xec: {  	v28 =	vld [tilespmem:s16+$0x40];
	v13 =	vmul.f32 v13, v5;
	v15 =	vmul.f32 v15, v4  }
0xed: {  	v29 =	vld [tilespmem:s16+$0x50];
	v16 =	vmul.f32 v16, v5;
	v10 =	vmul.f32 v10, v3  }
0xee: {  	v30 =	vld [tilespmem:s16+$0xFFFFFFB0];
	v20 =	vmul.f32 v20, v4;
	v21 =	vmul.f32 v21, v5;
	v12 =	vadd.f32 v13, v12  }
0xef: {  	v31 =	vld [tilespmem:s16+$0x0];
	v11 =	vmul.f32 v11, v3;
	v6 =	vmul.f32 v6, v2;
	v15 =	vadd.f32 v16, v15  }
0xf0: {  	v32 =	vld [tilespmem:s16+$0x10];
	v18 =	vmul.f32 v18, v3;
	v20 =	vadd.f32 v21, v20;
	v10 =	vadd.f32 v10, v12  }
0xf1: {  	v33 =	vld [tilespmem:s16+$0xFFFFFEF0];
	v11 =	vadd.f32 v11, v15;
	v15 =	vmul.f32 v23, v4;
	v23 =	vmul.f32 v24, v5  }
0xf2: {  	v9 =	vmul.f32 v9, v2;
	v13 =	vld [tilespmem:s16+$0xFFFFFF70];
	v6 =	vadd.f32 v6, v10  }
0xf3: {  	v19 =	vmul.f32 v19, v3;
	v16 =	vld [tilespmem:s16+$0xFFFFFFA0];
	v15 =	vadd.f32 v23, v15;
	v10 =	vadd.f32 v18, v20  }
0xf4: {  	v21 =	vld [tilespmem:s16+$0xFFFFFF80];
	v9 =	vadd.f32 v9, v11;
	v18 =	vmul.f32 v29, v5;
	(xrf2) =	vadd.scan.msk.f32 $0xffff, v6;
	v6 =	vmul.f32 v28, v4  }
0xf5: {  	v14 =	vmul.f32 v14, v2;
	v11 =	vadd.f32 v19, v15;
	v15 =	vmul.f32 v17, v2;
	v17 =	vld [tilespmem:s16+$0xFFFFFF40]  }
0xf6: {  	v23 =	vld [tilespmem:s16+$0xFFFFFF90];
	(xrf2) =	vadd.scan.msk.f32 $0xffff, v9;
	v9 =	vmul.f32 v26, v3;
	v6 =	vadd.f32 v18, v6  }
0xf7: {  	v10 =	vadd.f32 v14, v10;
	v19 =	vld [tilespmem:s16+$0xFFFFFF50]  }
0xf8: {  	v12 =	vld [tilespmem:s16+$0xFFFFFFC0];
	v6 =	vadd.f32 v9, v6;
	v9 =	vmul.f32 v22, v2  }
0xf9: {  	v20 =	vld [tilespmem:s16+$0xFFFFFEE0];
	v11 =	vadd.f32 v15, v11;
	(xrf2) =	vadd.scan.msk.f32 $0xffff, v10;
	v10 =	vmul.f32 v31, v4;
	v15 =	vmul.f32 v32, v5  }
0xfa: {  	v24 =	vld [tilespmem:s16+$0xFFFFFF60];
	v18 =	vmul.f32 v21, v4;
	v6 =	vadd.f32 v9, v6;
	v9 =	vmul.f32 v17, v4  }
0xfb: {  	v21 =	vmul.f32 v23, v5;
	v23 =	vmul.f32 v27, v3;
	(xrf2) =	vadd.scan.msk.f32 $0xffff, v11;
	v11 =	vld [tilespmem:s16+$0xFFFFFEC0];
	v10 =	vadd.f32 v15, v10  }
0xfc: {  	v14 =	vld [tilespmem:s16+$0xFFFFFEB0];
	v17 =	vmul.f32 v19, v5  }
0xfd: {  	v16 =	vmul.f32 v16, v3;
	v22 =	vld [tilespmem:s16+$0xFFFFFED0];
	v10 =	vadd.f32 v23, v10;
	v19 =	vmul.f32 v25, v2  }
0xfe: {  	v63 =	vmul.f32 v20, v3;
	v20 =	vld [tilespmem:s16+$0xFFFFFE40];
	v18 =	vadd.f32 v21, v18;
	v26 =	vadd.f32 v17, v9;
	v9, _, _ =	vpop (xrf2);
	(xrf2) =	vadd.scan.msk.f32 $0xffff, v6  }
0xff: {  	v21 =	vld [tilespmem:s16+$0xFFFFFE80];
	v27 =	vadd.f32 v19, v10  }
0x100: {  	v25 =	vld [tilespmem:s16+$0xFFFFFE90];
	v23 =	vmul.f32 v30, v2;
	v18 =	vadd.f32 v16, v18;
	v11 =	vmul.f32 v11, v4  }
0x101: {  	v24 =	vmul.f32 v24, v3;
	v16 =	vld [tilespmem:s16+$0xFFFFFEA0];
	v10, _, _ =	vpop (xrf2);
	(xrf2) =	vadd.scan.msk.f32 $0xffff, v27  }
0x102: {  	s12 =	smul.u32 $0x340, s12;
	s15 =	sand.u32 $0x3, s10;
	v13 =	vmul.f32 v13, v2;
	v17 =	vld [tilespmem:s16+$0xFFFFFE00];
	v22 =	vmul.f32 v22, v5;
	v61 =	vadd.f32 v23, v18  }
0x103: {  	s19 =	smul.u32 $0xC800, s15;
	v19 =	vld [tilespmem:s16+$0xFFFFFE10];
	v26 =	vadd.f32 v24, v26  }
0x104: {  	s12 =	sshrl.u32 s12, $0x2;
	v15 =	vld [tilespmem:s16+$0xFFFFFF00];
	v62 =	vadd.f32 v22, v11;
	v11, _, _ =	vpop (xrf2);
	(xrf2) =	vadd.scan.msk.f32 $0xffff, v61  }
0x105: {  	s17 =	sadd.s32 $0x14F40, s12;
	s12 =	sshrl.u32 s19, $0x2;
	v18 =	vld [tilespmem:s16+$0xFFFFFE20];
	v23 =	vmul.f32 v21, v4;
	v24 =	vmul.f32 v25, v5;
	v21 =	vadd.f32 v13, v26  }
0x106: {  	s18 =	simm.s32 $0x40;
	s13 =	sadd.s32 $0x8740, s12;
	v6 =	vmov s17;
	s17 =	simm.s32 $0x0;
	v22 =	vld [tilespmem:s16+$0xFFFFFE50];
	v26 =	vmul.f32 v33, v2;
	v25 =	vadd.f32 v63, v62;
	v13, _, _ =	vpop (xrf2)  }
.LBB2_3:
0x107: {  	p0 =	sne.s32 s18, $0x2C0;
	v27 =	vld [tilespmem:s16+$0xFFFFFE30];
	v23 =	vadd.f32 v24, v23;
	v16 =	vmul.f32 v16, v3;
	(xrf2) =	vadd.scan.msk.f32 $0xffff, v21  }
0x108: {  	v17 =	vmul.f32 v17, v4;
	v19 =	vmul.f32 v19, v5;
	v21 =	vld [tilespmem:s16+$0xFFFFFE60];
	v26 =	vadd.f32 v26, v25;
	v25, _, _ =	vpop (xrf2)  }
0x109: {  	v14 =	vmul.f32 v14, v2;
	v16 =	vadd.f32 v16, v23;
	v23 =	vld [tilespmem:s16+$0xFFFFFF10]  }
0x10a: {  	v18 =	vmul.f32 v18, v3;
	v17 =	vadd.f32 v19, v17;
	v19 =	vld [tilespmem:s16+$0xFFFFFE70];
	(xrf2) =	vadd.scan.msk.f32 $0xffff, v26  }
0x10b: {  	v20 =	vmul.f32 v20, v4;
	v22 =	vmul.f32 v22, v5;
	v14 =	vadd.f32 v14, v16;
	v16 =	vld [tilespmem:s16+$0xFFFFFF20];
	v24, _, _ =	vpop (xrf2)  }
0x10c: {  	v17 =	vadd.f32 v18, v17;
	v18 =	vmul.f32 v27, v2;
	v26 =	vld [tilespmem:s16+$0xFFFFFFD0]  }
0x10d: {  	v20 =	vadd.f32 v22, v20;
	v21 =	vmul.f32 v21, v3;
	v22 =	vld [tilespmem:s16+$0xFFFFFF30];
	(xrf2) =	vadd.scan.msk.f32 $0xffff, v14  }
0x10e: {  	v15 =	vmul.f32 v15, v4;
	v14 =	vadd.f32 v18, v17;
	v17 =	vmul.f32 v23, v5;
	v18 =	vld [tilespmem:s16+$0xFFFFFFE0];
	v23, _, _ =	vpop (xrf2)  }
0x10f: {  	v20 =	vadd.f32 v21, v20;
	v19 =	vmul.f32 v19, v2;
	v21 =	vld [tilespmem:s16+$0x90]  }
0x110: {  	v15 =	vadd.f32 v17, v15;
	v16 =	vmul.f32 v16, v3;
	v17 =	vld [tilespmem:s16+$0xFFFFFFF0];
	(xrf2) =	vadd.scan.msk.f32 $0xffff, v14  }
0x111: {  	v12 =	vmul.f32 v12, v4;
	v14 =	vadd.f32 v19, v20;
	v19 =	vmul.f32 v26, v5;
	v20 =	vld [tilespmem:s16+$0xA0];
	v26, _, _ =	vpop (xrf2)  }
0x112: {  	v15 =	vadd.f32 v16, v15;
	v16 =	vmul.f32 v22, v2;
	v22 =	vld [tilespmem:s16+$0x150]  }
0x113: {  	v12 =	vadd.f32 v19, v12;
	v18 =	vmul.f32 v18, v3;
	v19 =	vld [tilespmem:s16+$0xB0];
	(xrf2) =	vadd.scan.msk.f32 $0xffff, v14  }
0x114: {  	v8 =	vmul.f32 v8, v4;
	v14 =	vadd.f32 v16, v15;
	v15 =	vmul.f32 v21, v5;
	v16 =	vld [tilespmem:s16+$0x160];
	v21, _, _ =	vpop (xrf2)  }
0x115: {  	v12 =	vadd.f32 v18, v12;
	v27 =	vmul.f32 v17, v2  }
0x116: {  	v8 =	vadd.f32 v15, v8;
	v15 =	vmul.f32 v20, v3;
	v18 =	vld [tilespmem:s16+$0x170];
	(xrf2) =	vadd.scan.msk.f32 $0xffff, v14  }
0x117: {  	v7 =	vmul.f32 v7, v4;
	v20 =	vadd.f32 v27, v12;
	v14 =	vmul.f32 v22, v5;
	v17, _, _ =	vpop (xrf2)  }
0x118: {  	v8 =	vadd.f32 v15, v8;
	v15 =	vmul.f32 v19, v2  }
0x119: {  	v7 =	vadd.f32 v14, v7;
	v14 =	vmul.f32 v16, v3;
	(xrf2) =	vadd.scan.msk.f32 $0xffff, v20  }
0x11a: {  	v15 =	vadd.f32 v15, v8;
	v12, _, _ =	vpop (xrf2)  }
0x11b: {  	v7 =	vadd.f32 v14, v7;
	v14 =	vmul.f32 v18, v2  }
0x11c: {  	(xrf2) =	vadd.scan.msk.f32 $0xffff, v15  }
0x11d: {  	v7 =	vadd.f32 v14, v7;
	v8, _, _ =	vpop (xrf2)  }
0x11e: {  	v15 =	vperm.xlane v12, v1;
	v8 =	vperm.xlane v8, v1  }
0x11f: {  	v14 =	vperm.xlane v17, v1;
	(xrf2) =	vadd.scan.msk.f32 $0xffff, v7  }
0x120: {  	v7 =	vsel vm7, v15, v8;
	v8 =	vperm.xlane v21, v1;
	v12, _, _ =	vpop (xrf2)  }
0x121: {  	v7 =	vsel vm8, v7, v14;
	v12 =	vperm.xlane v12, v1  }
0x122: {  	v7 =	vsel vm9, v7, v8;
	v8 =	vperm.xlane v26, v1  }
0x123: {  	v7 =	vsel vm10, v7, v12;
	v12 =	vperm.xlane v23, v1;
	v14, _, _ =	vpop (xrf2)  }
0x124: {  	v7 =	vsel vm11, v7, v8;
	v8 =	vperm.xlane v14, v1  }
0x125: {  	v7 =	vsel vm12, v7, v12;
	v12 =	vperm.xlane v24, v1  }
0x126: {  	v7 =	vsel vm13, v7, v8;
	v8 =	vperm.xlane v25, v1;
	v14, _, _ =	vpop (xrf2)  }
0x127: {  	v7 =	vsel vm14, v7, v12;
	v14 =	vperm.xlane v14, v1  }
0x128: {  	vm0 =	vmmov $0x3ff;
	v7 =	vsel vm15, v7, v8;
	v8 =	vperm.xlane v13, v1  }
0x129: {  	v11 =	vperm.xlane v11, v1;
	v7 =	vsel vm0, v7, v14;
	v12, _, _ =	vpop (xrf2)  }
0x12a: {  	v7 =	vsel vm1, v7, v8;
	v8 =	vperm.xlane v12, v1  }
0x12b: {  	v10 =	vperm.xlane v10, v1;
	v7 =	vsel vm2, v7, v11  }
0x12c: {  	v7 =	vsel vm3, v7, v8;
	v8 =	vperm.xlane v9, v1  }
0x12d: {  	v7 =	vsel vm4, v7, v10  }
0x12e: {  	s19 =	sshra.s32 s17, $0x2;
	s17 =	smov.u32 s18;
	v7 =	vsel vm5, v7, v8  }
0x12f: {  	s16 =	sadd.s32 $0x400, s16;
	[tilespmem:v6+s19+$0x0 ss:$0x1] =	vst.idx.msk $0xffff, v7  }
0x130: {  	v9 =	vld [tilespmem:s16+$0x1F0]  }
0x131: {  	v10 =	vld [tilespmem:s16+$0x1B0]  }
0x132: {  	v11 =	vld [tilespmem:s16+$0x1E0]  }
0x133: {  	v12 =	vld [tilespmem:s16+$0x1A0]  }
0x134: {  	v13 =	vld [tilespmem:s16+$0x1C0]  }
0x135: {  	v14 =	vld [tilespmem:s16+$0x1D0]  }
0x136: {  	v15 =	vld [tilespmem:s16+$0x130]  }
0x137: {  	v16 =	vld [tilespmem:s16+$0x180]  }
0x138: {  	v17 =	vld [tilespmem:s16+$0x190]  }
0x139: {  	v18 =	vld [tilespmem:s16+$0xF0]  }
0x13a: {  	v19 =	vld [tilespmem:s16+$0x120]  }
0x13b: {  	v7 =	vld [tilespmem:s16+$0x140]  }
0x13c: {  	v20 =	vld [tilespmem:s16+$0xE0]  }
0x13d: {  	v21 =	vld [tilespmem:s16+$0x100]  }
0x13e: {  	v22 =	vld [tilespmem:s16+$0x110]  }
0x13f: {  	v23 =	vld [tilespmem:s16+$0x70]  }
0x140: {  	v24 =	vld [tilespmem:s16+$0xC0]  }
0x141: {  	v25 =	vld [tilespmem:s16+$0xD0]  }
0x142: {  	v26 =	vld [tilespmem:s16+$0x30]  }
0x143: {  	v27 =	vld [tilespmem:s16+$0x60]  }
0x144: {  	v13 =	vmul.f32 v13, v4;
	v14 =	vmul.f32 v14, v5;
	v8 =	vld [tilespmem:s16+$0x80]  }
0x145: {  	v28 =	vld [tilespmem:s16+$0x20]  }
0x146: {  	v11 =	vmul.f32 v11, v3;
	v13 =	vadd.f32 v14, v13;
	v29 =	vld [tilespmem:s16+$0x40]  }
0x147: {  	v16 =	vmul.f32 v16, v4;
	v17 =	vmul.f32 v17, v5;
	v14 =	vld [tilespmem:s16+$0x50]  }
0x148: {  	v9 =	vmul.f32 v9, v2;
	v11 =	vadd.f32 v11, v13;
	v30 =	vld [tilespmem:s16+$0xFFFFFFB0]  }
0x149: {  	v12 =	vmul.f32 v12, v3;
	v16 =	vadd.f32 v17, v16;
	v13 =	vld [tilespmem:s16+$0x0]  }
0x14a: {  	v9 =	vadd.f32 v9, v11;
	v21 =	vmul.f32 v21, v4;
	v22 =	vmul.f32 v22, v5;
	v17 =	vld [tilespmem:s16+$0x10]  }
0x14b: {  	v10 =	vmul.f32 v10, v2;
	v11 =	vadd.f32 v12, v16;
	v31 =	vld [tilespmem:s16+$0xFFFFFF70]  }
0x14c: {  	v19 =	vmul.f32 v19, v3;
	v21 =	vadd.f32 v22, v21;
	v16 =	vld [tilespmem:s16+$0xFFFFFFA0];
	(xrf2) =	vadd.scan.msk.f32 $0xffff, v9  }
0x14d: {  	v10 =	vadd.f32 v10, v11;
	v22 =	vmul.f32 v25, v5;
	v9 =	vmul.f32 v24, v4;
	v12 =	vld [tilespmem:s16+$0xFFFFFFC0]  }
0x14e: {  	v15 =	vmul.f32 v15, v2;
	v19 =	vadd.f32 v19, v21;
	v11 =	vld [tilespmem:s16+$0xFFFFFF60]  }
0x14f: {  	v20 =	vmul.f32 v20, v3;
	v9 =	vadd.f32 v22, v9;
	v21 =	vld [tilespmem:s16+$0xFFFFFF80];
	(xrf2) =	vadd.scan.msk.f32 $0xffff, v10  }
0x150: {  	v15 =	vadd.f32 v15, v19;
	v14 =	vmul.f32 v14, v5;
	v22 =	vmul.f32 v29, v4;
	v10 =	vld [tilespmem:s16+$0xFFFFFF90]  }
0x151: {  	v18 =	vmul.f32 v18, v2;
	v9 =	vadd.f32 v20, v9;
	v29 =	vld [tilespmem:s16+$0xFFFFFEF0]  }
0x152: {  	v20 =	vadd.f32 v14, v22;
	v22 =	vmul.f32 v27, v3;
	v19 =	vld [tilespmem:s16+$0xFFFFFF40];
	(xrf2) =	vadd.scan.msk.f32 $0xffff, v15  }
0x153: {  	v13 =	vmul.f32 v13, v4;
	v15 =	vmul.f32 v17, v5;
	v25 =	vadd.f32 v18, v9;
	v24 =	vld [tilespmem:s16+$0xFFFFFF50]  }
0x154: {  	v17 =	vadd.f32 v22, v20;
	v18 =	vmul.f32 v23, v2;
	v14 =	vld [tilespmem:s16+$0xFFFFFEB0]  }
0x155: {  	v13 =	vadd.f32 v15, v13;
	v15 =	vmul.f32 v28, v3;
	v20 =	vld [tilespmem:s16+$0xFFFFFEE0];
	(xrf2) =	vadd.scan.msk.f32 $0xffff, v25  }
0x156: {  	v21 =	vmul.f32 v21, v4;
	v17 =	vadd.f32 v18, v17;
	v27 =	vmul.f32 v10, v5;
	v22 =	vld [tilespmem:s16+$0xFFFFFEC0];
	v9, _, _ =	vpop (xrf2)  }
0x157: {  	v23 =	vmul.f32 v26, v2;
	v13 =	vadd.f32 v15, v13;
	v18 =	vld [tilespmem:s16+$0xFFFFFED0]  }
0x158: {  	v16 =	vmul.f32 v16, v3;
	v21 =	vadd.f32 v27, v21;
	v15 =	vld [tilespmem:s16+$0xFFFFFF00];
	(xrf2) =	vadd.scan.msk.f32 $0xffff, v17  }
0x159: {  	v17 =	vmul.f32 v19, v4;
	v19 =	vmul.f32 v24, v5;
	v13 =	vadd.f32 v23, v13;
	v25 =	vld [tilespmem:s16+$0xFFFFFE80];
	v10, _, _ =	vpop (xrf2)  }
0x15a: {  	v23 =	vmul.f32 v30, v2;
	v21 =	vadd.f32 v16, v21;
	v24 =	vld [tilespmem:s16+$0xFFFFFE90]  }
0x15b: {  	v27 =	vmul.f32 v11, v3;
	v26 =	vadd.f32 v19, v17;
	v16 =	vld [tilespmem:s16+$0xFFFFFEA0];
	(xrf2) =	vadd.scan.msk.f32 $0xffff, v13  }
.Ltmp4:
0x15c: {  	v32 =	vmul.f32 v22, v4;
	v21 =	vadd.f32 v23, v21;
	v17 =	vld [tilespmem:s16+$0xFFFFFE00];
	v22 =	vmul.f32 v18, v5;
	v11, _, _ =	vpop (xrf2);
	(pc) =	sbr.rel @p0 .LBB2_3-.Ltmp4, $4  }
0x15d: {  	v26 =	vadd.f32 v27, v26;
	v27 =	vmul.f32 v31, v2;
	v19 =	vld [tilespmem:s16+$0xFFFFFE10]  }
0x15e: {  	v30 =	vmul.f32 v20, v3;
	v18 =	vld [tilespmem:s16+$0xFFFFFE20];
	v28 =	vadd.f32 v22, v32;
	(xrf2) =	vadd.scan.msk.f32 $0xffff, v21  }
0x15f: {  	v23 =	vmul.f32 v25, v4;
	v21 =	vadd.f32 v27, v26;
	v20 =	vld [tilespmem:s16+$0xFFFFFE40];
	v24 =	vmul.f32 v24, v5;
	v13, _, _ =	vpop (xrf2)  }
0x160: {  	s18 =	sadd.s32 $0x40, s18;
	v26 =	vmul.f32 v29, v2;
	v22 =	vld [tilespmem:s16+$0xFFFFFE50];
	v25 =	vadd.f32 v30, v28  }
0x161: {  	v27 =	vld [tilespmem:s16+$0xFFFFFE30]  }
0x162: {  	v28 =	vld [tilespmem:s16+$0xFFFFFE60];
	v16 =	vmul.f32 v16, v3  }
0x163: {  	v58 =	vld [tilespmem:s16+$0xFFFFFF10];
	v17 =	vmul.f32 v17, v4;
	v14 =	vmul.f32 v14, v2  }
0x164: {  	v59 =	vld [tilespmem:s16+$0xFFFFFE70];
	v15 =	vmul.f32 v15, v4;
	v19 =	vmul.f32 v19, v5  }
0x165: {  	v23 =	vadd.f32 v24, v23;
	v60 =	vld [tilespmem:s16+$0xFFFFFF20];
	v20 =	vmul.f32 v20, v4;
	v22 =	vmul.f32 v22, v5  }
0x166: {  	v61 =	vld [tilespmem:s16+$0xFFFFFFD0];
	v25 =	vadd.f32 v26, v25;
	v18 =	vmul.f32 v18, v3;
	v17 =	vadd.f32 v19, v17  }
0x167: {  	v63 =	vld [tilespmem:s16+$0xFFFFFF30];
	v16 =	vadd.f32 v16, v23;
	v62 =	vmul.f32 v28, v3;
	v20 =	vadd.f32 v22, v20  }
0x168: {  	v32 =	vld [tilespmem:s16+$0xFFFFFFE0];
	v27 =	vmul.f32 v27, v2;
	v17 =	vadd.f32 v18, v17;
	v31 =	vmul.f32 v58, v5  }
0x169: {  	(xrf2) =	vadd.scan.msk.f32 $0xffff, v21;
	v35 =	vld [tilespmem:s16+$0x90];
	v14 =	vadd.f32 v14, v16;
	v34 =	vmul.f32 v59, v2;
	v33 =	vadd.f32 v62, v20  }
0x16a: {  	v37 =	vld [tilespmem:s16+$0xFFFFFFF0];
	(xrf2) =	vadd.scan.msk.f32 $0xffff, v25;
	v36 =	vmul.f32 v60, v3;
	v17 =	vadd.f32 v27, v17;
	v15 =	vadd.f32 v31, v15  }
0x16b: {  	v12 =	vmul.f32 v12, v4;
	v40 =	vld [tilespmem:s16+$0xA0];
	v39 =	vmul.f32 v61, v5;
	(xrf2) =	vadd.scan.msk.f32 $0xffff, v14;
	v38 =	vadd.f32 v34, v33  }
0x16c: {  	v42 =	vld [tilespmem:s16+$0x150];
	v41 =	vmul.f32 v63, v2;
	(xrf2) =	vadd.scan.msk.f32 $0xffff, v17;
	v15 =	vadd.f32 v36, v15  }
0x16d: {  	v44 =	vld [tilespmem:s16+$0xB0];
	v43 =	vmul.f32 v32, v3;
	v12 =	vadd.f32 v39, v12;
	(xrf2) =	vadd.scan.msk.f32 $0xffff, v38  }
0x16e: {  	v8 =	vmul.f32 v8, v4;
	v47 =	vld [tilespmem:s16+$0x160];
	v46 =	vmul.f32 v35, v5;
	v45 =	vadd.f32 v41, v15  }
0x16f: {  	v48 =	vmul.f32 v37, v2;
	v12 =	vadd.f32 v43, v12  }
0x170: {  	v51 =	vld [tilespmem:s16+$0x170];
	v49, _, _ =	vpop (xrf2);
	v50 =	vmul.f32 v40, v3;
	v8 =	vadd.f32 v46, v8;
	(xrf2) =	vadd.scan.msk.f32 $0xffff, v45  }
0x171: {  	v7 =	vmul.f32 v7, v4;
	v52, _, _ =	vpop (xrf2);
	v53 =	vmul.f32 v42, v5;
	v12 =	vadd.f32 v48, v12  }
0x172: {  	v55 =	vmul.f32 v44, v2;
	v54, _, _ =	vpop (xrf2);
	v8 =	vadd.f32 v50, v8  }
0x173: {  	v57 =	vmul.f32 v47, v3;
	v7 =	vadd.f32 v53, v7;
	v56, _, _ =	vpop (xrf2);
	(xrf2) =	vadd.scan.msk.f32 $0xffff, v12  }
0x174: {  	v8 =	vadd.f32 v55, v8;
	v58, _, _ =	vpop (xrf2)  }
0x175: {  	v60 =	vmul.f32 v51, v2;
	v7 =	vadd.f32 v57, v7;
	v59, _, _ =	vpop (xrf2)  }
0x176: {  	v61, _, _ =	vpop (xrf2);
	(xrf2) =	vadd.scan.msk.f32 $0xffff, v8  }
0x177: {  	v7 =	vadd.f32 v60, v7;
	v62, _, _ =	vpop (xrf2)  }
0x178: {  	v63 =	vperm.xlane v61, v1;
	v8 =	vperm.xlane v62, v1  }
0x179: {  	v15 =	vperm.xlane v59, v1;
	(xrf2) =	vadd.scan.msk.f32 $0xffff, v7  }
0x17a: {  	v22 =	vperm.xlane v58, v1;
	v23, _, _ =	vpop (xrf2);
	v19 =	vsel vm7, v63, v8  }
0x17b: {  	v12 =	vperm.xlane v23, v1;
	v7 =	vsel vm8, v19, v15  }
0x17c: {  	v24 =	vperm.xlane v56, v1;
	v7 =	vsel vm9, v7, v22  }
0x17d: {  	v25 =	vperm.xlane v54, v1;
	v26, _, _ =	vpop (xrf2);
	v7 =	vsel vm10, v7, v12  }
0x17e: {  	v27 =	vperm.xlane v26, v1;
	v7 =	vsel vm11, v7, v24  }
0x17f: {  	v28 =	vperm.xlane v52, v1;
	v7 =	vsel vm12, v7, v25  }
0x180: {  	v29 =	vperm.xlane v49, v1;
	v30, _, _ =	vpop (xrf2);
	v7 =	vsel vm13, v7, v27  }
0x181: {  	v31 =	vperm.xlane v30, v1;
	v7 =	vsel vm14, v7, v28  }
0x182: {  	v32 =	vperm.xlane v13, v1;
	v7 =	vsel vm15, v7, v29  }
0x183: {  	v11 =	vperm.xlane v11, v1;
	v33, _, _ =	vpop (xrf2);
	v7 =	vsel vm0, v7, v31  }
0x184: {  	v34 =	vperm.xlane v33, v1;
	v7 =	vsel vm1, v7, v32  }
0x185: {  	v10 =	vperm.xlane v10, v1;
	v7 =	vsel vm2, v7, v11  }
0x186: {  	v35 =	vperm.xlane v9, v1;
	v7 =	vsel vm3, v7, v34  }
0x187: {  	v7 =	vsel vm4, v7, v10  }
0x188: {  	s19 =	sshra.s32 s17, $0x2;
	v7 =	vsel vm5, v7, v35  }
0x189: {  	[tilespmem:v6+s19+$0x0 ss:$0x1] =	vst.idx.msk $0xffff, v7  }
0x18a: {  	v6 =	vld [tilespmem:s12+$0xB740]  }
0x18b: {  	v7 =	vld [tilespmem:s12+$0xB750]  }
0x18c: {  	v36 =	vld [tilespmem:s12+$0xB760]  }
0x18d: {  	v37 =	vld [tilespmem:s12+$0xB770]  }
0x18e: {  	v38 =	vld [tilespmem:s12+$0xB780]  }
0x18f: {  	v39 =	vld [tilespmem:s12+$0xB790]  }
0x190: {  	v40 =	vld [tilespmem:s12+$0xB7A0]  }
0x191: {  	v41 =	vld [tilespmem:s12+$0xB7B0]  }
0x192: {  	v42 =	vld [tilespmem:s12+$0xB7C0]  }
0x193: {  	v43 =	vld [tilespmem:s12+$0xB7D0]  }
0x194: {  	v44 =	vld [tilespmem:s12+$0xB7E0]  }
0x195: {  	v45 =	vld [tilespmem:s12+$0xB7F0]  }
0x196: {  	v46 =	vld [tilespmem:s12+$0xB800]  }
0x197: {  	v47 =	vld [tilespmem:s12+$0xB810]  }
0x198: {  	v48 =	vld [tilespmem:s12+$0xB820]  }
0x199: {  	v49 =	vld [tilespmem:s12+$0xB830];
	v6 =	vmul.f32 v6, v4  }
0x19a: {  	v50 =	vld [tilespmem:s12+$0xB840];
	v7 =	vmul.f32 v7, v5;
	v10 =	vmul.f32 v38, v4  }
0x19b: {  	v51 =	vld [tilespmem:s12+$0xB850];
	v11 =	vmul.f32 v39, v5;
	v54 =	vmul.f32 v36, v3  }
0x19c: {  	v52 =	vld [tilespmem:s12+$0xB860];
	v9 =	vmul.f32 v37, v2;
	v56 =	vmul.f32 v40, v3  }
0x19d: {  	v55 =	vld [tilespmem:s12+$0xB880];
	v58 =	vmul.f32 v42, v4;
	v59 =	vmul.f32 v43, v5  }
0x19e: {  	v57 =	vld [tilespmem:s12+$0xB890];
	v61 =	vmul.f32 v46, v4;
	v62 =	vmul.f32 v47, v5  }
0x19f: {  	v27 =	vld [tilespmem:s12+$0xB8C0];
	v13 =	vmul.f32 v41, v2;
	v26 =	vmul.f32 v44, v3  }
0x1a0: {  	v30 =	vld [tilespmem:s12+$0xB8D0];
	v29 =	vmul.f32 v48, v3;
	v31 =	vmul.f32 v45, v2  }
0x1a1: {  	v53 =	vld [tilespmem:s12+$0xB870];
	v33 =	vmul.f32 v49, v2;
	v34 =	vmul.f32 v50, v4  }
0x1a2: {  	v32 =	vld [tilespmem:s12+$0xB900];
	v36 =	vmul.f32 v51, v5;
	v37 =	vmul.f32 v52, v3  }
0x1a3: {  	v35 =	vld [tilespmem:s12+$0xB910];
	v8 =	vmul.f32 v55, v4;
	v39 =	vmul.f32 v57, v5  }
0x1a4: {  	v60 =	vld [tilespmem:s12+$0xB8A0];
	v43 =	vmul.f32 v27, v4;
	v6 =	vadd.f32 v7, v6;
	v10 =	vadd.f32 v11, v10  }
0x1a5: {  	v63 =	vld [tilespmem:s12+$0xB8B0];
	v44 =	vmul.f32 v30, v5;
	v7 =	vadd.f32 v59, v58;
	v28 =	vadd.f32 v62, v61  }
0x1a6: {  	v38 =	vld [tilespmem:s12+$0xB8E0];
	v41 =	vmul.f32 v53, v2;
	v8 =	vadd.f32 v39, v8;
	v6 =	vadd.f32 v54, v6  }
0x1a7: {  	v40 =	vld [tilespmem:s12+$0xB920];
	v46 =	vmul.f32 v32, v4;
	v49 =	vadd.f32 v44, v43;
	v10 =	vadd.f32 v56, v10  }
0x1a8: {  	v42 =	vld [tilespmem:s12+$0xB8F0];
	v47 =	vmul.f32 v35, v5;
	v7 =	vadd.f32 v26, v7;
	v6 =	vadd.f32 v9, v6  }
0x1a9: {  	v15 =	vmul.f32 v60, v3;
	v45 =	vld [tilespmem:s12+$0xB930];
	v10 =	vadd.f32 v13, v10;
	v13 =	vadd.f32 v36, v34  }
0x1aa: {  	v51 =	vmul.f32 v63, v2;
	v4 =	vadd.f32 v47, v46;
	v9 =	vadd.f32 v29, v28  }
0x1ab: {  	v50 =	vmul.f32 v38, v3;
	v7 =	vadd.f32 v31, v7;
	v13 =	vadd.f32 v37, v13;
	(xrf2) =	vadd.scan.msk.f32 $0xffff, v6  }
0x1ac: {  	v48 =	vadd.f32 v15, v8;
	v3 =	vmul.f32 v40, v3;
	v9 =	vadd.f32 v33, v9;
	(xrf2) =	vadd.scan.msk.f32 $0xffff, v10  }
0x1ad: {  	v54 =	vmul.f32 v42, v2;
	v53 =	vadd.f32 v50, v49;
	(xrf2) =	vadd.scan.msk.f32 $0xffff, v7;
	v52 =	vadd.f32 v41, v13  }
0x1ae: {  	v2 =	vmul.f32 v45, v2;
	v3 =	vadd.f32 v3, v4;
	v6 =	vadd.f32 v51, v48;
	(xrf2) =	vadd.scan.msk.f32 $0xffff, v9  }
0x1af: {  	v55 =	vadd.f32 v54, v53;
	(xrf2) =	vadd.scan.msk.f32 $0xffff, v52  }
0x1b0: {  	v2 =	vadd.f32 v2, v3;
	(xrf2) =	vadd.scan.msk.f32 $0xffff, v6  }
0x1b1: {  	(xrf2) =	vadd.scan.msk.f32 $0xffff, v55  }
0x1b2: {  	(xrf2) =	vadd.scan.msk.f32 $0xffff, v2;
	_ =	sdelay $0x2  }
0x1b3: {  	v2, _, _ =	vpop (xrf2)  }
0x1b4: {  	v3, _, _ =	vpop (xrf2);
	v2 =	vperm.xlane v2, v1  }
0x1b5: {  	v56, _, _ =	vpop (xrf2);
	v3 =	vperm.xlane v3, v1  }
0x1b6: {  	vm0 =	vcmask $0x320;
	v2 =	vnsel vm7, $0x0, v2;
	v57, _, _ =	vpop (xrf2);
	v4 =	vperm.xlane v56, v1  }
0x1b7: {  	v2 =	vsel vm0, v2, v3;
	v3 =	vperm.xlane v57, v1;
	v58, _, _ =	vpop (xrf2);
	vm0 =	vcmask $0x720  }
0x1b8: {  	v2 =	vsel vm0, v2, v4;
	v59 =	vperm.xlane v58, v1;
	v60, _, _ =	vpop (xrf2);
	vm0 =	vcmask $0xB20  }
0x1b9: {  	p0 =	sgt.u32 s10, $0x7B;
	v2 =	vsel vm0, v2, v3;
	v3 =	vperm.xlane v60, v1;
	v61, _, _ =	vpop (xrf2);
	vm0 =	vcmask $0xF20  }
.Ltmp5:
0x1ba: {  	v2 =	vsel vm0, v2, v59;
	v62 =	vperm.xlane v61, v1;
	v63, _, _ =	vpop (xrf2);
	vm0 =	vcmask $0x1320;
	(pc) =	sbr.rel @p0 .LBB2_6-.Ltmp5, $4  }
0x1bb: {  	v2 =	vsel vm0, v2, v3;
	v3 =	vperm.xlane v63, v1;
	vm0 =	vcmask $0x1720  }
0x1bc: {  	s15 =	smul.u32 $0xD0, s15;
	v2 =	vsel vm0, v2, v62  }
0x1bd: {  	v2 =	vsel vm6, v2, v3  }
0x1be: {  	[tilespmem:s15+$0x15000] =	vst v2  }
0x1bf: {  	s16 =	smul.u32 $0x320, s10;
	_ =	sdelay $0x1  }
0x1c0: {  	s16 =	sshra.s32 s16, $0x2  }
0x1c1: {  	v2 =	vld [tilespmem:s16+$0x2320];
	_ =	sdelay $0x4  }
0x1c2: {  	v3 =	vand.u32 $0x7F, v2  }
0x1c3: {  	vm0 =	vgt.u32 v3, $0x3F  }
0x1c4: {  	v2 =	vadd.s32 v2, v3;
	v3 =	vsel vm0, $0xFFFFFF81, v0  }
0x1c5: {  	v2 =	vadd.s32 v3, v2  }
0x1c6: {  	[tilespmem:s15+$0x8400] =	vst v2  }
0x1c7: {  	v2 =	vld [tilespmem:s16+$0x2330];
	_ =	sdelay $0x4  }
0x1c8: {  	v3 =	vand.u32 $0x7F, v2  }
0x1c9: {  	vm0 =	vgt.u32 v3, $0x3F  }
0x1ca: {  	v2 =	vadd.s32 v2, v3;
	v3 =	vsel vm0, $0xFFFFFF81, v0  }
0x1cb: {  	v2 =	vadd.s32 v3, v2  }
0x1cc: {  	[tilespmem:s15+$0x8410] =	vst v2  }
0x1cd: {  	v2 =	vld [tilespmem:s16+$0x2340];
	_ =	sdelay $0x4  }
0x1ce: {  	v3 =	vand.u32 $0x7F, v2  }
0x1cf: {  	vm0 =	vgt.u32 v3, $0x3F  }
0x1d0: {  	v2 =	vadd.s32 v2, v3;
	v3 =	vsel vm0, $0xFFFFFF81, v0  }
0x1d1: {  	v2 =	vadd.s32 v3, v2  }
0x1d2: {  	[tilespmem:s15+$0x8420] =	vst v2  }
0x1d3: {  	v2 =	vld [tilespmem:s16+$0x2350];
	_ =	sdelay $0x4  }
0x1d4: {  	v3 =	vand.u32 $0x7F, v2  }
0x1d5: {  	vm0 =	vgt.u32 v3, $0x3F  }
0x1d6: {  	v2 =	vadd.s32 v2, v3;
	v3 =	vsel vm0, $0xFFFFFF81, v0  }
0x1d7: {  	v2 =	vadd.s32 v3, v2  }
0x1d8: {  	[tilespmem:s15+$0x8430] =	vst v2  }
0x1d9: {  	v2 =	vld [tilespmem:s16+$0x2360];
	_ =	sdelay $0x4  }
0x1da: {  	v3 =	vand.u32 $0x7F, v2  }
0x1db: {  	vm0 =	vgt.u32 v3, $0x3F  }
0x1dc: {  	v2 =	vadd.s32 v2, v3;
	v3 =	vsel vm0, $0xFFFFFF81, v0  }
0x1dd: {  	v2 =	vadd.s32 v3, v2  }
0x1de: {  	[tilespmem:s15+$0x8440] =	vst v2  }
0x1df: {  	v2 =	vld [tilespmem:s16+$0x2370];
	_ =	sdelay $0x4  }
0x1e0: {  	v3 =	vand.u32 $0x7F, v2  }
0x1e1: {  	vm0 =	vgt.u32 v3, $0x3F  }
0x1e2: {  	v2 =	vadd.s32 v2, v3;
	v3 =	vsel vm0, $0xFFFFFF81, v0  }
0x1e3: {  	v2 =	vadd.s32 v3, v2  }
0x1e4: {  	[tilespmem:s15+$0x8450] =	vst v2  }
0x1e5: {  	v2 =	vld [tilespmem:s16+$0x2380];
	_ =	sdelay $0x4  }
0x1e6: {  	v3 =	vand.u32 $0x7F, v2  }
0x1e7: {  	vm0 =	vgt.u32 v3, $0x3F  }
0x1e8: {  	v2 =	vadd.s32 v2, v3;
	v3 =	vsel vm0, $0xFFFFFF81, v0  }
0x1e9: {  	v2 =	vadd.s32 v3, v2  }
0x1ea: {  	[tilespmem:s15+$0x8460] =	vst v2  }
0x1eb: {  	v2 =	vld [tilespmem:s16+$0x2390];
	_ =	sdelay $0x4  }
0x1ec: {  	v3 =	vand.u32 $0x7F, v2  }
0x1ed: {  	vm0 =	vgt.u32 v3, $0x3F  }
0x1ee: {  	v2 =	vadd.s32 v2, v3;
	v3 =	vsel vm0, $0xFFFFFF81, v0  }
0x1ef: {  	v2 =	vadd.s32 v3, v2  }
0x1f0: {  	[tilespmem:s15+$0x8470] =	vst v2  }
0x1f1: {  	v2 =	vld [tilespmem:s16+$0x23A0];
	_ =	sdelay $0x4  }
0x1f2: {  	v3 =	vand.u32 $0x7F, v2  }
0x1f3: {  	vm0 =	vgt.u32 v3, $0x3F  }
0x1f4: {  	v2 =	vadd.s32 v2, v3;
	v3 =	vsel vm0, $0xFFFFFF81, v0  }
0x1f5: {  	v2 =	vadd.s32 v3, v2  }
0x1f6: {  	[tilespmem:s15+$0x8480] =	vst v2  }
0x1f7: {  	v2 =	vld [tilespmem:s16+$0x23B0];
	_ =	sdelay $0x4  }
0x1f8: {  	v3 =	vand.u32 $0x7F, v2  }
0x1f9: {  	vm0 =	vgt.u32 v3, $0x3F  }
0x1fa: {  	v2 =	vadd.s32 v2, v3;
	v3 =	vsel vm0, $0xFFFFFF81, v0  }
0x1fb: {  	v2 =	vadd.s32 v3, v2  }
0x1fc: {  	[tilespmem:s15+$0x8490] =	vst v2  }
0x1fd: {  	v2 =	vld [tilespmem:s16+$0x23C0];
	_ =	sdelay $0x4  }
0x1fe: {  	v3 =	vand.u32 $0x7F, v2  }
0x1ff: {  	vm0 =	vgt.u32 v3, $0x3F  }
0x200: {  	v2 =	vadd.s32 v2, v3;
	v3 =	vsel vm0, $0xFFFFFF81, v0  }
0x201: {  	v2 =	vadd.s32 v3, v2  }
0x202: {  	[tilespmem:s15+$0x84A0] =	vst v2  }
0x203: {  	v2 =	vld [tilespmem:s16+$0x23D0];
	_ =	sdelay $0x4  }
0x204: {  	v3 =	vand.u32 $0x7F, v2  }
0x205: {  	vm0 =	vgt.u32 v3, $0x3F  }
0x206: {  	v2 =	vadd.s32 v2, v3;
	v3 =	vsel vm0, $0xFFFFFF81, v0  }
0x207: {  	v2 =	vadd.s32 v3, v2  }
0x208: {  	[tilespmem:s15+$0x84B0] =	vst v2  }
0x209: {  	v2 =	vld [tilespmem:s16+$0x23D8];
	_ =	sdelay $0x4  }
0x20a: {  	v3 =	vand.u32 $0x7F, v2  }
0x20b: {  	vm0 =	vgt.u32 v3, $0x3F  }
0x20c: {  	v2 =	vadd.s32 v2, v3;
	v3 =	vsel vm0, $0xFFFFFF81, v0  }
.Ltmp6:
0x20d: {  	v2 =	vadd.s32 v3, v2;
	(pc) =	sbr.rel .LBB2_6-.Ltmp6, $4  }
0x20e: {  	s18 =	sor.u32 $0x8400, s15;
	[tilespmem:s15+$0x84B8] =	vst v2  }
0x20f: {  	[tilespmem:s13], [sflag:$0x1] =	stream.indirect.gather [hbm4b:s4+s11], $0x40, s18, s11, $0xb8;
	[tilespmem:$0x15280] =	vst v63  }
0x210: {  	s19 =	sadd.s32 $0x8480, s15;
	s12 =	sadd.s32 $0xA740, s12  }
0x211: {  	[tilespmem:s12], [sflag:$0x1] =	stream.indirect.gather [hbm4b:s4+s14], $0x40, s19, s14, $0xb8;
	[tilespmem:$0x15280] =	vst v63  }
.LBB2_8:
0x212: {  	_ =	sfence.sel $0x180000  }
0x213: {  	[bflag:$0x0] =	sbarrier.arrive $0xFFFF  }
0x214: {  	_ =	strace $0x90000047  }
0x215: {  	s0 =	stileid.u32;
	[bflag:$0x2] =	sbarrier.arrive $0xFFFF  }
0x216: {  	p0 =	sne.s32 s0, $0x0;
	s0 =	rddreg [dreg:$0x2]  }
0x217: {  	s0 =	sadd.s32 @!p0 $0x100000, s0  }
0x218: {  	[sflag:s0] =	ssyncadd.tile.s32 @!p0 $0x1;
	_ =	shalt  }
.Lfunc_end2:
_tile_overlayer_lowered:
.L_overlay_start_2:
0x219: {  	(tag) =	ssettag $0x2  }
0x21a: {  	s0 =	rddreg [dreg:$0x0];
	s2 =	stileid.u32  }
0x21b: {  	s1 =	rddreg [dreg:$0x1];
	p0 =	sne.s32 s2, $0x0  }
0x21c: {  	s3 =	rddreg [dreg:$0x2];
	[bflag:$0x3] =	sbarrier.arrive $0xFFFF;
	s2 =	simm.s32 @!p0 $0x1C03  }
0x21d: {  	[timem:s3], [sflag:s2] =	dma.local @!p0 [hbm:s0], s1  }
0x21e: {  	s0 =	simm.s32 @!p0 $0x3  }
0x21f: {  	_ =	swait.ge @!p0 [sflag:s0], s1  }
0x220: {  	s1 =	ssub.s32 @!p0 $0x0, s1;
	[sflag:s0] =	ssyncset.done @!p0 $0x0  }
0x221: {  	[sflag:s0] =	ssyncadd.s32 @!p0 s1  }
0x222: {  	[bflag:$0x3] =	sbarrier.arrive $0xFFFF  }
0x223: {  	_ =	shalt  }

</sc_bundles>
